<compile_context>
chip_gen: v7x
topology: tpu7x:2x2x1
jax: 0.10.2.dev20260603
libtpu: 0.0.44.dev20260713+nightly
codegen_flags: <defaults>
</compile_context>

<pallas_src>
import functools

import jax
import jax.numpy as jnp
from jax import lax
from jax.experimental import pallas as pl
from jax.experimental.pallas import tpu as pltpu
from jax.experimental.pallas import tpu_sc as plsc

_GATHER_WINDOW = 128


_NUM_SC_WORKERS = 32


def _sc_gather(emb2d, flat_idx, start, count):
    d = emb2d.shape[1]
    w = _GATHER_WINDOW
    nbuf = 4
    n = count // (w * _NUM_SC_WORKERS)
    assert n * w * _NUM_SC_WORKERS == count and n >= nbuf
    mesh = plsc.VectorSubcoreMesh(core_axis_name="core", subcore_axis_name="subcore")

    @functools.partial(
        pl.kernel,
        out_type=jax.ShapeDtypeStruct((count, d), emb2d.dtype),
        mesh=mesh,
        scratch_types=[
            pltpu.VMEM((n * w,), jnp.int32),
        ]
        + [pltpu.VMEM((w, d), emb2d.dtype) for _ in range(nbuf)]
        + [pltpu.SemaphoreType.DMA for _ in range(2 * nbuf)],
    )
    def gather_kernel(x_hbm, i_hbm, o_hbm, idx_v, *bufs_sems):
        bufs = bufs_sems[:nbuf]
        gsems = bufs_sems[nbuf:2 * nbuf]
        wsems = bufs_sems[2 * nbuf:]
        wid = lax.axis_index("subcore") * 2 + lax.axis_index("core")
        row0 = wid * n * w
        pltpu.sync_copy(i_hbm.at[pl.ds(start + row0, n * w)], idx_v)

        def start_gather(win, j):
            pltpu.async_copy(
                x_hbm.at[idx_v.at[pl.ds(win * w, w)]], bufs[j], gsems[j]
            )

        def wait_gather(j):
            pltpu.make_async_copy(
                x_hbm.at[idx_v.at[pl.ds(0, w)]], bufs[j], gsems[j]
            ).wait()

        def start_write(win, j):
            pltpu.async_copy(
                bufs[j], o_hbm.at[pl.ds(row0 + win * w, w), :], wsems[j]
            )

        def wait_write(j):
            pltpu.make_async_copy(
                bufs[j], o_hbm.at[pl.ds(row0, w), :], wsems[j]
            ).wait()

        for win in range(nbuf):
            start_gather(win, win)
        for win in range(n):
            j = win % nbuf
            wait_gather(j)
            start_write(win, j)
            nxt = win + nbuf
            if nxt < n:
                wait_write(j)
                start_gather(nxt, j)
        for win in range(max(0, n - nbuf), n):
            wait_write(win % nbuf)

    return gather_kernel(emb2d, flat_idx)


def _decode_body(rb, k, cand_ref, w1_ref, b1_ref, w2_ref, b2_ref, w3_ref,
                 b3_ref, mask_ref, gum_ref, logp_ref, act_ref):
    x = cand_ref[...]
    h = jnp.tanh(jnp.dot(x, w1_ref[...]) + b1_ref[...])
    h = jnp.tanh(jnp.dot(h, w2_ref[...]) + b2_ref[...])
    logits = jnp.dot(h, w3_ref[...]) + b3_ref[...]
    logits = logits.reshape(rb, k)
    mask = mask_ref[...]
    neg_inf = jnp.float32(-jnp.inf)
    logits = jnp.where(mask, logits, neg_inf)
    xm = jnp.max(logits, axis=1, keepdims=True)
    shifted = logits - xm
    lse = jnp.log(jnp.sum(jnp.exp(shifted), axis=1, keepdims=True))
    logp = shifted - lse
    logp_ref[...] = logp
    gumbel = -jnp.log(-jnp.log(gum_ref[...]))
    keys = jnp.where(mask, logp + gumbel, neg_inf)
    km = jnp.max(keys, axis=1, keepdims=True)
    iota = lax.broadcasted_iota(jnp.int32, (rb, k), 1)
    first_max = jnp.min(jnp.where(keys == km, iota, k), axis=1, keepdims=True)
    act_ref[...] = jnp.broadcast_to(first_max, act_ref.shape)


def _tc_decode(cand2d, W1, b1, W2, b2, W3, b3, action_mask, gumbel_u,
               rb, row0, rows):
    k = action_mask.shape[1]
    d = cand2d.shape[1]
    grid = (rows // rb,)
    blk0 = row0 // rb
    body = functools.partial(_decode_body, rb, k)
    return pl.pallas_call(
        body,
        grid=grid,
        in_specs=[
            pl.BlockSpec((rb * k, d), lambda i: (i, 0)),
            pl.BlockSpec((d, d), lambda i: (0, 0)),
            pl.BlockSpec((1, d), lambda i: (0, 0)),
            pl.BlockSpec((d, d), lambda i: (0, 0)),
            pl.BlockSpec((1, d), lambda i: (0, 0)),
            pl.BlockSpec((d, 1), lambda i: (0, 0)),
            pl.BlockSpec((1, 1), lambda i: (0, 0)),
            pl.BlockSpec((rb, k), lambda i: (i + blk0, 0)),
            pl.BlockSpec((rb, k), lambda i: (i + blk0, 0)),
        ],
        out_specs=[
            pl.BlockSpec((rb, k), lambda i: (i, 0)),
            pl.BlockSpec((rb, 128), lambda i: (i, 0)),
        ],
        out_shape=[
            jax.ShapeDtypeStruct((rows, k), jnp.float32),
            jax.ShapeDtypeStruct((rows, 128), jnp.int32),
        ],
        compiler_params=pltpu.CompilerParams(
            dimension_semantics=("parallel",),
        ),
    )(cand2d, W1, b1.reshape(1, d), W2, b2.reshape(1, d), W3,
      b3.reshape(1, 1), action_mask, gumbel_u)


def kernel(embeddings, gumbel_u, W1, b1, W2, b2, W3, b3, next_op, action_mask):
    b, n, d = embeddings.shape
    k = next_op.shape[1]
    emb2d = embeddings.reshape(b * n, d)
    flat_idx = (
        next_op.astype(jnp.int32)
        + (jnp.arange(b, dtype=jnp.int32) * n)[:, None]
    ).reshape(b * k)
    chunk_rows = (32, 32, 32, 32)
    logps, acts = [], []
    row0 = 0
    for rows in chunk_rows:
        cand_c = _sc_gather(emb2d, flat_idx, row0 * k, rows * k)
        lp, ac = _tc_decode(
            cand_c, W1, b1, W2, b2, W3, b3,
            action_mask, gumbel_u, rb=16, row0=row0, rows=rows,
        )
        logps.append(lp)
        acts.append(ac)
        row0 += rows
    log_p = jnp.zeros((b, k), jnp.float32)
    row0 = 0
    for rows, lp in zip(chunk_rows, logps):
        log_p = lax.dynamic_update_slice(log_p, lp, (row0, 0))
        row0 += rows
    actions = jnp.concatenate(acts, axis=0)[:, 0]
    return (log_p, actions)

# --- scband reference (transcript-rebuilt; emitter-appended) ---
"""Pipeline reference for scband-decoder-64037962383385 (READ-ONLY COPY).

The authoritative reference and input builder live on the scoring server;
editing this copy changes nothing except your own understanding.
"""

import jax, jax.numpy as jnp
import numpy as np


def _actor(x, W1, b1, W2, b2, W3, b3):
    h = jnp.tanh(x @ W1 + b1)
    h = jnp.tanh(h @ W2 + b2)
    return h @ W3 + b3


def setup_inputs(seed: int = 0):
    key = jax.random.key(seed)
    ks = jax.random.split(key, 8)
    B, N, K, D = 128, 4096, 1024, 128
    embeddings = jax.random.normal(ks[0], (B, N, D), dtype=jnp.float32)
    next_op = jax.random.randint(ks[1], (B, K), 0, N)
    action_mask = jax.random.randint(ks[2], (B, K), 0, 2).astype(bool)
    # guarantee at least one feasible action per row so log_softmax stays finite
    action_mask = action_mask.at[:, 0].set(True)
    gumbel_u = jax.random.uniform(ks[3], (B, K), minval=1e-6, maxval=1.0 - 1e-6)
    s = 1.0 / np.sqrt(D)
    W1 = jax.random.normal(ks[4], (D, D), dtype=jnp.float32) * s
    b1 = jnp.zeros((D,), jnp.float32)
    W2 = jax.random.normal(ks[5], (D, D), dtype=jnp.float32) * s
    b2 = jnp.zeros((D,), jnp.float32)
    W3 = jax.random.normal(ks[6], (D, 1), dtype=jnp.float32) * s
    b3 = jnp.zeros((1,), jnp.float32)
    return {"embeddings": embeddings, "gumbel_u": gumbel_u, "W1": W1, "b1": b1, "W2": W2, "b2": b2, "W3": W3, "b3": b3, "next_op": next_op, "action_mask": action_mask}


def reference(embeddings, gumbel_u, W1, b1, W2, b2, W3, b3, next_op, action_mask):
    # gather candidate-op embeddings: embeddings.gather(1, next_op[...,None].expand(-1,-1,D))
    cand = jnp.take_along_axis(embeddings, next_op[..., None], axis=1)  # [B, K, D]
    # actor MLP: Linear-Tanh x2 + Linear(D->1), then squeeze
    logits = _actor(cand, W1, b1, W2, b2, W3, b3)[..., 0]  # [B, K]
    # mask infeasible actions: logits[~action_mask] = -inf
    logits = jnp.where(action_mask, logits, -jnp.inf)
    log_p = jax.nn.log_softmax(logits, axis=1)
    # decode_type='sampling' -> categorical sample via Gumbel-max
    gumbel = -jnp.log(-jnp.log(gumbel_u))
    actions = jnp.argmax(jnp.where(action_mask, log_p + gumbel, -jnp.inf), axis=1)
    return (log_p, actions)

if __name__ == "__main__":
    import jax
    _d = setup_inputs()
    print(jax.jit(kernel)(*tuple(_d.values())))

</pallas_src>

<mosaic_0001>
#map = affine_map<(d0, d1) -> (0, 0)>
#map1 = affine_map<(d0, d1) -> (0)>
module attributes {stable_mosaic.version = 14 : i64} {
  func.func @gather_kernel(%arg0: i32, %arg1: i32, %arg2: memref<524288x128xf32, #tpu.memory_space<hbm>>, %arg3: memref<131072xi32, #tpu.memory_space<hbm>>, %arg4: memref<32768x128xf32, #tpu.memory_space<hbm>>, %arg5: memref<1024xi32, #tpu.memory_space<vmem>>, %arg6: memref<128x128xf32, #tpu.memory_space<vmem>>, %arg7: memref<128x128xf32, #tpu.memory_space<vmem>>, %arg8: memref<128x128xf32, #tpu.memory_space<vmem>>, %arg9: memref<128x128xf32, #tpu.memory_space<vmem>>, %arg10: memref<!tpu.dma_semaphore, #tpu.memory_space<semaphore_mem>>, %arg11: memref<!tpu.dma_semaphore, #tpu.memory_space<semaphore_mem>>, %arg12: memref<!tpu.dma_semaphore, #tpu.memory_space<semaphore_mem>>, %arg13: memref<!tpu.dma_semaphore, #tpu.memory_space<semaphore_mem>>, %arg14: memref<!tpu.dma_semaphore, #tpu.memory_space<semaphore_mem>>, %arg15: memref<!tpu.dma_semaphore, #tpu.memory_space<semaphore_mem>>, %arg16: memref<!tpu.dma_semaphore, #tpu.memory_space<semaphore_mem>>, %arg17: memref<!tpu.dma_semaphore, #tpu.memory_space<semaphore_mem>>) attributes {dimension_semantics = [#tpu.dimension_semantics<core_parallel>, #tpu.dimension_semantics<subcore_parallel>], iteration_bounds = array<i64: 2, 16>, scalar_prefetch = 0 : i64, scratch_operands = 13 : i64, tpu.core_type = #tpu.core_type<sc_vector_subcore>, window_params = [{transform_indices = #map}, {transform_indices = #map1}, {transform_indices = #map}]} {
    %mul3A = arith.constant 2 : i32
    %mul3A_0 = arith.muli %arg1, %mul3A : i32
    %add3A = arith.addi %mul3A_0, %arg0 : i32
    %mul3A_1 = arith.constant 8 : i32
    %mul3A_2 = arith.muli %add3A, %mul3A_1 : i32
    %mul3A_3 = arith.constant 128 : i32
    %mul3A_4 = arith.muli %mul3A_2, %mul3A_3 : i32
    %add3A_5 = arith.constant 65536 : i32
    %add3A_6 = arith.addi %add3A_5, %mul3A_4 : i32
    "tpu.region"() ({
      %run_scoped3A = tpu.sem_alloc : memref<!tpu.dma_semaphore, #tpu.memory_space<semaphore_mem>>
      %dma_start3A_165 = tpu.memref_slice %arg3[%add3A_6] : memref<131072xi32, #tpu.memory_space<hbm>> -> memref<1024xi32, #tpu.memory_space<hbm>>
      %dma_start3A_166 = tpu.memref_slice %arg3[%add3A_6] : memref<131072xi32, #tpu.memory_space<hbm>> -> memref<1024xi32, #tpu.memory_space<hbm>>
      tpu.enqueue_dma source(%dma_start3A_166 : memref<1024xi32, #tpu.memory_space<hbm>>) target(%arg5 : memref<1024xi32, #tpu.memory_space<vmem>>) target_semaphore(%run_scoped3A : memref<!tpu.dma_semaphore, #tpu.memory_space<semaphore_mem>>)
      %dma_wait3A_167 = tpu.memref_slice %arg3[%add3A_6] : memref<131072xi32, #tpu.memory_space<hbm>> -> memref<1024xi32, #tpu.memory_space<hbm>>
      %dma_wait3A_168 = tpu.memref_slice %arg3[%add3A_6] : memref<131072xi32, #tpu.memory_space<hbm>> -> memref<1024xi32, #tpu.memory_space<hbm>>
      tpu.wait_dma2 semaphore(%run_scoped3A : memref<!tpu.dma_semaphore, #tpu.memory_space<semaphore_mem>>) src(%dma_wait3A_168 : memref<1024xi32, #tpu.memory_space<hbm>>) dst(%arg5 : memref<1024xi32, #tpu.memory_space<vmem>>)
      tpu.yield
    }) : () -> ()
    %dma_start3A = arith.constant 0 : i32
    %dma_start3A_7 = tpu.memref_slice %arg5[%dma_start3A] : memref<1024xi32, #tpu.memory_space<vmem>> -> memref<128xi32, #tpu.memory_space<vmem>>
    %dma_start3A_8 = arith.constant 0 : i32
    %dma_start3A_9 = arith.constant 0 : i32
    %dma_start3A_10 = tpu.memref_slice %arg2[%dma_start3A_8, %dma_start3A_9] : memref<524288x128xf32, #tpu.memory_space<hbm>> -> memref<524288x128xf32, #tpu.memory_space<hbm>>
    tpu.enqueue_indirect_dma source(%dma_start3A_10 : memref<524288x128xf32, #tpu.memory_space<hbm>>) target(%arg6 : memref<128x128xf32, #tpu.memory_space<vmem>>) offsets(%dma_start3A_7 : memref<128xi32, #tpu.memory_space<vmem>>) semaphore(%arg10 : memref<!tpu.dma_semaphore, #tpu.memory_space<semaphore_mem>>)
    %dma_start3A_11 = arith.constant 128 : i32
    %dma_start3A_12 = tpu.memref_slice %arg5[%dma_start3A_11] : memref<1024xi32, #tpu.memory_space<vmem>> -> memref<128xi32, #tpu.memory_space<vmem>>
    %dma_start3A_13 = arith.constant 0 : i32
    %dma_start3A_14 = arith.constant 0 : i32
    %dma_start3A_15 = tpu.memref_slice %arg2[%dma_start3A_13, %dma_start3A_14] : memref<524288x128xf32, #tpu.memory_space<hbm>> -> memref<524288x128xf32, #tpu.memory_space<hbm>>
    tpu.enqueue_indirect_dma source(%dma_start3A_15 : memref<524288x128xf32, #tpu.memory_space<hbm>>) target(%arg7 : memref<128x128xf32, #tpu.memory_space<vmem>>) offsets(%dma_start3A_12 : memref<128xi32, #tpu.memory_space<vmem>>) semaphore(%arg11 : memref<!tpu.dma_semaphore, #tpu.memory_space<semaphore_mem>>)
    %dma_start3A_16 = arith.constant 256 : i32
    %dma_start3A_17 = tpu.memref_slice %arg5[%dma_start3A_16] : memref<1024xi32, #tpu.memory_space<vmem>> -> memref<128xi32, #tpu.memory_space<vmem>>
    %dma_start3A_18 = arith.constant 0 : i32
    %dma_start3A_19 = arith.constant 0 : i32
    %dma_start3A_20 = tpu.memref_slice %arg2[%dma_start3A_18, %dma_start3A_19] : memref<524288x128xf32, #tpu.memory_space<hbm>> -> memref<524288x128xf32, #tpu.memory_space<hbm>>
    tpu.enqueue_indirect_dma source(%dma_start3A_20 : memref<524288x128xf32, #tpu.memory_space<hbm>>) target(%arg8 : memref<128x128xf32, #tpu.memory_space<vmem>>) offsets(%dma_start3A_17 : memref<128xi32, #tpu.memory_space<vmem>>) semaphore(%arg12 : memref<!tpu.dma_semaphore, #tpu.memory_space<semaphore_mem>>)
    %dma_start3A_21 = arith.constant 384 : i32
    %dma_start3A_22 = tpu.memref_slice %arg5[%dma_start3A_21] : memref<1024xi32, #tpu.memory_space<vmem>> -> memref<128xi32, #tpu.memory_space<vmem>>
    %dma_start3A_23 = arith.constant 0 : i32
    %dma_start3A_24 = arith.constant 0 : i32
    %dma_start3A_25 = tpu.memref_slice %arg2[%dma_start3A_23, %dma_start3A_24] : memref<524288x128xf32, #tpu.memory_space<hbm>> -> memref<524288x128xf32, #tpu.memory_space<hbm>>
    tpu.enqueue_indirect_dma source(%dma_start3A_25 : memref<524288x128xf32, #tpu.memory_space<hbm>>) target(%arg9 : memref<128x128xf32, #tpu.memory_space<vmem>>) offsets(%dma_start3A_22 : memref<128xi32, #tpu.memory_space<vmem>>) semaphore(%arg13 : memref<!tpu.dma_semaphore, #tpu.memory_space<semaphore_mem>>)
    %dma_wait3A = arith.constant 0 : i32
    %dma_wait3A_26 = tpu.memref_slice %arg5[%dma_wait3A] : memref<1024xi32, #tpu.memory_space<vmem>> -> memref<128xi32, #tpu.memory_space<vmem>>
    %dma_wait3A_27 = arith.constant 0 : i32
    %dma_wait3A_28 = arith.constant 0 : i32
    %dma_wait3A_29 = tpu.memref_slice %arg2[%dma_wait3A_27, %dma_wait3A_28] : memref<524288x128xf32, #tpu.memory_space<hbm>> -> memref<524288x128xf32, #tpu.memory_space<hbm>>
    tpu.wait_indirect_dma semaphore(%arg10 : memref<!tpu.dma_semaphore, #tpu.memory_space<semaphore_mem>>) src(%dma_wait3A_29 : memref<524288x128xf32, #tpu.memory_space<hbm>>) dst(%arg6 : memref<128x128xf32, #tpu.memory_space<vmem>>)
    %add3A_30 = arith.constant 0 : i32
    %add3A_31 = arith.addi %mul3A_4, %add3A_30 : i32
    %dma_start3A_32 = arith.constant 0 : i32
    %dma_start3A_33 = tpu.memref_slice %arg4[%add3A_31, %dma_start3A_32] : memref<32768x128xf32, #tpu.memory_space<hbm>> -> memref<128x128xf32, #tpu.memory_space<hbm>>
    %dma_start3A_34 = arith.constant 0 : i32
    %dma_start3A_35 = tpu.memref_slice %arg4[%add3A_31, %dma_start3A_34] : memref<32768x128xf32, #tpu.memory_space<hbm>> -> memref<128x128xf32, #tpu.memory_space<hbm>>
    tpu.enqueue_dma source(%arg6 : memref<128x128xf32, #tpu.memory_space<vmem>>) target(%dma_start3A_35 : memref<128x128xf32, #tpu.memory_space<hbm>>) target_semaphore(%arg14 : memref<!tpu.dma_semaphore, #tpu.memory_space<semaphore_mem>>)
    %dma_wait3A_36 = arith.constant 0 : i32
    %dma_wait3A_37 = tpu.memref_slice %arg4[%mul3A_4, %dma_wait3A_36] : memref<32768x128xf32, #tpu.memory_space<hbm>> -> memref<128x128xf32, #tpu.memory_space<hbm>>
    %dma_wait3A_38 = arith.constant 0 : i32
    %dma_wait3A_39 = tpu.memref_slice %arg4[%mul3A_4, %dma_wait3A_38] : memref<32768x128xf32, #tpu.memory_space<hbm>> -> memref<128x128xf32, #tpu.memory_space<hbm>>
    tpu.wait_dma2 semaphore(%arg14 : memref<!tpu.dma_semaphore, #tpu.memory_space<semaphore_mem>>) src(%arg6 : memref<128x128xf32, #tpu.memory_space<vmem>>) dst(%dma_wait3A_39 : memref<128x128xf32, #tpu.memory_space<hbm>>)
    %dma_start3A_40 = arith.constant 512 : i32
    %dma_start3A_41 = tpu.memref_slice %arg5[%dma_start3A_40] : memref<1024xi32, #tpu.memory_space<vmem>> -> memref<128xi32, #tpu.memory_space<vmem>>
    %dma_start3A_42 = arith.constant 0 : i32
    %dma_start3A_43 = arith.constant 0 : i32
    %dma_start3A_44 = tpu.memref_slice %arg2[%dma_start3A_42, %dma_start3A_43] : memref<524288x128xf32, #tpu.memory_space<hbm>> -> memref<524288x128xf32, #tpu.memory_space<hbm>>
    tpu.enqueue_indirect_dma source(%dma_start3A_44 : memref<524288x128xf32, #tpu.memory_space<hbm>>) target(%arg6 : memref<128x128xf32, #tpu.memory_space<vmem>>) offsets(%dma_start3A_41 : memref<128xi32, #tpu.memory_space<vmem>>) semaphore(%arg10 : memref<!tpu.dma_semaphore, #tpu.memory_space<semaphore_mem>>)
    %dma_wait3A_45 = arith.constant 0 : i32
    %dma_wait3A_46 = tpu.memref_slice %arg5[%dma_wait3A_45] : memref<1024xi32, #tpu.memory_space<vmem>> -> memref<128xi32, #tpu.memory_space<vmem>>
    %dma_wait3A_47 = arith.constant 0 : i32
    %dma_wait3A_48 = arith.constant 0 : i32
    %dma_wait3A_49 = tpu.memref_slice %arg2[%dma_wait3A_47, %dma_wait3A_48] : memref<524288x128xf32, #tpu.memory_space<hbm>> -> memref<524288x128xf32, #tpu.memory_space<hbm>>
    tpu.wait_indirect_dma semaphore(%arg11 : memref<!tpu.dma_semaphore, #tpu.memory_space<semaphore_mem>>) src(%dma_wait3A_49 : memref<524288x128xf32, #tpu.memory_space<hbm>>) dst(%arg7 : memref<128x128xf32, #tpu.memory_space<vmem>>)
    %add3A_50 = arith.constant 128 : i32
    %add3A_51 = arith.addi %mul3A_4, %add3A_50 : i32
    %dma_start3A_52 = arith.constant 0 : i32
    %dma_start3A_53 = tpu.memref_slice %arg4[%add3A_51, %dma_start3A_52] : memref<32768x128xf32, #tpu.memory_space<hbm>> -> memref<128x128xf32, #tpu.memory_space<hbm>>
    %dma_start3A_54 = arith.constant 0 : i32
    %dma_start3A_55 = tpu.memref_slice %arg4[%add3A_51, %dma_start3A_54] : memref<32768x128xf32, #tpu.memory_space<hbm>> -> memref<128x128xf32, #tpu.memory_space<hbm>>
    tpu.enqueue_dma source(%arg7 : memref<128x128xf32, #tpu.memory_space<vmem>>) target(%dma_start3A_55 : memref<128x128xf32, #tpu.memory_space<hbm>>) target_semaphore(%arg15 : memref<!tpu.dma_semaphore, #tpu.memory_space<semaphore_mem>>)
    %dma_wait3A_56 = arith.constant 0 : i32
    %dma_wait3A_57 = tpu.memref_slice %arg4[%mul3A_4, %dma_wait3A_56] : memref<32768x128xf32, #tpu.memory_space<hbm>> -> memref<128x128xf32, #tpu.memory_space<hbm>>
    %dma_wait3A_58 = arith.constant 0 : i32
    %dma_wait3A_59 = tpu.memref_slice %arg4[%mul3A_4, %dma_wait3A_58] : memref<32768x128xf32, #tpu.memory_space<hbm>> -> memref<128x128xf32, #tpu.memory_space<hbm>>
    tpu.wait_dma2 semaphore(%arg15 : memref<!tpu.dma_semaphore, #tpu.memory_space<semaphore_mem>>) src(%arg7 : memref<128x128xf32, #tpu.memory_space<vmem>>) dst(%dma_wait3A_59 : memref<128x128xf32, #tpu.memory_space<hbm>>)
    %dma_start3A_60 = arith.constant 640 : i32
    %dma_start3A_61 = tpu.memref_slice %arg5[%dma_start3A_60] : memref<1024xi32, #tpu.memory_space<vmem>> -> memref<128xi32, #tpu.memory_space<vmem>>
    %dma_start3A_62 = arith.constant 0 : i32
    %dma_start3A_63 = arith.constant 0 : i32
    %dma_start3A_64 = tpu.memref_slice %arg2[%dma_start3A_62, %dma_start3A_63] : memref<524288x128xf32, #tpu.memory_space<hbm>> -> memref<524288x128xf32, #tpu.memory_space<hbm>>
    tpu.enqueue_indirect_dma source(%dma_start3A_64 : memref<524288x128xf32, #tpu.memory_space<hbm>>) target(%arg7 : memref<128x128xf32, #tpu.memory_space<vmem>>) offsets(%dma_start3A_61 : memref<128xi32, #tpu.memory_space<vmem>>) semaphore(%arg11 : memref<!tpu.dma_semaphore, #tpu.memory_space<semaphore_mem>>)
    %dma_wait3A_65 = arith.constant 0 : i32
    %dma_wait3A_66 = tpu.memref_slice %arg5[%dma_wait3A_65] : memref<1024xi32, #tpu.memory_space<vmem>> -> memref<128xi32, #tpu.memory_space<vmem>>
    %dma_wait3A_67 = arith.constant 0 : i32
    %dma_wait3A_68 = arith.constant 0 : i32
    %dma_wait3A_69 = tpu.memref_slice %arg2[%dma_wait3A_67, %dma_wait3A_68] : memref<524288x128xf32, #tpu.memory_space<hbm>> -> memref<524288x128xf32, #tpu.memory_space<hbm>>
    tpu.wait_indirect_dma semaphore(%arg12 : memref<!tpu.dma_semaphore, #tpu.memory_space<semaphore_mem>>) src(%dma_wait3A_69 : memref<524288x128xf32, #tpu.memory_space<hbm>>) dst(%arg8 : memref<128x128xf32, #tpu.memory_space<vmem>>)
    %add3A_70 = arith.constant 256 : i32
    %add3A_71 = arith.addi %mul3A_4, %add3A_70 : i32
    %dma_start3A_72 = arith.constant 0 : i32
    %dma_start3A_73 = tpu.memref_slice %arg4[%add3A_71, %dma_start3A_72] : memref<32768x128xf32, #tpu.memory_space<hbm>> -> memref<128x128xf32, #tpu.memory_space<hbm>>
    %dma_start3A_74 = arith.constant 0 : i32
    %dma_start3A_75 = tpu.memref_slice %arg4[%add3A_71, %dma_start3A_74] : memref<32768x128xf32, #tpu.memory_space<hbm>> -> memref<128x128xf32, #tpu.memory_space<hbm>>
    tpu.enqueue_dma source(%arg8 : memref<128x128xf32, #tpu.memory_space<vmem>>) target(%dma_start3A_75 : memref<128x128xf32, #tpu.memory_space<hbm>>) target_semaphore(%arg16 : memref<!tpu.dma_semaphore, #tpu.memory_space<semaphore_mem>>)
    %dma_wait3A_76 = arith.constant 0 : i32
    %dma_wait3A_77 = tpu.memref_slice %arg4[%mul3A_4, %dma_wait3A_76] : memref<32768x128xf32, #tpu.memory_space<hbm>> -> memref<128x128xf32, #tpu.memory_space<hbm>>
    %dma_wait3A_78 = arith.constant 0 : i32
    %dma_wait3A_79 = tpu.memref_slice %arg4[%mul3A_4, %dma_wait3A_78] : memref<32768x128xf32, #tpu.memory_space<hbm>> -> memref<128x128xf32, #tpu.memory_space<hbm>>
    tpu.wait_dma2 semaphore(%arg16 : memref<!tpu.dma_semaphore, #tpu.memory_space<semaphore_mem>>) src(%arg8 : memref<128x128xf32, #tpu.memory_space<vmem>>) dst(%dma_wait3A_79 : memref<128x128xf32, #tpu.memory_space<hbm>>)
    %dma_start3A_80 = arith.constant 768 : i32
    %dma_start3A_81 = tpu.memref_slice %arg5[%dma_start3A_80] : memref<1024xi32, #tpu.memory_space<vmem>> -> memref<128xi32, #tpu.memory_space<vmem>>
    %dma_start3A_82 = arith.constant 0 : i32
    %dma_start3A_83 = arith.constant 0 : i32
    %dma_start3A_84 = tpu.memref_slice %arg2[%dma_start3A_82, %dma_start3A_83] : memref<524288x128xf32, #tpu.memory_space<hbm>> -> memref<524288x128xf32, #tpu.memory_space<hbm>>
    tpu.enqueue_indirect_dma source(%dma_start3A_84 : memref<524288x128xf32, #tpu.memory_space<hbm>>) target(%arg8 : memref<128x128xf32, #tpu.memory_space<vmem>>) offsets(%dma_start3A_81 : memref<128xi32, #tpu.memory_space<vmem>>) semaphore(%arg12 : memref<!tpu.dma_semaphore, #tpu.memory_space<semaphore_mem>>)
    %dma_wait3A_85 = arith.constant 0 : i32
    %dma_wait3A_86 = tpu.memref_slice %arg5[%dma_wait3A_85] : memref<1024xi32, #tpu.memory_space<vmem>> -> memref<128xi32, #tpu.memory_space<vmem>>
    %dma_wait3A_87 = arith.constant 0 : i32
    %dma_wait3A_88 = arith.constant 0 : i32
    %dma_wait3A_89 = tpu.memref_slice %arg2[%dma_wait3A_87, %dma_wait3A_88] : memref<524288x128xf32, #tpu.memory_space<hbm>> -> memref<524288x128xf32, #tpu.memory_space<hbm>>
    tpu.wait_indirect_dma semaphore(%arg13 : memref<!tpu.dma_semaphore, #tpu.memory_space<semaphore_mem>>) src(%dma_wait3A_89 : memref<524288x128xf32, #tpu.memory_space<hbm>>) dst(%arg9 : memref<128x128xf32, #tpu.memory_space<vmem>>)
    %add3A_90 = arith.constant 384 : i32
    %add3A_91 = arith.addi %mul3A_4, %add3A_90 : i32
    %dma_start3A_92 = arith.constant 0 : i32
    %dma_start3A_93 = tpu.memref_slice %arg4[%add3A_91, %dma_start3A_92] : memref<32768x128xf32, #tpu.memory_space<hbm>> -> memref<128x128xf32, #tpu.memory_space<hbm>>
    %dma_start3A_94 = arith.constant 0 : i32
    %dma_start3A_95 = tpu.memref_slice %arg4[%add3A_91, %dma_start3A_94] : memref<32768x128xf32, #tpu.memory_space<hbm>> -> memref<128x128xf32, #tpu.memory_space<hbm>>
    tpu.enqueue_dma source(%arg9 : memref<128x128xf32, #tpu.memory_space<vmem>>) target(%dma_start3A_95 : memref<128x128xf32, #tpu.memory_space<hbm>>) target_semaphore(%arg17 : memref<!tpu.dma_semaphore, #tpu.memory_space<semaphore_mem>>)
    %dma_wait3A_96 = arith.constant 0 : i32
    %dma_wait3A_97 = tpu.memref_slice %arg4[%mul3A_4, %dma_wait3A_96] : memref<32768x128xf32, #tpu.memory_space<hbm>> -> memref<128x128xf32, #tpu.memory_space<hbm>>
    %dma_wait3A_98 = arith.constant 0 : i32
    %dma_wait3A_99 = tpu.memref_slice %arg4[%mul3A_4, %dma_wait3A_98] : memref<32768x128xf32, #tpu.memory_space<hbm>> -> memref<128x128xf32, #tpu.memory_space<hbm>>
    tpu.wait_dma2 semaphore(%arg17 : memref<!tpu.dma_semaphore, #tpu.memory_space<semaphore_mem>>) src(%arg9 : memref<128x128xf32, #tpu.memory_space<vmem>>) dst(%dma_wait3A_99 : memref<128x128xf32, #tpu.memory_space<hbm>>)
    %dma_start3A_100 = arith.constant 896 : i32
    %dma_start3A_101 = tpu.memref_slice %arg5[%dma_start3A_100] : memref<1024xi32, #tpu.memory_space<vmem>> -> memref<128xi32, #tpu.memory_space<vmem>>
    %dma_start3A_102 = arith.constant 0 : i32
    %dma_start3A_103 = arith.constant 0 : i32
    %dma_start3A_104 = tpu.memref_slice %arg2[%dma_start3A_102, %dma_start3A_103] : memref<524288x128xf32, #tpu.memory_space<hbm>> -> memref<524288x128xf32, #tpu.memory_space<hbm>>
    tpu.enqueue_indirect_dma source(%dma_start3A_104 : memref<524288x128xf32, #tpu.memory_space<hbm>>) target(%arg9 : memref<128x128xf32, #tpu.memory_space<vmem>>) offsets(%dma_start3A_101 : memref<128xi32, #tpu.memory_space<vmem>>) semaphore(%arg13 : memref<!tpu.dma_semaphore, #tpu.memory_space<semaphore_mem>>)
    %dma_wait3A_105 = arith.constant 0 : i32
    %dma_wait3A_106 = tpu.memref_slice %arg5[%dma_wait3A_105] : memref<1024xi32, #tpu.memory_space<vmem>> -> memref<128xi32, #tpu.memory_space<vmem>>
    %dma_wait3A_107 = arith.constant 0 : i32
    %dma_wait3A_108 = arith.constant 0 : i32
    %dma_wait3A_109 = tpu.memref_slice %arg2[%dma_wait3A_107, %dma_wait3A_108] : memref<524288x128xf32, #tpu.memory_space<hbm>> -> memref<524288x128xf32, #tpu.memory_space<hbm>>
    tpu.wait_indirect_dma semaphore(%arg10 : memref<!tpu.dma_semaphore, #tpu.memory_space<semaphore_mem>>) src(%dma_wait3A_109 : memref<524288x128xf32, #tpu.memory_space<hbm>>) dst(%arg6 : memref<128x128xf32, #tpu.memory_space<vmem>>)
    %add3A_110 = arith.constant 512 : i32
    %add3A_111 = arith.addi %mul3A_4, %add3A_110 : i32
    %dma_start3A_112 = arith.constant 0 : i32
    %dma_start3A_113 = tpu.memref_slice %arg4[%add3A_111, %dma_start3A_112] : memref<32768x128xf32, #tpu.memory_space<hbm>> -> memref<128x128xf32, #tpu.memory_space<hbm>>
    %dma_start3A_114 = arith.constant 0 : i32
    %dma_start3A_115 = tpu.memref_slice %arg4[%add3A_111, %dma_start3A_114] : memref<32768x128xf32, #tpu.memory_space<hbm>> -> memref<128x128xf32, #tpu.memory_space<hbm>>
    tpu.enqueue_dma source(%arg6 : memref<128x128xf32, #tpu.memory_space<vmem>>) target(%dma_start3A_115 : memref<128x128xf32, #tpu.memory_space<hbm>>) target_semaphore(%arg14 : memref<!tpu.dma_semaphore, #tpu.memory_space<semaphore_mem>>)
    %dma_wait3A_116 = arith.constant 0 : i32
    %dma_wait3A_117 = tpu.memref_slice %arg5[%dma_wait3A_116] : memref<1024xi32, #tpu.memory_space<vmem>> -> memref<128xi32, #tpu.memory_space<vmem>>
    %dma_wait3A_118 = arith.constant 0 : i32
    %dma_wait3A_119 = arith.constant 0 : i32
    %dma_wait3A_120 = tpu.memref_slice %arg2[%dma_wait3A_118, %dma_wait3A_119] : memref<524288x128xf32, #tpu.memory_space<hbm>> -> memref<524288x128xf32, #tpu.memory_space<hbm>>
    tpu.wait_indirect_dma semaphore(%arg11 : memref<!tpu.dma_semaphore, #tpu.memory_space<semaphore_mem>>) src(%dma_wait3A_120 : memref<524288x128xf32, #tpu.memory_space<hbm>>) dst(%arg7 : memref<128x128xf32, #tpu.memory_space<vmem>>)
    %add3A_121 = arith.constant 640 : i32
    %add3A_122 = arith.addi %mul3A_4, %add3A_121 : i32
    %dma_start3A_123 = arith.constant 0 : i32
    %dma_start3A_124 = tpu.memref_slice %arg4[%add3A_122, %dma_start3A_123] : memref<32768x128xf32, #tpu.memory_space<hbm>> -> memref<128x128xf32, #tpu.memory_space<hbm>>
    %dma_start3A_125 = arith.constant 0 : i32
    %dma_start3A_126 = tpu.memref_slice %arg4[%add3A_122, %dma_start3A_125] : memref<32768x128xf32, #tpu.memory_space<hbm>> -> memref<128x128xf32, #tpu.memory_space<hbm>>
    tpu.enqueue_dma source(%arg7 : memref<128x128xf32, #tpu.memory_space<vmem>>) target(%dma_start3A_126 : memref<128x128xf32, #tpu.memory_space<hbm>>) target_semaphore(%arg15 : memref<!tpu.dma_semaphore, #tpu.memory_space<semaphore_mem>>)
    %dma_wait3A_127 = arith.constant 0 : i32
    %dma_wait3A_128 = tpu.memref_slice %arg5[%dma_wait3A_127] : memref<1024xi32, #tpu.memory_space<vmem>> -> memref<128xi32, #tpu.memory_space<vmem>>
    %dma_wait3A_129 = arith.constant 0 : i32
    %dma_wait3A_130 = arith.constant 0 : i32
    %dma_wait3A_131 = tpu.memref_slice %arg2[%dma_wait3A_129, %dma_wait3A_130] : memref<524288x128xf32, #tpu.memory_space<hbm>> -> memref<524288x128xf32, #tpu.memory_space<hbm>>
    tpu.wait_indirect_dma semaphore(%arg12 : memref<!tpu.dma_semaphore, #tpu.memory_space<semaphore_mem>>) src(%dma_wait3A_131 : memref<524288x128xf32, #tpu.memory_space<hbm>>) dst(%arg8 : memref<128x128xf32, #tpu.memory_space<vmem>>)
    %add3A_132 = arith.constant 768 : i32
    %add3A_133 = arith.addi %mul3A_4, %add3A_132 : i32
    %dma_start3A_134 = arith.constant 0 : i32
    %dma_start3A_135 = tpu.memref_slice %arg4[%add3A_133, %dma_start3A_134] : memref<32768x128xf32, #tpu.memory_space<hbm>> -> memref<128x128xf32, #tpu.memory_space<hbm>>
    %dma_start3A_136 = arith.constant 0 : i32
    %dma_start3A_137 = tpu.memref_slice %arg4[%add3A_133, %dma_start3A_136] : memref<32768x128xf32, #tpu.memory_space<hbm>> -> memref<128x128xf32, #tpu.memory_space<hbm>>
    tpu.enqueue_dma source(%arg8 : memref<128x128xf32, #tpu.memory_space<vmem>>) target(%dma_start3A_137 : memref<128x128xf32, #tpu.memory_space<hbm>>) target_semaphore(%arg16 : memref<!tpu.dma_semaphore, #tpu.memory_space<semaphore_mem>>)
    %dma_wait3A_138 = arith.constant 0 : i32
    %dma_wait3A_139 = tpu.memref_slice %arg5[%dma_wait3A_138] : memref<1024xi32, #tpu.memory_space<vmem>> -> memref<128xi32, #tpu.memory_space<vmem>>
    %dma_wait3A_140 = arith.constant 0 : i32
    %dma_wait3A_141 = arith.constant 0 : i32
    %dma_wait3A_142 = tpu.memref_slice %arg2[%dma_wait3A_140, %dma_wait3A_141] : memref<524288x128xf32, #tpu.memory_space<hbm>> -> memref<524288x128xf32, #tpu.memory_space<hbm>>
    tpu.wait_indirect_dma semaphore(%arg13 : memref<!tpu.dma_semaphore, #tpu.memory_space<semaphore_mem>>) src(%dma_wait3A_142 : memref<524288x128xf32, #tpu.memory_space<hbm>>) dst(%arg9 : memref<128x128xf32, #tpu.memory_space<vmem>>)
    %add3A_143 = arith.constant 896 : i32
    %add3A_144 = arith.addi %mul3A_4, %add3A_143 : i32
    %dma_start3A_145 = arith.constant 0 : i32
    %dma_start3A_146 = tpu.memref_slice %arg4[%add3A_144, %dma_start3A_145] : memref<32768x128xf32, #tpu.memory_space<hbm>> -> memref<128x128xf32, #tpu.memory_space<hbm>>
    %dma_start3A_147 = arith.constant 0 : i32
    %dma_start3A_148 = tpu.memref_slice %arg4[%add3A_144, %dma_start3A_147] : memref<32768x128xf32, #tpu.memory_space<hbm>> -> memref<128x128xf32, #tpu.memory_space<hbm>>
    tpu.enqueue_dma source(%arg9 : memref<128x128xf32, #tpu.memory_space<vmem>>) target(%dma_start3A_148 : memref<128x128xf32, #tpu.memory_space<hbm>>) target_semaphore(%arg17 : memref<!tpu.dma_semaphore, #tpu.memory_space<semaphore_mem>>)
    %dma_wait3A_149 = arith.constant 0 : i32
    %dma_wait3A_150 = tpu.memref_slice %arg4[%mul3A_4, %dma_wait3A_149] : memref<32768x128xf32, #tpu.memory_space<hbm>> -> memref<128x128xf32, #tpu.memory_space<hbm>>
    %dma_wait3A_151 = arith.constant 0 : i32
    %dma_wait3A_152 = tpu.memref_slice %arg4[%mul3A_4, %dma_wait3A_151] : memref<32768x128xf32, #tpu.memory_space<hbm>> -> memref<128x128xf32, #tpu.memory_space<hbm>>
    tpu.wait_dma2 semaphore(%arg14 : memref<!tpu.dma_semaphore, #tpu.memory_space<semaphore_mem>>) src(%arg6 : memref<128x128xf32, #tpu.memory_space<vmem>>) dst(%dma_wait3A_152 : memref<128x128xf32, #tpu.memory_space<hbm>>)
    %dma_wait3A_153 = arith.constant 0 : i32
    %dma_wait3A_154 = tpu.memref_slice %arg4[%mul3A_4, %dma_wait3A_153] : memref<32768x128xf32, #tpu.memory_space<hbm>> -> memref<128x128xf32, #tpu.memory_space<hbm>>
    %dma_wait3A_155 = arith.constant 0 : i32
    %dma_wait3A_156 = tpu.memref_slice %arg4[%mul3A_4, %dma_wait3A_155] : memref<32768x128xf32, #tpu.memory_space<hbm>> -> memref<128x128xf32, #tpu.memory_space<hbm>>
    tpu.wait_dma2 semaphore(%arg15 : memref<!tpu.dma_semaphore, #tpu.memory_space<semaphore_mem>>) src(%arg7 : memref<128x128xf32, #tpu.memory_space<vmem>>) dst(%dma_wait3A_156 : memref<128x128xf32, #tpu.memory_space<hbm>>)
    %dma_wait3A_157 = arith.constant 0 : i32
    %dma_wait3A_158 = tpu.memref_slice %arg4[%mul3A_4, %dma_wait3A_157] : memref<32768x128xf32, #tpu.memory_space<hbm>> -> memref<128x128xf32, #tpu.memory_space<hbm>>
    %dma_wait3A_159 = arith.constant 0 : i32
    %dma_wait3A_160 = tpu.memref_slice %arg4[%mul3A_4, %dma_wait3A_159] : memref<32768x128xf32, #tpu.memory_space<hbm>> -> memref<128x128xf32, #tpu.memory_space<hbm>>
    tpu.wait_dma2 semaphore(%arg16 : memref<!tpu.dma_semaphore, #tpu.memory_space<semaphore_mem>>) src(%arg8 : memref<128x128xf32, #tpu.memory_space<vmem>>) dst(%dma_wait3A_160 : memref<128x128xf32, #tpu.memory_space<hbm>>)
    %dma_wait3A_161 = arith.constant 0 : i32
    %dma_wait3A_162 = tpu.memref_slice %arg4[%mul3A_4, %dma_wait3A_161] : memref<32768x128xf32, #tpu.memory_space<hbm>> -> memref<128x128xf32, #tpu.memory_space<hbm>>
    %dma_wait3A_163 = arith.constant 0 : i32
    %dma_wait3A_164 = tpu.memref_slice %arg4[%mul3A_4, %dma_wait3A_163] : memref<32768x128xf32, #tpu.memory_space<hbm>> -> memref<128x128xf32, #tpu.memory_space<hbm>>
    tpu.wait_dma2 semaphore(%arg17 : memref<!tpu.dma_semaphore, #tpu.memory_space<semaphore_mem>>) src(%arg9 : memref<128x128xf32, #tpu.memory_space<vmem>>) dst(%dma_wait3A_164 : memref<128x128xf32, #tpu.memory_space<hbm>>)
    return
  }
}

#map = affine_map<(d0, d1) -> (0, 0)>
#map1 = affine_map<(d0, d1) -> (0)>
module attributes {stable_mosaic.version = 14 : i64} {
  func.func @gather_kernel(%arg0: i32, %arg1: i32, %arg2: memref<524288x128xf32, #tpu.memory_space<hbm>>, %arg3: memref<131072xi32, #tpu.memory_space<hbm>>, %arg4: memref<32768x128xf32, #tpu.memory_space<hbm>>, %arg5: memref<1024xi32, #tpu.memory_space<vmem>>, %arg6: memref<128x128xf32, #tpu.memory_space<vmem>>, %arg7: memref<128x128xf32, #tpu.memory_space<vmem>>, %arg8: memref<128x128xf32, #tpu.memory_space<vmem>>, %arg9: memref<128x128xf32, #tpu.memory_space<vmem>>, %arg10: memref<!tpu.dma_semaphore, #tpu.memory_space<semaphore_mem>>, %arg11: memref<!tpu.dma_semaphore, #tpu.memory_space<semaphore_mem>>, %arg12: memref<!tpu.dma_semaphore, #tpu.memory_space<semaphore_mem>>, %arg13: memref<!tpu.dma_semaphore, #tpu.memory_space<semaphore_mem>>, %arg14: memref<!tpu.dma_semaphore, #tpu.memory_space<semaphore_mem>>, %arg15: memref<!tpu.dma_semaphore, #tpu.memory_space<semaphore_mem>>, %arg16: memref<!tpu.dma_semaphore, #tpu.memory_space<semaphore_mem>>, %arg17: memref<!tpu.dma_semaphore, #tpu.memory_space<semaphore_mem>>) attributes {dimension_semantics = [#tpu.dimension_semantics<core_parallel>, #tpu.dimension_semantics<subcore_parallel>], iteration_bounds = array<i64: 2, 16>, scalar_prefetch = 0 : i64, scratch_operands = 13 : i64, tpu.core_type = #tpu.core_type<sc_vector_subcore>, window_params = [{transform_indices = #map}, {transform_indices = #map1}, {transform_indices = #map}]} {
    %mul3A = arith.constant 2 : i32
    %mul3A_0 = arith.muli %arg1, %mul3A : i32
    %add3A = arith.addi %mul3A_0, %arg0 : i32
    %mul3A_1 = arith.constant 8 : i32
    %mul3A_2 = arith.muli %add3A, %mul3A_1 : i32
    %mul3A_3 = arith.constant 128 : i32
    %mul3A_4 = arith.muli %mul3A_2, %mul3A_3 : i32
    %add3A_5 = arith.constant 0 : i32
    %add3A_6 = arith.addi %add3A_5, %mul3A_4 : i32
    "tpu.region"() ({
      %run_scoped3A = tpu.sem_alloc : memref<!tpu.dma_semaphore, #tpu.memory_space<semaphore_mem>>
      %dma_start3A_165 = tpu.memref_slice %arg3[%add3A_6] : memref<131072xi32, #tpu.memory_space<hbm>> -> memref<1024xi32, #tpu.memory_space<hbm>>
      %dma_start3A_166 = tpu.memref_slice %arg3[%add3A_6] : memref<131072xi32, #tpu.memory_space<hbm>> -> memref<1024xi32, #tpu.memory_space<hbm>>
      tpu.enqueue_dma source(%dma_start3A_166 : memref<1024xi32, #tpu.memory_space<hbm>>) target(%arg5 : memref<1024xi32, #tpu.memory_space<vmem>>) target_semaphore(%run_scoped3A : memref<!tpu.dma_semaphore, #tpu.memory_space<semaphore_mem>>)
      %dma_wait3A_167 = tpu.memref_slice %arg3[%add3A_6] : memref<131072xi32, #tpu.memory_space<hbm>> -> memref<1024xi32, #tpu.memory_space<hbm>>
      %dma_wait3A_168 = tpu.memref_slice %arg3[%add3A_6] : memref<131072xi32, #tpu.memory_space<hbm>> -> memref<1024xi32, #tpu.memory_space<hbm>>
      tpu.wait_dma2 semaphore(%run_scoped3A : memref<!tpu.dma_semaphore, #tpu.memory_space<semaphore_mem>>) src(%dma_wait3A_168 : memref<1024xi32, #tpu.memory_space<hbm>>) dst(%arg5 : memref<1024xi32, #tpu.memory_space<vmem>>)
      tpu.yield
    }) : () -> ()
    %dma_start3A = arith.constant 0 : i32
    %dma_start3A_7 = tpu.memref_slice %arg5[%dma_start3A] : memref<1024xi32, #tpu.memory_space<vmem>> -> memref<128xi32, #tpu.memory_space<vmem>>
    %dma_start3A_8 = arith.constant 0 : i32
    %dma_start3A_9 = arith.constant 0 : i32
    %dma_start3A_10 = tpu.memref_slice %arg2[%dma_start3A_8, %dma_start3A_9] : memref<524288x128xf32, #tpu.memory_space<hbm>> -> memref<524288x128xf32, #tpu.memory_space<hbm>>
    tpu.enqueue_indirect_dma source(%dma_start3A_10 : memref<524288x128xf32, #tpu.memory_space<hbm>>) target(%arg6 : memref<128x128xf32, #tpu.memory_space<vmem>>) offsets(%dma_start3A_7 : memref<128xi32, #tpu.memory_space<vmem>>) semaphore(%arg10 : memref<!tpu.dma_semaphore, #tpu.memory_space<semaphore_mem>>)
    %dma_start3A_11 = arith.constant 128 : i32
    %dma_start3A_12 = tpu.memref_slice %arg5[%dma_start3A_11] : memref<1024xi32, #tpu.memory_space<vmem>> -> memref<128xi32, #tpu.memory_space<vmem>>
    %dma_start3A_13 = arith.constant 0 : i32
    %dma_start3A_14 = arith.constant 0 : i32
    %dma_start3A_15 = tpu.memref_slice %arg2[%dma_start3A_13, %dma_start3A_14] : memref<524288x128xf32, #tpu.memory_space<hbm>> -> memref<524288x128xf32, #tpu.memory_space<hbm>>
    tpu.enqueue_indirect_dma source(%dma_start3A_15 : memref<524288x128xf32, #tpu.memory_space<hbm>>) target(%arg7 : memref<128x128xf32, #tpu.memory_space<vmem>>) offsets(%dma_start3A_12 : memref<128xi32, #tpu.memory_space<vmem>>) semaphore(%arg11 : memref<!tpu.dma_semaphore, #tpu.memory_space<semaphore_mem>>)
    %dma_start3A_16 = arith.constant 256 : i32
    %dma_start3A_17 = tpu.memref_slice %arg5[%dma_start3A_16] : memref<1024xi32, #tpu.memory_space<vmem>> -> memref<128xi32, #tpu.memory_space<vmem>>
    %dma_start3A_18 = arith.constant 0 : i32
    %dma_start3A_19 = arith.constant 0 : i32
    %dma_start3A_20 = tpu.memref_slice %arg2[%dma_start3A_18, %dma_start3A_19] : memref<524288x128xf32, #tpu.memory_space<hbm>> -> memref<524288x128xf32, #tpu.memory_space<hbm>>
    tpu.enqueue_indirect_dma source(%dma_start3A_20 : memref<524288x128xf32, #tpu.memory_space<hbm>>) target(%arg8 : memref<128x128xf32, #tpu.memory_space<vmem>>) offsets(%dma_start3A_17 : memref<128xi32, #tpu.memory_space<vmem>>) semaphore(%arg12 : memref<!tpu.dma_semaphore, #tpu.memory_space<semaphore_mem>>)
    %dma_start3A_21 = arith.constant 384 : i32
    %dma_start3A_22 = tpu.memref_slice %arg5[%dma_start3A_21] : memref<1024xi32, #tpu.memory_space<vmem>> -> memref<128xi32, #tpu.memory_space<vmem>>
    %dma_start3A_23 = arith.constant 0 : i32
    %dma_start3A_24 = arith.constant 0 : i32
    %dma_start3A_25 = tpu.memref_slice %arg2[%dma_start3A_23, %dma_start3A_24] : memref<524288x128xf32, #tpu.memory_space<hbm>> -> memref<524288x128xf32, #tpu.memory_space<hbm>>
    tpu.enqueue_indirect_dma source(%dma_start3A_25 : memref<524288x128xf32, #tpu.memory_space<hbm>>) target(%arg9 : memref<128x128xf32, #tpu.memory_space<vmem>>) offsets(%dma_start3A_22 : memref<128xi32, #tpu.memory_space<vmem>>) semaphore(%arg13 : memref<!tpu.dma_semaphore, #tpu.memory_space<semaphore_mem>>)
    %dma_wait3A = arith.constant 0 : i32
    %dma_wait3A_26 = tpu.memref_slice %arg5[%dma_wait3A] : memref<1024xi32, #tpu.memory_space<vmem>> -> memref<128xi32, #tpu.memory_space<vmem>>
    %dma_wait3A_27 = arith.constant 0 : i32
    %dma_wait3A_28 = arith.constant 0 : i32
    %dma_wait3A_29 = tpu.memref_slice %arg2[%dma_wait3A_27, %dma_wait3A_28] : memref<524288x128xf32, #tpu.memory_space<hbm>> -> memref<524288x128xf32, #tpu.memory_space<hbm>>
    tpu.wait_indirect_dma semaphore(%arg10 : memref<!tpu.dma_semaphore, #tpu.memory_space<semaphore_mem>>) src(%dma_wait3A_29 : memref<524288x128xf32, #tpu.memory_space<hbm>>) dst(%arg6 : memref<128x128xf32, #tpu.memory_space<vmem>>)
    %add3A_30 = arith.constant 0 : i32
    %add3A_31 = arith.addi %mul3A_4, %add3A_30 : i32
    %dma_start3A_32 = arith.constant 0 : i32
    %dma_start3A_33 = tpu.memref_slice %arg4[%add3A_31, %dma_start3A_32] : memref<32768x128xf32, #tpu.memory_space<hbm>> -> memref<128x128xf32, #tpu.memory_space<hbm>>
    %dma_start3A_34 = arith.constant 0 : i32
    %dma_start3A_35 = tpu.memref_slice %arg4[%add3A_31, %dma_start3A_34] : memref<32768x128xf32, #tpu.memory_space<hbm>> -> memref<128x128xf32, #tpu.memory_space<hbm>>
    tpu.enqueue_dma source(%arg6 : memref<128x128xf32, #tpu.memory_space<vmem>>) target(%dma_start3A_35 : memref<128x128xf32, #tpu.memory_space<hbm>>) target_semaphore(%arg14 : memref<!tpu.dma_semaphore, #tpu.memory_space<semaphore_mem>>)
    %dma_wait3A_36 = arith.constant 0 : i32
    %dma_wait3A_37 = tpu.memref_slice %arg4[%mul3A_4, %dma_wait3A_36] : memref<32768x128xf32, #tpu.memory_space<hbm>> -> memref<128x128xf32, #tpu.memory_space<hbm>>
    %dma_wait3A_38 = arith.constant 0 : i32
    %dma_wait3A_39 = tpu.memref_slice %arg4[%mul3A_4, %dma_wait3A_38] : memref<32768x128xf32, #tpu.memory_space<hbm>> -> memref<128x128xf32, #tpu.memory_space<hbm>>
    tpu.wait_dma2 semaphore(%arg14 : memref<!tpu.dma_semaphore, #tpu.memory_space<semaphore_mem>>) src(%arg6 : memref<128x128xf32, #tpu.memory_space<vmem>>) dst(%dma_wait3A_39 : memref<128x128xf32, #tpu.memory_space<hbm>>)
    %dma_start3A_40 = arith.constant 512 : i32
    %dma_start3A_41 = tpu.memref_slice %arg5[%dma_start3A_40] : memref<1024xi32, #tpu.memory_space<vmem>> -> memref<128xi32, #tpu.memory_space<vmem>>
    %dma_start3A_42 = arith.constant 0 : i32
    %dma_start3A_43 = arith.constant 0 : i32
    %dma_start3A_44 = tpu.memref_slice %arg2[%dma_start3A_42, %dma_start3A_43] : memref<524288x128xf32, #tpu.memory_space<hbm>> -> memref<524288x128xf32, #tpu.memory_space<hbm>>
    tpu.enqueue_indirect_dma source(%dma_start3A_44 : memref<524288x128xf32, #tpu.memory_space<hbm>>) target(%arg6 : memref<128x128xf32, #tpu.memory_space<vmem>>) offsets(%dma_start3A_41 : memref<128xi32, #tpu.memory_space<vmem>>) semaphore(%arg10 : memref<!tpu.dma_semaphore, #tpu.memory_space<semaphore_mem>>)
    %dma_wait3A_45 = arith.constant 0 : i32
    %dma_wait3A_46 = tpu.memref_slice %arg5[%dma_wait3A_45] : memref<1024xi32, #tpu.memory_space<vmem>> -> memref<128xi32, #tpu.memory_space<vmem>>
    %dma_wait3A_47 = arith.constant 0 : i32
    %dma_wait3A_48 = arith.constant 0 : i32
    %dma_wait3A_49 = tpu.memref_slice %arg2[%dma_wait3A_47, %dma_wait3A_48] : memref<524288x128xf32, #tpu.memory_space<hbm>> -> memref<524288x128xf32, #tpu.memory_space<hbm>>
    tpu.wait_indirect_dma semaphore(%arg11 : memref<!tpu.dma_semaphore, #tpu.memory_space<semaphore_mem>>) src(%dma_wait3A_49 : memref<524288x128xf32, #tpu.memory_space<hbm>>) dst(%arg7 : memref<128x128xf32, #tpu.memory_space<vmem>>)
    %add3A_50 = arith.constant 128 : i32
    %add3A_51 = arith.addi %mul3A_4, %add3A_50 : i32
    %dma_start3A_52 = arith.constant 0 : i32
    %dma_start3A_53 = tpu.memref_slice %arg4[%add3A_51, %dma_start3A_52] : memref<32768x128xf32, #tpu.memory_space<hbm>> -> memref<128x128xf32, #tpu.memory_space<hbm>>
    %dma_start3A_54 = arith.constant 0 : i32
    %dma_start3A_55 = tpu.memref_slice %arg4[%add3A_51, %dma_start3A_54] : memref<32768x128xf32, #tpu.memory_space<hbm>> -> memref<128x128xf32, #tpu.memory_space<hbm>>
    tpu.enqueue_dma source(%arg7 : memref<128x128xf32, #tpu.memory_space<vmem>>) target(%dma_start3A_55 : memref<128x128xf32, #tpu.memory_space<hbm>>) target_semaphore(%arg15 : memref<!tpu.dma_semaphore, #tpu.memory_space<semaphore_mem>>)
    %dma_wait3A_56 = arith.constant 0 : i32
    %dma_wait3A_57 = tpu.memref_slice %arg4[%mul3A_4, %dma_wait3A_56] : memref<32768x128xf32, #tpu.memory_space<hbm>> -> memref<128x128xf32, #tpu.memory_space<hbm>>
    %dma_wait3A_58 = arith.constant 0 : i32
    %dma_wait3A_59 = tpu.memref_slice %arg4[%mul3A_4, %dma_wait3A_58] : memref<32768x128xf32, #tpu.memory_space<hbm>> -> memref<128x128xf32, #tpu.memory_space<hbm>>
    tpu.wait_dma2 semaphore(%arg15 : memref<!tpu.dma_semaphore, #tpu.memory_space<semaphore_mem>>) src(%arg7 : memref<128x128xf32, #tpu.memory_space<vmem>>) dst(%dma_wait3A_59 : memref<128x128xf32, #tpu.memory_space<hbm>>)
    %dma_start3A_60 = arith.constant 640 : i32
    %dma_start3A_61 = tpu.memref_slice %arg5[%dma_start3A_60] : memref<1024xi32, #tpu.memory_space<vmem>> -> memref<128xi32, #tpu.memory_space<vmem>>
    %dma_start3A_62 = arith.constant 0 : i32
    %dma_start3A_63 = arith.constant 0 : i32
    %dma_start3A_64 = tpu.memref_slice %arg2[%dma_start3A_62, %dma_start3A_63] : memref<524288x128xf32, #tpu.memory_space<hbm>> -> memref<524288x128xf32, #tpu.memory_space<hbm>>
    tpu.enqueue_indirect_dma source(%dma_start3A_64 : memref<524288x128xf32, #tpu.memory_space<hbm>>) target(%arg7 : memref<128x128xf32, #tpu.memory_space<vmem>>) offsets(%dma_start3A_61 : memref<128xi32, #tpu.memory_space<vmem>>) semaphore(%arg11 : memref<!tpu.dma_semaphore, #tpu.memory_space<semaphore_mem>>)
    %dma_wait3A_65 = arith.constant 0 : i32
    %dma_wait3A_66 = tpu.memref_slice %arg5[%dma_wait3A_65] : memref<1024xi32, #tpu.memory_space<vmem>> -> memref<128xi32, #tpu.memory_space<vmem>>
    %dma_wait3A_67 = arith.constant 0 : i32
    %dma_wait3A_68 = arith.constant 0 : i32
    %dma_wait3A_69 = tpu.memref_slice %arg2[%dma_wait3A_67, %dma_wait3A_68] : memref<524288x128xf32, #tpu.memory_space<hbm>> -> memref<524288x128xf32, #tpu.memory_space<hbm>>
    tpu.wait_indirect_dma semaphore(%arg12 : memref<!tpu.dma_semaphore, #tpu.memory_space<semaphore_mem>>) src(%dma_wait3A_69 : memref<524288x128xf32, #tpu.memory_space<hbm>>) dst(%arg8 : memref<128x128xf32, #tpu.memory_space<vmem>>)
    %add3A_70 = arith.constant 256 : i32
    %add3A_71 = arith.addi %mul3A_4, %add3A_70 : i32
    %dma_start3A_72 = arith.constant 0 : i32
    %dma_start3A_73 = tpu.memref_slice %arg4[%add3A_71, %dma_start3A_72] : memref<32768x128xf32, #tpu.memory_space<hbm>> -> memref<128x128xf32, #tpu.memory_space<hbm>>
    %dma_start3A_74 = arith.constant 0 : i32
    %dma_start3A_75 = tpu.memref_slice %arg4[%add3A_71, %dma_start3A_74] : memref<32768x128xf32, #tpu.memory_space<hbm>> -> memref<128x128xf32, #tpu.memory_space<hbm>>
    tpu.enqueue_dma source(%arg8 : memref<128x128xf32, #tpu.memory_space<vmem>>) target(%dma_start3A_75 : memref<128x128xf32, #tpu.memory_space<hbm>>) target_semaphore(%arg16 : memref<!tpu.dma_semaphore, #tpu.memory_space<semaphore_mem>>)
    %dma_wait3A_76 = arith.constant 0 : i32
    %dma_wait3A_77 = tpu.memref_slice %arg4[%mul3A_4, %dma_wait3A_76] : memref<32768x128xf32, #tpu.memory_space<hbm>> -> memref<128x128xf32, #tpu.memory_space<hbm>>
    %dma_wait3A_78 = arith.constant 0 : i32
    %dma_wait3A_79 = tpu.memref_slice %arg4[%mul3A_4, %dma_wait3A_78] : memref<32768x128xf32, #tpu.memory_space<hbm>> -> memref<128x128xf32, #tpu.memory_space<hbm>>
    tpu.wait_dma2 semaphore(%arg16 : memref<!tpu.dma_semaphore, #tpu.memory_space<semaphore_mem>>) src(%arg8 : memref<128x128xf32, #tpu.memory_space<vmem>>) dst(%dma_wait3A_79 : memref<128x128xf32, #tpu.memory_space<hbm>>)
    %dma_start3A_80 = arith.constant 768 : i32
    %dma_start3A_81 = tpu.memref_slice %arg5[%dma_start3A_80] : memref<1024xi32, #tpu.memory_space<vmem>> -> memref<128xi32, #tpu.memory_space<vmem>>
    %dma_start3A_82 = arith.constant 0 : i32
    %dma_start3A_83 = arith.constant 0 : i32
    %dma_start3A_84 = tpu.memref_slice %arg2[%dma_start3A_82, %dma_start3A_83] : memref<524288x128xf32, #tpu.memory_space<hbm>> -> memref<524288x128xf32, #tpu.memory_space<hbm>>
    tpu.enqueue_indirect_dma source(%dma_start3A_84 : memref<524288x128xf32, #tpu.memory_space<hbm>>) target(%arg8 : memref<128x128xf32, #tpu.memory_space<vmem>>) offsets(%dma_start3A_81 : memref<128xi32, #tpu.memory_space<vmem>>) semaphore(%arg12 : memref<!tpu.dma_semaphore, #tpu.memory_space<semaphore_mem>>)
    %dma_wait3A_85 = arith.constant 0 : i32
    %dma_wait3A_86 = tpu.memref_slice %arg5[%dma_wait3A_85] : memref<1024xi32, #tpu.memory_space<vmem>> -> memref<128xi32, #tpu.memory_space<vmem>>
    %dma_wait3A_87 = arith.constant 0 : i32
    %dma_wait3A_88 = arith.constant 0 : i32
    %dma_wait3A_89 = tpu.memref_slice %arg2[%dma_wait3A_87, %dma_wait3A_88] : memref<524288x128xf32, #tpu.memory_space<hbm>> -> memref<524288x128xf32, #tpu.memory_space<hbm>>
    tpu.wait_indirect_dma semaphore(%arg13 : memref<!tpu.dma_semaphore, #tpu.memory_space<semaphore_mem>>) src(%dma_wait3A_89 : memref<524288x128xf32, #tpu.memory_space<hbm>>) dst(%arg9 : memref<128x128xf32, #tpu.memory_space<vmem>>)
    %add3A_90 = arith.constant 384 : i32
    %add3A_91 = arith.addi %mul3A_4, %add3A_90 : i32
    %dma_start3A_92 = arith.constant 0 : i32
    %dma_start3A_93 = tpu.memref_slice %arg4[%add3A_91, %dma_start3A_92] : memref<32768x128xf32, #tpu.memory_space<hbm>> -> memref<128x128xf32, #tpu.memory_space<hbm>>
    %dma_start3A_94 = arith.constant 0 : i32
    %dma_start3A_95 = tpu.memref_slice %arg4[%add3A_91, %dma_start3A_94] : memref<32768x128xf32, #tpu.memory_space<hbm>> -> memref<128x128xf32, #tpu.memory_space<hbm>>
    tpu.enqueue_dma source(%arg9 : memref<128x128xf32, #tpu.memory_space<vmem>>) target(%dma_start3A_95 : memref<128x128xf32, #tpu.memory_space<hbm>>) target_semaphore(%arg17 : memref<!tpu.dma_semaphore, #tpu.memory_space<semaphore_mem>>)
    %dma_wait3A_96 = arith.constant 0 : i32
    %dma_wait3A_97 = tpu.memref_slice %arg4[%mul3A_4, %dma_wait3A_96] : memref<32768x128xf32, #tpu.memory_space<hbm>> -> memref<128x128xf32, #tpu.memory_space<hbm>>
    %dma_wait3A_98 = arith.constant 0 : i32
    %dma_wait3A_99 = tpu.memref_slice %arg4[%mul3A_4, %dma_wait3A_98] : memref<32768x128xf32, #tpu.memory_space<hbm>> -> memref<128x128xf32, #tpu.memory_space<hbm>>
    tpu.wait_dma2 semaphore(%arg17 : memref<!tpu.dma_semaphore, #tpu.memory_space<semaphore_mem>>) src(%arg9 : memref<128x128xf32, #tpu.memory_space<vmem>>) dst(%dma_wait3A_99 : memref<128x128xf32, #tpu.memory_space<hbm>>)
    %dma_start3A_100 = arith.constant 896 : i32
    %dma_start3A_101 = tpu.memref_slice %arg5[%dma_start3A_100] : memref<1024xi32, #tpu.memory_space<vmem>> -> memref<128xi32, #tpu.memory_space<vmem>>
    %dma_start3A_102 = arith.constant 0 : i32
    %dma_start3A_103 = arith.constant 0 : i32
    %dma_start3A_104 = tpu.memref_slice %arg2[%dma_start3A_102, %dma_start3A_103] : memref<524288x128xf32, #tpu.memory_space<hbm>> -> memref<524288x128xf32, #tpu.memory_space<hbm>>
    tpu.enqueue_indirect_dma source(%dma_start3A_104 : memref<524288x128xf32, #tpu.memory_space<hbm>>) target(%arg9 : memref<128x128xf32, #tpu.memory_space<vmem>>) offsets(%dma_start3A_101 : memref<128xi32, #tpu.memory_space<vmem>>) semaphore(%arg13 : memref<!tpu.dma_semaphore, #tpu.memory_space<semaphore_mem>>)
    %dma_wait3A_105 = arith.constant 0 : i32
    %dma_wait3A_106 = tpu.memref_slice %arg5[%dma_wait3A_105] : memref<1024xi32, #tpu.memory_space<vmem>> -> memref<128xi32, #tpu.memory_space<vmem>>
    %dma_wait3A_107 = arith.constant 0 : i32
    %dma_wait3A_108 = arith.constant 0 : i32
    %dma_wait3A_109 = tpu.memref_slice %arg2[%dma_wait3A_107, %dma_wait3A_108] : memref<524288x128xf32, #tpu.memory_space<hbm>> -> memref<524288x128xf32, #tpu.memory_space<hbm>>
    tpu.wait_indirect_dma semaphore(%arg10 : memref<!tpu.dma_semaphore, #tpu.memory_space<semaphore_mem>>) src(%dma_wait3A_109 : memref<524288x128xf32, #tpu.memory_space<hbm>>) dst(%arg6 : memref<128x128xf32, #tpu.memory_space<vmem>>)
    %add3A_110 = arith.constant 512 : i32
    %add3A_111 = arith.addi %mul3A_4, %add3A_110 : i32
    %dma_start3A_112 = arith.constant 0 : i32
    %dma_start3A_113 = tpu.memref_slice %arg4[%add3A_111, %dma_start3A_112] : memref<32768x128xf32, #tpu.memory_space<hbm>> -> memref<128x128xf32, #tpu.memory_space<hbm>>
    %dma_start3A_114 = arith.constant 0 : i32
    %dma_start3A_115 = tpu.memref_slice %arg4[%add3A_111, %dma_start3A_114] : memref<32768x128xf32, #tpu.memory_space<hbm>> -> memref<128x128xf32, #tpu.memory_space<hbm>>
    tpu.enqueue_dma source(%arg6 : memref<128x128xf32, #tpu.memory_space<vmem>>) target(%dma_start3A_115 : memref<128x128xf32, #tpu.memory_space<hbm>>) target_semaphore(%arg14 : memref<!tpu.dma_semaphore, #tpu.memory_space<semaphore_mem>>)
    %dma_wait3A_116 = arith.constant 0 : i32
    %dma_wait3A_117 = tpu.memref_slice %arg5[%dma_wait3A_116] : memref<1024xi32, #tpu.memory_space<vmem>> -> memref<128xi32, #tpu.memory_space<vmem>>
    %dma_wait3A_118 = arith.constant 0 : i32
    %dma_wait3A_119 = arith.constant 0 : i32
    %dma_wait3A_120 = tpu.memref_slice %arg2[%dma_wait3A_118, %dma_wait3A_119] : memref<524288x128xf32, #tpu.memory_space<hbm>> -> memref<524288x128xf32, #tpu.memory_space<hbm>>
    tpu.wait_indirect_dma semaphore(%arg11 : memref<!tpu.dma_semaphore, #tpu.memory_space<semaphore_mem>>) src(%dma_wait3A_120 : memref<524288x128xf32, #tpu.memory_space<hbm>>) dst(%arg7 : memref<128x128xf32, #tpu.memory_space<vmem>>)
    %add3A_121 = arith.constant 640 : i32
    %add3A_122 = arith.addi %mul3A_4, %add3A_121 : i32
    %dma_start3A_123 = arith.constant 0 : i32
    %dma_start3A_124 = tpu.memref_slice %arg4[%add3A_122, %dma_start3A_123] : memref<32768x128xf32, #tpu.memory_space<hbm>> -> memref<128x128xf32, #tpu.memory_space<hbm>>
    %dma_start3A_125 = arith.constant 0 : i32
    %dma_start3A_126 = tpu.memref_slice %arg4[%add3A_122, %dma_start3A_125] : memref<32768x128xf32, #tpu.memory_space<hbm>> -> memref<128x128xf32, #tpu.memory_space<hbm>>
    tpu.enqueue_dma source(%arg7 : memref<128x128xf32, #tpu.memory_space<vmem>>) target(%dma_start3A_126 : memref<128x128xf32, #tpu.memory_space<hbm>>) target_semaphore(%arg15 : memref<!tpu.dma_semaphore, #tpu.memory_space<semaphore_mem>>)
    %dma_wait3A_127 = arith.constant 0 : i32
    %dma_wait3A_128 = tpu.memref_slice %arg5[%dma_wait3A_127] : memref<1024xi32, #tpu.memory_space<vmem>> -> memref<128xi32, #tpu.memory_space<vmem>>
    %dma_wait3A_129 = arith.constant 0 : i32
    %dma_wait3A_130 = arith.constant 0 : i32
    %dma_wait3A_131 = tpu.memref_slice %arg2[%dma_wait3A_129, %dma_wait3A_130] : memref<524288x128xf32, #tpu.memory_space<hbm>> -> memref<524288x128xf32, #tpu.memory_space<hbm>>
    tpu.wait_indirect_dma semaphore(%arg12 : memref<!tpu.dma_semaphore, #tpu.memory_space<semaphore_mem>>) src(%dma_wait3A_131 : memref<524288x128xf32, #tpu.memory_space<hbm>>) dst(%arg8 : memref<128x128xf32, #tpu.memory_space<vmem>>)
    %add3A_132 = arith.constant 768 : i32
    %add3A_133 = arith.addi %mul3A_4, %add3A_132 : i32
    %dma_start3A_134 = arith.constant 0 : i32
    %dma_start3A_135 = tpu.memref_slice %arg4[%add3A_133, %dma_start3A_134] : memref<32768x128xf32, #tpu.memory_space<hbm>> -> memref<128x128xf32, #tpu.memory_space<hbm>>
    %dma_start3A_136 = arith.constant 0 : i32
    %dma_start3A_137 = tpu.memref_slice %arg4[%add3A_133, %dma_start3A_136] : memref<32768x128xf32, #tpu.memory_space<hbm>> -> memref<128x128xf32, #tpu.memory_space<hbm>>
    tpu.enqueue_dma source(%arg8 : memref<128x128xf32, #tpu.memory_space<vmem>>) target(%dma_start3A_137 : memref<128x128xf32, #tpu.memory_space<hbm>>) target_semaphore(%arg16 : memref<!tpu.dma_semaphore, #tpu.memory_space<semaphore_mem>>)
    %dma_wait3A_138 = arith.constant 0 : i32
    %dma_wait3A_139 = tpu.memref_slice %arg5[%dma_wait3A_138] : memref<1024xi32, #tpu.memory_space<vmem>> -> memref<128xi32, #tpu.memory_space<vmem>>
    %dma_wait3A_140 = arith.constant 0 : i32
    %dma_wait3A_141 = arith.constant 0 : i32
    %dma_wait3A_142 = tpu.memref_slice %arg2[%dma_wait3A_140, %dma_wait3A_141] : memref<524288x128xf32, #tpu.memory_space<hbm>> -> memref<524288x128xf32, #tpu.memory_space<hbm>>
    tpu.wait_indirect_dma semaphore(%arg13 : memref<!tpu.dma_semaphore, #tpu.memory_space<semaphore_mem>>) src(%dma_wait3A_142 : memref<524288x128xf32, #tpu.memory_space<hbm>>) dst(%arg9 : memref<128x128xf32, #tpu.memory_space<vmem>>)
    %add3A_143 = arith.constant 896 : i32
    %add3A_144 = arith.addi %mul3A_4, %add3A_143 : i32
    %dma_start3A_145 = arith.constant 0 : i32
    %dma_start3A_146 = tpu.memref_slice %arg4[%add3A_144, %dma_start3A_145] : memref<32768x128xf32, #tpu.memory_space<hbm>> -> memref<128x128xf32, #tpu.memory_space<hbm>>
    %dma_start3A_147 = arith.constant 0 : i32
    %dma_start3A_148 = tpu.memref_slice %arg4[%add3A_144, %dma_start3A_147] : memref<32768x128xf32, #tpu.memory_space<hbm>> -> memref<128x128xf32, #tpu.memory_space<hbm>>
    tpu.enqueue_dma source(%arg9 : memref<128x128xf32, #tpu.memory_space<vmem>>) target(%dma_start3A_148 : memref<128x128xf32, #tpu.memory_space<hbm>>) target_semaphore(%arg17 : memref<!tpu.dma_semaphore, #tpu.memory_space<semaphore_mem>>)
    %dma_wait3A_149 = arith.constant 0 : i32
    %dma_wait3A_150 = tpu.memref_slice %arg4[%mul3A_4, %dma_wait3A_149] : memref<32768x128xf32, #tpu.memory_space<hbm>> -> memref<128x128xf32, #tpu.memory_space<hbm>>
    %dma_wait3A_151 = arith.constant 0 : i32
    %dma_wait3A_152 = tpu.memref_slice %arg4[%mul3A_4, %dma_wait3A_151] : memref<32768x128xf32, #tpu.memory_space<hbm>> -> memref<128x128xf32, #tpu.memory_space<hbm>>
    tpu.wait_dma2 semaphore(%arg14 : memref<!tpu.dma_semaphore, #tpu.memory_space<semaphore_mem>>) src(%arg6 : memref<128x128xf32, #tpu.memory_space<vmem>>) dst(%dma_wait3A_152 : memref<128x128xf32, #tpu.memory_space<hbm>>)
    %dma_wait3A_153 = arith.constant 0 : i32
    %dma_wait3A_154 = tpu.memref_slice %arg4[%mul3A_4, %dma_wait3A_153] : memref<32768x128xf32, #tpu.memory_space<hbm>> -> memref<128x128xf32, #tpu.memory_space<hbm>>
    %dma_wait3A_155 = arith.constant 0 : i32
    %dma_wait3A_156 = tpu.memref_slice %arg4[%mul3A_4, %dma_wait3A_155] : memref<32768x128xf32, #tpu.memory_space<hbm>> -> memref<128x128xf32, #tpu.memory_space<hbm>>
    tpu.wait_dma2 semaphore(%arg15 : memref<!tpu.dma_semaphore, #tpu.memory_space<semaphore_mem>>) src(%arg7 : memref<128x128xf32, #tpu.memory_space<vmem>>) dst(%dma_wait3A_156 : memref<128x128xf32, #tpu.memory_space<hbm>>)
    %dma_wait3A_157 = arith.constant 0 : i32
    %dma_wait3A_158 = tpu.memref_slice %arg4[%mul3A_4, %dma_wait3A_157] : memref<32768x128xf32, #tpu.memory_space<hbm>> -> memref<128x128xf32, #tpu.memory_space<hbm>>
    %dma_wait3A_159 = arith.constant 0 : i32
    %dma_wait3A_160 = tpu.memref_slice %arg4[%mul3A_4, %dma_wait3A_159] : memref<32768x128xf32, #tpu.memory_space<hbm>> -> memref<128x128xf32, #tpu.memory_space<hbm>>
    tpu.wait_dma2 semaphore(%arg16 : memref<!tpu.dma_semaphore, #tpu.memory_space<semaphore_mem>>) src(%arg8 : memref<128x128xf32, #tpu.memory_space<vmem>>) dst(%dma_wait3A_160 : memref<128x128xf32, #tpu.memory_space<hbm>>)
    %dma_wait3A_161 = arith.constant 0 : i32
    %dma_wait3A_162 = tpu.memref_slice %arg4[%mul3A_4, %dma_wait3A_161] : memref<32768x128xf32, #tpu.memory_space<hbm>> -> memref<128x128xf32, #tpu.memory_space<hbm>>
    %dma_wait3A_163 = arith.constant 0 : i32
    %dma_wait3A_164 = tpu.memref_slice %arg4[%mul3A_4, %dma_wait3A_163] : memref<32768x128xf32, #tpu.memory_space<hbm>> -> memref<128x128xf32, #tpu.memory_space<hbm>>
    tpu.wait_dma2 semaphore(%arg17 : memref<!tpu.dma_semaphore, #tpu.memory_space<semaphore_mem>>) src(%arg9 : memref<128x128xf32, #tpu.memory_space<vmem>>) dst(%dma_wait3A_164 : memref<128x128xf32, #tpu.memory_space<hbm>>)
    return
  }
}

#map = affine_map<(d0, d1) -> (0, 0)>
#map1 = affine_map<(d0, d1) -> (0)>
module attributes {stable_mosaic.version = 14 : i64} {
  func.func @gather_kernel(%arg0: i32, %arg1: i32, %arg2: memref<524288x128xf32, #tpu.memory_space<hbm>>, %arg3: memref<131072xi32, #tpu.memory_space<hbm>>, %arg4: memref<32768x128xf32, #tpu.memory_space<hbm>>, %arg5: memref<1024xi32, #tpu.memory_space<vmem>>, %arg6: memref<128x128xf32, #tpu.memory_space<vmem>>, %arg7: memref<128x128xf32, #tpu.memory_space<vmem>>, %arg8: memref<128x128xf32, #tpu.memory_space<vmem>>, %arg9: memref<128x128xf32, #tpu.memory_space<vmem>>, %arg10: memref<!tpu.dma_semaphore, #tpu.memory_space<semaphore_mem>>, %arg11: memref<!tpu.dma_semaphore, #tpu.memory_space<semaphore_mem>>, %arg12: memref<!tpu.dma_semaphore, #tpu.memory_space<semaphore_mem>>, %arg13: memref<!tpu.dma_semaphore, #tpu.memory_space<semaphore_mem>>, %arg14: memref<!tpu.dma_semaphore, #tpu.memory_space<semaphore_mem>>, %arg15: memref<!tpu.dma_semaphore, #tpu.memory_space<semaphore_mem>>, %arg16: memref<!tpu.dma_semaphore, #tpu.memory_space<semaphore_mem>>, %arg17: memref<!tpu.dma_semaphore, #tpu.memory_space<semaphore_mem>>) attributes {dimension_semantics = [#tpu.dimension_semantics<core_parallel>, #tpu.dimension_semantics<subcore_parallel>], iteration_bounds = array<i64: 2, 16>, scalar_prefetch = 0 : i64, scratch_operands = 13 : i64, tpu.core_type = #tpu.core_type<sc_vector_subcore>, window_params = [{transform_indices = #map}, {transform_indices = #map1}, {transform_indices = #map}]} {
    %mul3A = arith.constant 2 : i32
    %mul3A_0 = arith.muli %arg1, %mul3A : i32
    %add3A = arith.addi %mul3A_0, %arg0 : i32
    %mul3A_1 = arith.constant 8 : i32
    %mul3A_2 = arith.muli %add3A, %mul3A_1 : i32
    %mul3A_3 = arith.constant 128 : i32
    %mul3A_4 = arith.muli %mul3A_2, %mul3A_3 : i32
    %add3A_5 = arith.constant 98304 : i32
    %add3A_6 = arith.addi %add3A_5, %mul3A_4 : i32
    "tpu.region"() ({
      %run_scoped3A = tpu.sem_alloc : memref<!tpu.dma_semaphore, #tpu.memory_space<semaphore_mem>>
      %dma_start3A_165 = tpu.memref_slice %arg3[%add3A_6] : memref<131072xi32, #tpu.memory_space<hbm>> -> memref<1024xi32, #tpu.memory_space<hbm>>
      %dma_start3A_166 = tpu.memref_slice %arg3[%add3A_6] : memref<131072xi32, #tpu.memory_space<hbm>> -> memref<1024xi32, #tpu.memory_space<hbm>>
      tpu.enqueue_dma source(%dma_start3A_166 : memref<1024xi32, #tpu.memory_space<hbm>>) target(%arg5 : memref<1024xi32, #tpu.memory_space<vmem>>) target_semaphore(%run_scoped3A : memref<!tpu.dma_semaphore, #tpu.memory_space<semaphore_mem>>)
      %dma_wait3A_167 = tpu.memref_slice %arg3[%add3A_6] : memref<131072xi32, #tpu.memory_space<hbm>> -> memref<1024xi32, #tpu.memory_space<hbm>>
      %dma_wait3A_168 = tpu.memref_slice %arg3[%add3A_6] : memref<131072xi32, #tpu.memory_space<hbm>> -> memref<1024xi32, #tpu.memory_space<hbm>>
      tpu.wait_dma2 semaphore(%run_scoped3A : memref<!tpu.dma_semaphore, #tpu.memory_space<semaphore_mem>>) src(%dma_wait3A_168 : memref<1024xi32, #tpu.memory_space<hbm>>) dst(%arg5 : memref<1024xi32, #tpu.memory_space<vmem>>)
      tpu.yield
    }) : () -> ()
    %dma_start3A = arith.constant 0 : i32
    %dma_start3A_7 = tpu.memref_slice %arg5[%dma_start3A] : memref<1024xi32, #tpu.memory_space<vmem>> -> memref<128xi32, #tpu.memory_space<vmem>>
    %dma_start3A_8 = arith.constant 0 : i32
    %dma_start3A_9 = arith.constant 0 : i32
    %dma_start3A_10 = tpu.memref_slice %arg2[%dma_start3A_8, %dma_start3A_9] : memref<524288x128xf32, #tpu.memory_space<hbm>> -> memref<524288x128xf32, #tpu.memory_space<hbm>>
    tpu.enqueue_indirect_dma source(%dma_start3A_10 : memref<524288x128xf32, #tpu.memory_space<hbm>>) target(%arg6 : memref<128x128xf32, #tpu.memory_space<vmem>>) offsets(%dma_start3A_7 : memref<128xi32, #tpu.memory_space<vmem>>) semaphore(%arg10 : memref<!tpu.dma_semaphore, #tpu.memory_space<semaphore_mem>>)
    %dma_start3A_11 = arith.constant 128 : i32
    %dma_start3A_12 = tpu.memref_slice %arg5[%dma_start3A_11] : memref<1024xi32, #tpu.memory_space<vmem>> -> memref<128xi32, #tpu.memory_space<vmem>>
    %dma_start3A_13 = arith.constant 0 : i32
    %dma_start3A_14 = arith.constant 0 : i32
    %dma_start3A_15 = tpu.memref_slice %arg2[%dma_start3A_13, %dma_start3A_14] : memref<524288x128xf32, #tpu.memory_space<hbm>> -> memref<524288x128xf32, #tpu.memory_space<hbm>>
    tpu.enqueue_indirect_dma source(%dma_start3A_15 : memref<524288x128xf32, #tpu.memory_space<hbm>>) target(%arg7 : memref<128x128xf32, #tpu.memory_space<vmem>>) offsets(%dma_start3A_12 : memref<128xi32, #tpu.memory_space<vmem>>) semaphore(%arg11 : memref<!tpu.dma_semaphore, #tpu.memory_space<semaphore_mem>>)
    %dma_start3A_16 = arith.constant 256 : i32
    %dma_start3A_17 = tpu.memref_slice %arg5[%dma_start3A_16] : memref<1024xi32, #tpu.memory_space<vmem>> -> memref<128xi32, #tpu.memory_space<vmem>>
    %dma_start3A_18 = arith.constant 0 : i32
    %dma_start3A_19 = arith.constant 0 : i32
    %dma_start3A_20 = tpu.memref_slice %arg2[%dma_start3A_18, %dma_start3A_19] : memref<524288x128xf32, #tpu.memory_space<hbm>> -> memref<524288x128xf32, #tpu.memory_space<hbm>>
    tpu.enqueue_indirect_dma source(%dma_start3A_20 : memref<524288x128xf32, #tpu.memory_space<hbm>>) target(%arg8 : memref<128x128xf32, #tpu.memory_space<vmem>>) offsets(%dma_start3A_17 : memref<128xi32, #tpu.memory_space<vmem>>) semaphore(%arg12 : memref<!tpu.dma_semaphore, #tpu.memory_space<semaphore_mem>>)
    %dma_start3A_21 = arith.constant 384 : i32
    %dma_start3A_22 = tpu.memref_slice %arg5[%dma_start3A_21] : memref<1024xi32, #tpu.memory_space<vmem>> -> memref<128xi32, #tpu.memory_space<vmem>>
    %dma_start3A_23 = arith.constant 0 : i32
    %dma_start3A_24 = arith.constant 0 : i32
    %dma_start3A_25 = tpu.memref_slice %arg2[%dma_start3A_23, %dma_start3A_24] : memref<524288x128xf32, #tpu.memory_space<hbm>> -> memref<524288x128xf32, #tpu.memory_space<hbm>>
    tpu.enqueue_indirect_dma source(%dma_start3A_25 : memref<524288x128xf32, #tpu.memory_space<hbm>>) target(%arg9 : memref<128x128xf32, #tpu.memory_space<vmem>>) offsets(%dma_start3A_22 : memref<128xi32, #tpu.memory_space<vmem>>) semaphore(%arg13 : memref<!tpu.dma_semaphore, #tpu.memory_space<semaphore_mem>>)
    %dma_wait3A = arith.constant 0 : i32
    %dma_wait3A_26 = tpu.memref_slice %arg5[%dma_wait3A] : memref<1024xi32, #tpu.memory_space<vmem>> -> memref<128xi32, #tpu.memory_space<vmem>>
    %dma_wait3A_27 = arith.constant 0 : i32
    %dma_wait3A_28 = arith.constant 0 : i32
    %dma_wait3A_29 = tpu.memref_slice %arg2[%dma_wait3A_27, %dma_wait3A_28] : memref<524288x128xf32, #tpu.memory_space<hbm>> -> memref<524288x128xf32, #tpu.memory_space<hbm>>
    tpu.wait_indirect_dma semaphore(%arg10 : memref<!tpu.dma_semaphore, #tpu.memory_space<semaphore_mem>>) src(%dma_wait3A_29 : memref<524288x128xf32, #tpu.memory_space<hbm>>) dst(%arg6 : memref<128x128xf32, #tpu.memory_space<vmem>>)
    %add3A_30 = arith.constant 0 : i32
    %add3A_31 = arith.addi %mul3A_4, %add3A_30 : i32
    %dma_start3A_32 = arith.constant 0 : i32
    %dma_start3A_33 = tpu.memref_slice %arg4[%add3A_31, %dma_start3A_32] : memref<32768x128xf32, #tpu.memory_space<hbm>> -> memref<128x128xf32, #tpu.memory_space<hbm>>
    %dma_start3A_34 = arith.constant 0 : i32
    %dma_start3A_35 = tpu.memref_slice %arg4[%add3A_31, %dma_start3A_34] : memref<32768x128xf32, #tpu.memory_space<hbm>> -> memref<128x128xf32, #tpu.memory_space<hbm>>
    tpu.enqueue_dma source(%arg6 : memref<128x128xf32, #tpu.memory_space<vmem>>) target(%dma_start3A_35 : memref<128x128xf32, #tpu.memory_space<hbm>>) target_semaphore(%arg14 : memref<!tpu.dma_semaphore, #tpu.memory_space<semaphore_mem>>)
    %dma_wait3A_36 = arith.constant 0 : i32
    %dma_wait3A_37 = tpu.memref_slice %arg4[%mul3A_4, %dma_wait3A_36] : memref<32768x128xf32, #tpu.memory_space<hbm>> -> memref<128x128xf32, #tpu.memory_space<hbm>>
    %dma_wait3A_38 = arith.constant 0 : i32
    %dma_wait3A_39 = tpu.memref_slice %arg4[%mul3A_4, %dma_wait3A_38] : memref<32768x128xf32, #tpu.memory_space<hbm>> -> memref<128x128xf32, #tpu.memory_space<hbm>>
    tpu.wait_dma2 semaphore(%arg14 : memref<!tpu.dma_semaphore, #tpu.memory_space<semaphore_mem>>) src(%arg6 : memref<128x128xf32, #tpu.memory_space<vmem>>) dst(%dma_wait3A_39 : memref<128x128xf32, #tpu.memory_space<hbm>>)
    %dma_start3A_40 = arith.constant 512 : i32
    %dma_start3A_41 = tpu.memref_slice %arg5[%dma_start3A_40] : memref<1024xi32, #tpu.memory_space<vmem>> -> memref<128xi32, #tpu.memory_space<vmem>>
    %dma_start3A_42 = arith.constant 0 : i32
    %dma_start3A_43 = arith.constant 0 : i32
    %dma_start3A_44 = tpu.memref_slice %arg2[%dma_start3A_42, %dma_start3A_43] : memref<524288x128xf32, #tpu.memory_space<hbm>> -> memref<524288x128xf32, #tpu.memory_space<hbm>>
    tpu.enqueue_indirect_dma source(%dma_start3A_44 : memref<524288x128xf32, #tpu.memory_space<hbm>>) target(%arg6 : memref<128x128xf32, #tpu.memory_space<vmem>>) offsets(%dma_start3A_41 : memref<128xi32, #tpu.memory_space<vmem>>) semaphore(%arg10 : memref<!tpu.dma_semaphore, #tpu.memory_space<semaphore_mem>>)
    %dma_wait3A_45 = arith.constant 0 : i32
    %dma_wait3A_46 = tpu.memref_slice %arg5[%dma_wait3A_45] : memref<1024xi32, #tpu.memory_space<vmem>> -> memref<128xi32, #tpu.memory_space<vmem>>
    %dma_wait3A_47 = arith.constant 0 : i32
    %dma_wait3A_48 = arith.constant 0 : i32
    %dma_wait3A_49 = tpu.memref_slice %arg2[%dma_wait3A_47, %dma_wait3A_48] : memref<524288x128xf32, #tpu.memory_space<hbm>> -> memref<524288x128xf32, #tpu.memory_space<hbm>>
    tpu.wait_indirect_dma semaphore(%arg11 : memref<!tpu.dma_semaphore, #tpu.memory_space<semaphore_mem>>) src(%dma_wait3A_49 : memref<524288x128xf32, #tpu.memory_space<hbm>>) dst(%arg7 : memref<128x128xf32, #tpu.memory_space<vmem>>)
    %add3A_50 = arith.constant 128 : i32
    %add3A_51 = arith.addi %mul3A_4, %add3A_50 : i32
    %dma_start3A_52 = arith.constant 0 : i32
    %dma_start3A_53 = tpu.memref_slice %arg4[%add3A_51, %dma_start3A_52] : memref<32768x128xf32, #tpu.memory_space<hbm>> -> memref<128x128xf32, #tpu.memory_space<hbm>>
    %dma_start3A_54 = arith.constant 0 : i32
    %dma_start3A_55 = tpu.memref_slice %arg4[%add3A_51, %dma_start3A_54] : memref<32768x128xf32, #tpu.memory_space<hbm>> -> memref<128x128xf32, #tpu.memory_space<hbm>>
    tpu.enqueue_dma source(%arg7 : memref<128x128xf32, #tpu.memory_space<vmem>>) target(%dma_start3A_55 : memref<128x128xf32, #tpu.memory_space<hbm>>) target_semaphore(%arg15 : memref<!tpu.dma_semaphore, #tpu.memory_space<semaphore_mem>>)
    %dma_wait3A_56 = arith.constant 0 : i32
    %dma_wait3A_57 = tpu.memref_slice %arg4[%mul3A_4, %dma_wait3A_56] : memref<32768x128xf32, #tpu.memory_space<hbm>> -> memref<128x128xf32, #tpu.memory_space<hbm>>
    %dma_wait3A_58 = arith.constant 0 : i32
    %dma_wait3A_59 = tpu.memref_slice %arg4[%mul3A_4, %dma_wait3A_58] : memref<32768x128xf32, #tpu.memory_space<hbm>> -> memref<128x128xf32, #tpu.memory_space<hbm>>
    tpu.wait_dma2 semaphore(%arg15 : memref<!tpu.dma_semaphore, #tpu.memory_space<semaphore_mem>>) src(%arg7 : memref<128x128xf32, #tpu.memory_space<vmem>>) dst(%dma_wait3A_59 : memref<128x128xf32, #tpu.memory_space<hbm>>)
    %dma_start3A_60 = arith.constant 640 : i32
    %dma_start3A_61 = tpu.memref_slice %arg5[%dma_start3A_60] : memref<1024xi32, #tpu.memory_space<vmem>> -> memref<128xi32, #tpu.memory_space<vmem>>
    %dma_start3A_62 = arith.constant 0 : i32
    %dma_start3A_63 = arith.constant 0 : i32
    %dma_start3A_64 = tpu.memref_slice %arg2[%dma_start3A_62, %dma_start3A_63] : memref<524288x128xf32, #tpu.memory_space<hbm>> -> memref<524288x128xf32, #tpu.memory_space<hbm>>
    tpu.enqueue_indirect_dma source(%dma_start3A_64 : memref<524288x128xf32, #tpu.memory_space<hbm>>) target(%arg7 : memref<128x128xf32, #tpu.memory_space<vmem>>) offsets(%dma_start3A_61 : memref<128xi32, #tpu.memory_space<vmem>>) semaphore(%arg11 : memref<!tpu.dma_semaphore, #tpu.memory_space<semaphore_mem>>)
    %dma_wait3A_65 = arith.constant 0 : i32
    %dma_wait3A_66 = tpu.memref_slice %arg5[%dma_wait3A_65] : memref<1024xi32, #tpu.memory_space<vmem>> -> memref<128xi32, #tpu.memory_space<vmem>>
    %dma_wait3A_67 = arith.constant 0 : i32
    %dma_wait3A_68 = arith.constant 0 : i32
    %dma_wait3A_69 = tpu.memref_slice %arg2[%dma_wait3A_67, %dma_wait3A_68] : memref<524288x128xf32, #tpu.memory_space<hbm>> -> memref<524288x128xf32, #tpu.memory_space<hbm>>
    tpu.wait_indirect_dma semaphore(%arg12 : memref<!tpu.dma_semaphore, #tpu.memory_space<semaphore_mem>>) src(%dma_wait3A_69 : memref<524288x128xf32, #tpu.memory_space<hbm>>) dst(%arg8 : memref<128x128xf32, #tpu.memory_space<vmem>>)
    %add3A_70 = arith.constant 256 : i32
    %add3A_71 = arith.addi %mul3A_4, %add3A_70 : i32
    %dma_start3A_72 = arith.constant 0 : i32
    %dma_start3A_73 = tpu.memref_slice %arg4[%add3A_71, %dma_start3A_72] : memref<32768x128xf32, #tpu.memory_space<hbm>> -> memref<128x128xf32, #tpu.memory_space<hbm>>
    %dma_start3A_74 = arith.constant 0 : i32
    %dma_start3A_75 = tpu.memref_slice %arg4[%add3A_71, %dma_start3A_74] : memref<32768x128xf32, #tpu.memory_space<hbm>> -> memref<128x128xf32, #tpu.memory_space<hbm>>
    tpu.enqueue_dma source(%arg8 : memref<128x128xf32, #tpu.memory_space<vmem>>) target(%dma_start3A_75 : memref<128x128xf32, #tpu.memory_space<hbm>>) target_semaphore(%arg16 : memref<!tpu.dma_semaphore, #tpu.memory_space<semaphore_mem>>)
    %dma_wait3A_76 = arith.constant 0 : i32
    %dma_wait3A_77 = tpu.memref_slice %arg4[%mul3A_4, %dma_wait3A_76] : memref<32768x128xf32, #tpu.memory_space<hbm>> -> memref<128x128xf32, #tpu.memory_space<hbm>>
    %dma_wait3A_78 = arith.constant 0 : i32
    %dma_wait3A_79 = tpu.memref_slice %arg4[%mul3A_4, %dma_wait3A_78] : memref<32768x128xf32, #tpu.memory_space<hbm>> -> memref<128x128xf32, #tpu.memory_space<hbm>>
    tpu.wait_dma2 semaphore(%arg16 : memref<!tpu.dma_semaphore, #tpu.memory_space<semaphore_mem>>) src(%arg8 : memref<128x128xf32, #tpu.memory_space<vmem>>) dst(%dma_wait3A_79 : memref<128x128xf32, #tpu.memory_space<hbm>>)
    %dma_start3A_80 = arith.constant 768 : i32
    %dma_start3A_81 = tpu.memref_slice %arg5[%dma_start3A_80] : memref<1024xi32, #tpu.memory_space<vmem>> -> memref<128xi32, #tpu.memory_space<vmem>>
    %dma_start3A_82 = arith.constant 0 : i32
    %dma_start3A_83 = arith.constant 0 : i32
    %dma_start3A_84 = tpu.memref_slice %arg2[%dma_start3A_82, %dma_start3A_83] : memref<524288x128xf32, #tpu.memory_space<hbm>> -> memref<524288x128xf32, #tpu.memory_space<hbm>>
    tpu.enqueue_indirect_dma source(%dma_start3A_84 : memref<524288x128xf32, #tpu.memory_space<hbm>>) target(%arg8 : memref<128x128xf32, #tpu.memory_space<vmem>>) offsets(%dma_start3A_81 : memref<128xi32, #tpu.memory_space<vmem>>) semaphore(%arg12 : memref<!tpu.dma_semaphore, #tpu.memory_space<semaphore_mem>>)
    %dma_wait3A_85 = arith.constant 0 : i32
    %dma_wait3A_86 = tpu.memref_slice %arg5[%dma_wait3A_85] : memref<1024xi32, #tpu.memory_space<vmem>> -> memref<128xi32, #tpu.memory_space<vmem>>
    %dma_wait3A_87 = arith.constant 0 : i32
    %dma_wait3A_88 = arith.constant 0 : i32
    %dma_wait3A_89 = tpu.memref_slice %arg2[%dma_wait3A_87, %dma_wait3A_88] : memref<524288x128xf32, #tpu.memory_space<hbm>> -> memref<524288x128xf32, #tpu.memory_space<hbm>>
    tpu.wait_indirect_dma semaphore(%arg13 : memref<!tpu.dma_semaphore, #tpu.memory_space<semaphore_mem>>) src(%dma_wait3A_89 : memref<524288x128xf32, #tpu.memory_space<hbm>>) dst(%arg9 : memref<128x128xf32, #tpu.memory_space<vmem>>)
    %add3A_90 = arith.constant 384 : i32
    %add3A_91 = arith.addi %mul3A_4, %add3A_90 : i32
    %dma_start3A_92 = arith.constant 0 : i32
    %dma_start3A_93 = tpu.memref_slice %arg4[%add3A_91, %dma_start3A_92] : memref<32768x128xf32, #tpu.memory_space<hbm>> -> memref<128x128xf32, #tpu.memory_space<hbm>>
    %dma_start3A_94 = arith.constant 0 : i32
    %dma_start3A_95 = tpu.memref_slice %arg4[%add3A_91, %dma_start3A_94] : memref<32768x128xf32, #tpu.memory_space<hbm>> -> memref<128x128xf32, #tpu.memory_space<hbm>>
    tpu.enqueue_dma source(%arg9 : memref<128x128xf32, #tpu.memory_space<vmem>>) target(%dma_start3A_95 : memref<128x128xf32, #tpu.memory_space<hbm>>) target_semaphore(%arg17 : memref<!tpu.dma_semaphore, #tpu.memory_space<semaphore_mem>>)
    %dma_wait3A_96 = arith.constant 0 : i32
    %dma_wait3A_97 = tpu.memref_slice %arg4[%mul3A_4, %dma_wait3A_96] : memref<32768x128xf32, #tpu.memory_space<hbm>> -> memref<128x128xf32, #tpu.memory_space<hbm>>
    %dma_wait3A_98 = arith.constant 0 : i32
    %dma_wait3A_99 = tpu.memref_slice %arg4[%mul3A_4, %dma_wait3A_98] : memref<32768x128xf32, #tpu.memory_space<hbm>> -> memref<128x128xf32, #tpu.memory_space<hbm>>
    tpu.wait_dma2 semaphore(%arg17 : memref<!tpu.dma_semaphore, #tpu.memory_space<semaphore_mem>>) src(%arg9 : memref<128x128xf32, #tpu.memory_space<vmem>>) dst(%dma_wait3A_99 : memref<128x128xf32, #tpu.memory_space<hbm>>)
    %dma_start3A_100 = arith.constant 896 : i32
    %dma_start3A_101 = tpu.memref_slice %arg5[%dma_start3A_100] : memref<1024xi32, #tpu.memory_space<vmem>> -> memref<128xi32, #tpu.memory_space<vmem>>
    %dma_start3A_102 = arith.constant 0 : i32
    %dma_start3A_103 = arith.constant 0 : i32
    %dma_start3A_104 = tpu.memref_slice %arg2[%dma_start3A_102, %dma_start3A_103] : memref<524288x128xf32, #tpu.memory_space<hbm>> -> memref<524288x128xf32, #tpu.memory_space<hbm>>
    tpu.enqueue_indirect_dma source(%dma_start3A_104 : memref<524288x128xf32, #tpu.memory_space<hbm>>) target(%arg9 : memref<128x128xf32, #tpu.memory_space<vmem>>) offsets(%dma_start3A_101 : memref<128xi32, #tpu.memory_space<vmem>>) semaphore(%arg13 : memref<!tpu.dma_semaphore, #tpu.memory_space<semaphore_mem>>)
    %dma_wait3A_105 = arith.constant 0 : i32
    %dma_wait3A_106 = tpu.memref_slice %arg5[%dma_wait3A_105] : memref<1024xi32, #tpu.memory_space<vmem>> -> memref<128xi32, #tpu.memory_space<vmem>>
    %dma_wait3A_107 = arith.constant 0 : i32
    %dma_wait3A_108 = arith.constant 0 : i32
    %dma_wait3A_109 = tpu.memref_slice %arg2[%dma_wait3A_107, %dma_wait3A_108] : memref<524288x128xf32, #tpu.memory_space<hbm>> -> memref<524288x128xf32, #tpu.memory_space<hbm>>
    tpu.wait_indirect_dma semaphore(%arg10 : memref<!tpu.dma_semaphore, #tpu.memory_space<semaphore_mem>>) src(%dma_wait3A_109 : memref<524288x128xf32, #tpu.memory_space<hbm>>) dst(%arg6 : memref<128x128xf32, #tpu.memory_space<vmem>>)
    %add3A_110 = arith.constant 512 : i32
    %add3A_111 = arith.addi %mul3A_4, %add3A_110 : i32
    %dma_start3A_112 = arith.constant 0 : i32
    %dma_start3A_113 = tpu.memref_slice %arg4[%add3A_111, %dma_start3A_112] : memref<32768x128xf32, #tpu.memory_space<hbm>> -> memref<128x128xf32, #tpu.memory_space<hbm>>
    %dma_start3A_114 = arith.constant 0 : i32
    %dma_start3A_115 = tpu.memref_slice %arg4[%add3A_111, %dma_start3A_114] : memref<32768x128xf32, #tpu.memory_space<hbm>> -> memref<128x128xf32, #tpu.memory_space<hbm>>
    tpu.enqueue_dma source(%arg6 : memref<128x128xf32, #tpu.memory_space<vmem>>) target(%dma_start3A_115 : memref<128x128xf32, #tpu.memory_space<hbm>>) target_semaphore(%arg14 : memref<!tpu.dma_semaphore, #tpu.memory_space<semaphore_mem>>)
    %dma_wait3A_116 = arith.constant 0 : i32
    %dma_wait3A_117 = tpu.memref_slice %arg5[%dma_wait3A_116] : memref<1024xi32, #tpu.memory_space<vmem>> -> memref<128xi32, #tpu.memory_space<vmem>>
    %dma_wait3A_118 = arith.constant 0 : i32
    %dma_wait3A_119 = arith.constant 0 : i32
    %dma_wait3A_120 = tpu.memref_slice %arg2[%dma_wait3A_118, %dma_wait3A_119] : memref<524288x128xf32, #tpu.memory_space<hbm>> -> memref<524288x128xf32, #tpu.memory_space<hbm>>
    tpu.wait_indirect_dma semaphore(%arg11 : memref<!tpu.dma_semaphore, #tpu.memory_space<semaphore_mem>>) src(%dma_wait3A_120 : memref<524288x128xf32, #tpu.memory_space<hbm>>) dst(%arg7 : memref<128x128xf32, #tpu.memory_space<vmem>>)
    %add3A_121 = arith.constant 640 : i32
    %add3A_122 = arith.addi %mul3A_4, %add3A_121 : i32
    %dma_start3A_123 = arith.constant 0 : i32
    %dma_start3A_124 = tpu.memref_slice %arg4[%add3A_122, %dma_start3A_123] : memref<32768x128xf32, #tpu.memory_space<hbm>> -> memref<128x128xf32, #tpu.memory_space<hbm>>
    %dma_start3A_125 = arith.constant 0 : i32
    %dma_start3A_126 = tpu.memref_slice %arg4[%add3A_122, %dma_start3A_125] : memref<32768x128xf32, #tpu.memory_space<hbm>> -> memref<128x128xf32, #tpu.memory_space<hbm>>
    tpu.enqueue_dma source(%arg7 : memref<128x128xf32, #tpu.memory_space<vmem>>) target(%dma_start3A_126 : memref<128x128xf32, #tpu.memory_space<hbm>>) target_semaphore(%arg15 : memref<!tpu.dma_semaphore, #tpu.memory_space<semaphore_mem>>)
    %dma_wait3A_127 = arith.constant 0 : i32
    %dma_wait3A_128 = tpu.memref_slice %arg5[%dma_wait3A_127] : memref<1024xi32, #tpu.memory_space<vmem>> -> memref<128xi32, #tpu.memory_space<vmem>>
    %dma_wait3A_129 = arith.constant 0 : i32
    %dma_wait3A_130 = arith.constant 0 : i32
    %dma_wait3A_131 = tpu.memref_slice %arg2[%dma_wait3A_129, %dma_wait3A_130] : memref<524288x128xf32, #tpu.memory_space<hbm>> -> memref<524288x128xf32, #tpu.memory_space<hbm>>
    tpu.wait_indirect_dma semaphore(%arg12 : memref<!tpu.dma_semaphore, #tpu.memory_space<semaphore_mem>>) src(%dma_wait3A_131 : memref<524288x128xf32, #tpu.memory_space<hbm>>) dst(%arg8 : memref<128x128xf32, #tpu.memory_space<vmem>>)
    %add3A_132 = arith.constant 768 : i32
    %add3A_133 = arith.addi %mul3A_4, %add3A_132 : i32
    %dma_start3A_134 = arith.constant 0 : i32
    %dma_start3A_135 = tpu.memref_slice %arg4[%add3A_133, %dma_start3A_134] : memref<32768x128xf32, #tpu.memory_space<hbm>> -> memref<128x128xf32, #tpu.memory_space<hbm>>
    %dma_start3A_136 = arith.constant 0 : i32
    %dma_start3A_137 = tpu.memref_slice %arg4[%add3A_133, %dma_start3A_136] : memref<32768x128xf32, #tpu.memory_space<hbm>> -> memref<128x128xf32, #tpu.memory_space<hbm>>
    tpu.enqueue_dma source(%arg8 : memref<128x128xf32, #tpu.memory_space<vmem>>) target(%dma_start3A_137 : memref<128x128xf32, #tpu.memory_space<hbm>>) target_semaphore(%arg16 : memref<!tpu.dma_semaphore, #tpu.memory_space<semaphore_mem>>)
    %dma_wait3A_138 = arith.constant 0 : i32
    %dma_wait3A_139 = tpu.memref_slice %arg5[%dma_wait3A_138] : memref<1024xi32, #tpu.memory_space<vmem>> -> memref<128xi32, #tpu.memory_space<vmem>>
    %dma_wait3A_140 = arith.constant 0 : i32
    %dma_wait3A_141 = arith.constant 0 : i32
    %dma_wait3A_142 = tpu.memref_slice %arg2[%dma_wait3A_140, %dma_wait3A_141] : memref<524288x128xf32, #tpu.memory_space<hbm>> -> memref<524288x128xf32, #tpu.memory_space<hbm>>
    tpu.wait_indirect_dma semaphore(%arg13 : memref<!tpu.dma_semaphore, #tpu.memory_space<semaphore_mem>>) src(%dma_wait3A_142 : memref<524288x128xf32, #tpu.memory_space<hbm>>) dst(%arg9 : memref<128x128xf32, #tpu.memory_space<vmem>>)
    %add3A_143 = arith.constant 896 : i32
    %add3A_144 = arith.addi %mul3A_4, %add3A_143 : i32
    %dma_start3A_145 = arith.constant 0 : i32
    %dma_start3A_146 = tpu.memref_slice %arg4[%add3A_144, %dma_start3A_145] : memref<32768x128xf32, #tpu.memory_space<hbm>> -> memref<128x128xf32, #tpu.memory_space<hbm>>
    %dma_start3A_147 = arith.constant 0 : i32
    %dma_start3A_148 = tpu.memref_slice %arg4[%add3A_144, %dma_start3A_147] : memref<32768x128xf32, #tpu.memory_space<hbm>> -> memref<128x128xf32, #tpu.memory_space<hbm>>
    tpu.enqueue_dma source(%arg9 : memref<128x128xf32, #tpu.memory_space<vmem>>) target(%dma_start3A_148 : memref<128x128xf32, #tpu.memory_space<hbm>>) target_semaphore(%arg17 : memref<!tpu.dma_semaphore, #tpu.memory_space<semaphore_mem>>)
    %dma_wait3A_149 = arith.constant 0 : i32
    %dma_wait3A_150 = tpu.memref_slice %arg4[%mul3A_4, %dma_wait3A_149] : memref<32768x128xf32, #tpu.memory_space<hbm>> -> memref<128x128xf32, #tpu.memory_space<hbm>>
    %dma_wait3A_151 = arith.constant 0 : i32
    %dma_wait3A_152 = tpu.memref_slice %arg4[%mul3A_4, %dma_wait3A_151] : memref<32768x128xf32, #tpu.memory_space<hbm>> -> memref<128x128xf32, #tpu.memory_space<hbm>>
    tpu.wait_dma2 semaphore(%arg14 : memref<!tpu.dma_semaphore, #tpu.memory_space<semaphore_mem>>) src(%arg6 : memref<128x128xf32, #tpu.memory_space<vmem>>) dst(%dma_wait3A_152 : memref<128x128xf32, #tpu.memory_space<hbm>>)
    %dma_wait3A_153 = arith.constant 0 : i32
    %dma_wait3A_154 = tpu.memref_slice %arg4[%mul3A_4, %dma_wait3A_153] : memref<32768x128xf32, #tpu.memory_space<hbm>> -> memref<128x128xf32, #tpu.memory_space<hbm>>
    %dma_wait3A_155 = arith.constant 0 : i32
    %dma_wait3A_156 = tpu.memref_slice %arg4[%mul3A_4, %dma_wait3A_155] : memref<32768x128xf32, #tpu.memory_space<hbm>> -> memref<128x128xf32, #tpu.memory_space<hbm>>
    tpu.wait_dma2 semaphore(%arg15 : memref<!tpu.dma_semaphore, #tpu.memory_space<semaphore_mem>>) src(%arg7 : memref<128x128xf32, #tpu.memory_space<vmem>>) dst(%dma_wait3A_156 : memref<128x128xf32, #tpu.memory_space<hbm>>)
    %dma_wait3A_157 = arith.constant 0 : i32
    %dma_wait3A_158 = tpu.memref_slice %arg4[%mul3A_4, %dma_wait3A_157] : memref<32768x128xf32, #tpu.memory_space<hbm>> -> memref<128x128xf32, #tpu.memory_space<hbm>>
    %dma_wait3A_159 = arith.constant 0 : i32
    %dma_wait3A_160 = tpu.memref_slice %arg4[%mul3A_4, %dma_wait3A_159] : memref<32768x128xf32, #tpu.memory_space<hbm>> -> memref<128x128xf32, #tpu.memory_space<hbm>>
    tpu.wait_dma2 semaphore(%arg16 : memref<!tpu.dma_semaphore, #tpu.memory_space<semaphore_mem>>) src(%arg8 : memref<128x128xf32, #tpu.memory_space<vmem>>) dst(%dma_wait3A_160 : memref<128x128xf32, #tpu.memory_space<hbm>>)
    %dma_wait3A_161 = arith.constant 0 : i32
    %dma_wait3A_162 = tpu.memref_slice %arg4[%mul3A_4, %dma_wait3A_161] : memref<32768x128xf32, #tpu.memory_space<hbm>> -> memref<128x128xf32, #tpu.memory_space<hbm>>
    %dma_wait3A_163 = arith.constant 0 : i32
    %dma_wait3A_164 = tpu.memref_slice %arg4[%mul3A_4, %dma_wait3A_163] : memref<32768x128xf32, #tpu.memory_space<hbm>> -> memref<128x128xf32, #tpu.memory_space<hbm>>
    tpu.wait_dma2 semaphore(%arg17 : memref<!tpu.dma_semaphore, #tpu.memory_space<semaphore_mem>>) src(%arg9 : memref<128x128xf32, #tpu.memory_space<vmem>>) dst(%dma_wait3A_164 : memref<128x128xf32, #tpu.memory_space<hbm>>)
    return
  }
}

#map = affine_map<(d0, d1) -> (0, 0)>
#map1 = affine_map<(d0, d1) -> (0)>
module attributes {stable_mosaic.version = 14 : i64} {
  func.func @gather_kernel(%arg0: i32, %arg1: i32, %arg2: memref<524288x128xf32, #tpu.memory_space<hbm>>, %arg3: memref<131072xi32, #tpu.memory_space<hbm>>, %arg4: memref<32768x128xf32, #tpu.memory_space<hbm>>, %arg5: memref<1024xi32, #tpu.memory_space<vmem>>, %arg6: memref<128x128xf32, #tpu.memory_space<vmem>>, %arg7: memref<128x128xf32, #tpu.memory_space<vmem>>, %arg8: memref<128x128xf32, #tpu.memory_space<vmem>>, %arg9: memref<128x128xf32, #tpu.memory_space<vmem>>, %arg10: memref<!tpu.dma_semaphore, #tpu.memory_space<semaphore_mem>>, %arg11: memref<!tpu.dma_semaphore, #tpu.memory_space<semaphore_mem>>, %arg12: memref<!tpu.dma_semaphore, #tpu.memory_space<semaphore_mem>>, %arg13: memref<!tpu.dma_semaphore, #tpu.memory_space<semaphore_mem>>, %arg14: memref<!tpu.dma_semaphore, #tpu.memory_space<semaphore_mem>>, %arg15: memref<!tpu.dma_semaphore, #tpu.memory_space<semaphore_mem>>, %arg16: memref<!tpu.dma_semaphore, #tpu.memory_space<semaphore_mem>>, %arg17: memref<!tpu.dma_semaphore, #tpu.memory_space<semaphore_mem>>) attributes {dimension_semantics = [#tpu.dimension_semantics<core_parallel>, #tpu.dimension_semantics<subcore_parallel>], iteration_bounds = array<i64: 2, 16>, scalar_prefetch = 0 : i64, scratch_operands = 13 : i64, tpu.core_type = #tpu.core_type<sc_vector_subcore>, window_params = [{transform_indices = #map}, {transform_indices = #map1}, {transform_indices = #map}]} {
    %mul3A = arith.constant 2 : i32
    %mul3A_0 = arith.muli %arg1, %mul3A : i32
    %add3A = arith.addi %mul3A_0, %arg0 : i32
    %mul3A_1 = arith.constant 8 : i32
    %mul3A_2 = arith.muli %add3A, %mul3A_1 : i32
    %mul3A_3 = arith.constant 128 : i32
    %mul3A_4 = arith.muli %mul3A_2, %mul3A_3 : i32
    %add3A_5 = arith.constant 32768 : i32
    %add3A_6 = arith.addi %add3A_5, %mul3A_4 : i32
    "tpu.region"() ({
      %run_scoped3A = tpu.sem_alloc : memref<!tpu.dma_semaphore, #tpu.memory_space<semaphore_mem>>
      %dma_start3A_165 = tpu.memref_slice %arg3[%add3A_6] : memref<131072xi32, #tpu.memory_space<hbm>> -> memref<1024xi32, #tpu.memory_space<hbm>>
      %dma_start3A_166 = tpu.memref_slice %arg3[%add3A_6] : memref<131072xi32, #tpu.memory_space<hbm>> -> memref<1024xi32, #tpu.memory_space<hbm>>
      tpu.enqueue_dma source(%dma_start3A_166 : memref<1024xi32, #tpu.memory_space<hbm>>) target(%arg5 : memref<1024xi32, #tpu.memory_space<vmem>>) target_semaphore(%run_scoped3A : memref<!tpu.dma_semaphore, #tpu.memory_space<semaphore_mem>>)
      %dma_wait3A_167 = tpu.memref_slice %arg3[%add3A_6] : memref<131072xi32, #tpu.memory_space<hbm>> -> memref<1024xi32, #tpu.memory_space<hbm>>
      %dma_wait3A_168 = tpu.memref_slice %arg3[%add3A_6] : memref<131072xi32, #tpu.memory_space<hbm>> -> memref<1024xi32, #tpu.memory_space<hbm>>
      tpu.wait_dma2 semaphore(%run_scoped3A : memref<!tpu.dma_semaphore, #tpu.memory_space<semaphore_mem>>) src(%dma_wait3A_168 : memref<1024xi32, #tpu.memory_space<hbm>>) dst(%arg5 : memref<1024xi32, #tpu.memory_space<vmem>>)
      tpu.yield
    }) : () -> ()
    %dma_start3A = arith.constant 0 : i32
    %dma_start3A_7 = tpu.memref_slice %arg5[%dma_start3A] : memref<1024xi32, #tpu.memory_space<vmem>> -> memref<128xi32, #tpu.memory_space<vmem>>
    %dma_start3A_8 = arith.constant 0 : i32
    %dma_start3A_9 = arith.constant 0 : i32
    %dma_start3A_10 = tpu.memref_slice %arg2[%dma_start3A_8, %dma_start3A_9] : memref<524288x128xf32, #tpu.memory_space<hbm>> -> memref<524288x128xf32, #tpu.memory_space<hbm>>
    tpu.enqueue_indirect_dma source(%dma_start3A_10 : memref<524288x128xf32, #tpu.memory_space<hbm>>) target(%arg6 : memref<128x128xf32, #tpu.memory_space<vmem>>) offsets(%dma_start3A_7 : memref<128xi32, #tpu.memory_space<vmem>>) semaphore(%arg10 : memref<!tpu.dma_semaphore, #tpu.memory_space<semaphore_mem>>)
    %dma_start3A_11 = arith.constant 128 : i32
    %dma_start3A_12 = tpu.memref_slice %arg5[%dma_start3A_11] : memref<1024xi32, #tpu.memory_space<vmem>> -> memref<128xi32, #tpu.memory_space<vmem>>
    %dma_start3A_13 = arith.constant 0 : i32
    %dma_start3A_14 = arith.constant 0 : i32
    %dma_start3A_15 = tpu.memref_slice %arg2[%dma_start3A_13, %dma_start3A_14] : memref<524288x128xf32, #tpu.memory_space<hbm>> -> memref<524288x128xf32, #tpu.memory_space<hbm>>
    tpu.enqueue_indirect_dma source(%dma_start3A_15 : memref<524288x128xf32, #tpu.memory_space<hbm>>) target(%arg7 : memref<128x128xf32, #tpu.memory_space<vmem>>) offsets(%dma_start3A_12 : memref<128xi32, #tpu.memory_space<vmem>>) semaphore(%arg11 : memref<!tpu.dma_semaphore, #tpu.memory_space<semaphore_mem>>)
    %dma_start3A_16 = arith.constant 256 : i32
    %dma_start3A_17 = tpu.memref_slice %arg5[%dma_start3A_16] : memref<1024xi32, #tpu.memory_space<vmem>> -> memref<128xi32, #tpu.memory_space<vmem>>
    %dma_start3A_18 = arith.constant 0 : i32
    %dma_start3A_19 = arith.constant 0 : i32
    %dma_start3A_20 = tpu.memref_slice %arg2[%dma_start3A_18, %dma_start3A_19] : memref<524288x128xf32, #tpu.memory_space<hbm>> -> memref<524288x128xf32, #tpu.memory_space<hbm>>
    tpu.enqueue_indirect_dma source(%dma_start3A_20 : memref<524288x128xf32, #tpu.memory_space<hbm>>) target(%arg8 : memref<128x128xf32, #tpu.memory_space<vmem>>) offsets(%dma_start3A_17 : memref<128xi32, #tpu.memory_space<vmem>>) semaphore(%arg12 : memref<!tpu.dma_semaphore, #tpu.memory_space<semaphore_mem>>)
    %dma_start3A_21 = arith.constant 384 : i32
    %dma_start3A_22 = tpu.memref_slice %arg5[%dma_start3A_21] : memref<1024xi32, #tpu.memory_space<vmem>> -> memref<128xi32, #tpu.memory_space<vmem>>
    %dma_start3A_23 = arith.constant 0 : i32
    %dma_start3A_24 = arith.constant 0 : i32
    %dma_start3A_25 = tpu.memref_slice %arg2[%dma_start3A_23, %dma_start3A_24] : memref<524288x128xf32, #tpu.memory_space<hbm>> -> memref<524288x128xf32, #tpu.memory_space<hbm>>
    tpu.enqueue_indirect_dma source(%dma_start3A_25 : memref<524288x128xf32, #tpu.memory_space<hbm>>) target(%arg9 : memref<128x128xf32, #tpu.memory_space<vmem>>) offsets(%dma_start3A_22 : memref<128xi32, #tpu.memory_space<vmem>>) semaphore(%arg13 : memref<!tpu.dma_semaphore, #tpu.memory_space<semaphore_mem>>)
    %dma_wait3A = arith.constant 0 : i32
    %dma_wait3A_26 = tpu.memref_slice %arg5[%dma_wait3A] : memref<1024xi32, #tpu.memory_space<vmem>> -> memref<128xi32, #tpu.memory_space<vmem>>
    %dma_wait3A_27 = arith.constant 0 : i32
    %dma_wait3A_28 = arith.constant 0 : i32
    %dma_wait3A_29 = tpu.memref_slice %arg2[%dma_wait3A_27, %dma_wait3A_28] : memref<524288x128xf32, #tpu.memory_space<hbm>> -> memref<524288x128xf32, #tpu.memory_space<hbm>>
    tpu.wait_indirect_dma semaphore(%arg10 : memref<!tpu.dma_semaphore, #tpu.memory_space<semaphore_mem>>) src(%dma_wait3A_29 : memref<524288x128xf32, #tpu.memory_space<hbm>>) dst(%arg6 : memref<128x128xf32, #tpu.memory_space<vmem>>)
    %add3A_30 = arith.constant 0 : i32
    %add3A_31 = arith.addi %mul3A_4, %add3A_30 : i32
    %dma_start3A_32 = arith.constant 0 : i32
    %dma_start3A_33 = tpu.memref_slice %arg4[%add3A_31, %dma_start3A_32] : memref<32768x128xf32, #tpu.memory_space<hbm>> -> memref<128x128xf32, #tpu.memory_space<hbm>>
    %dma_start3A_34 = arith.constant 0 : i32
    %dma_start3A_35 = tpu.memref_slice %arg4[%add3A_31, %dma_start3A_34] : memref<32768x128xf32, #tpu.memory_space<hbm>> -> memref<128x128xf32, #tpu.memory_space<hbm>>
    tpu.enqueue_dma source(%arg6 : memref<128x128xf32, #tpu.memory_space<vmem>>) target(%dma_start3A_35 : memref<128x128xf32, #tpu.memory_space<hbm>>) target_semaphore(%arg14 : memref<!tpu.dma_semaphore, #tpu.memory_space<semaphore_mem>>)
    %dma_wait3A_36 = arith.constant 0 : i32
    %dma_wait3A_37 = tpu.memref_slice %arg4[%mul3A_4, %dma_wait3A_36] : memref<32768x128xf32, #tpu.memory_space<hbm>> -> memref<128x128xf32, #tpu.memory_space<hbm>>
    %dma_wait3A_38 = arith.constant 0 : i32
    %dma_wait3A_39 = tpu.memref_slice %arg4[%mul3A_4, %dma_wait3A_38] : memref<32768x128xf32, #tpu.memory_space<hbm>> -> memref<128x128xf32, #tpu.memory_space<hbm>>
    tpu.wait_dma2 semaphore(%arg14 : memref<!tpu.dma_semaphore, #tpu.memory_space<semaphore_mem>>) src(%arg6 : memref<128x128xf32, #tpu.memory_space<vmem>>) dst(%dma_wait3A_39 : memref<128x128xf32, #tpu.memory_space<hbm>>)
    %dma_start3A_40 = arith.constant 512 : i32
    %dma_start3A_41 = tpu.memref_slice %arg5[%dma_start3A_40] : memref<1024xi32, #tpu.memory_space<vmem>> -> memref<128xi32, #tpu.memory_space<vmem>>
    %dma_start3A_42 = arith.constant 0 : i32
    %dma_start3A_43 = arith.constant 0 : i32
    %dma_start3A_44 = tpu.memref_slice %arg2[%dma_start3A_42, %dma_start3A_43] : memref<524288x128xf32, #tpu.memory_space<hbm>> -> memref<524288x128xf32, #tpu.memory_space<hbm>>
    tpu.enqueue_indirect_dma source(%dma_start3A_44 : memref<524288x128xf32, #tpu.memory_space<hbm>>) target(%arg6 : memref<128x128xf32, #tpu.memory_space<vmem>>) offsets(%dma_start3A_41 : memref<128xi32, #tpu.memory_space<vmem>>) semaphore(%arg10 : memref<!tpu.dma_semaphore, #tpu.memory_space<semaphore_mem>>)
    %dma_wait3A_45 = arith.constant 0 : i32
    %dma_wait3A_46 = tpu.memref_slice %arg5[%dma_wait3A_45] : memref<1024xi32, #tpu.memory_space<vmem>> -> memref<128xi32, #tpu.memory_space<vmem>>
    %dma_wait3A_47 = arith.constant 0 : i32
    %dma_wait3A_48 = arith.constant 0 : i32
    %dma_wait3A_49 = tpu.memref_slice %arg2[%dma_wait3A_47, %dma_wait3A_48] : memref<524288x128xf32, #tpu.memory_space<hbm>> -> memref<524288x128xf32, #tpu.memory_space<hbm>>
    tpu.wait_indirect_dma semaphore(%arg11 : memref<!tpu.dma_semaphore, #tpu.memory_space<semaphore_mem>>) src(%dma_wait3A_49 : memref<524288x128xf32, #tpu.memory_space<hbm>>) dst(%arg7 : memref<128x128xf32, #tpu.memory_space<vmem>>)
    %add3A_50 = arith.constant 128 : i32
    %add3A_51 = arith.addi %mul3A_4, %add3A_50 : i32
    %dma_start3A_52 = arith.constant 0 : i32
    %dma_start3A_53 = tpu.memref_slice %arg4[%add3A_51, %dma_start3A_52] : memref<32768x128xf32, #tpu.memory_space<hbm>> -> memref<128x128xf32, #tpu.memory_space<hbm>>
    %dma_start3A_54 = arith.constant 0 : i32
    %dma_start3A_55 = tpu.memref_slice %arg4[%add3A_51, %dma_start3A_54] : memref<32768x128xf32, #tpu.memory_space<hbm>> -> memref<128x128xf32, #tpu.memory_space<hbm>>
    tpu.enqueue_dma source(%arg7 : memref<128x128xf32, #tpu.memory_space<vmem>>) target(%dma_start3A_55 : memref<128x128xf32, #tpu.memory_space<hbm>>) target_semaphore(%arg15 : memref<!tpu.dma_semaphore, #tpu.memory_space<semaphore_mem>>)
    %dma_wait3A_56 = arith.constant 0 : i32
    %dma_wait3A_57 = tpu.memref_slice %arg4[%mul3A_4, %dma_wait3A_56] : memref<32768x128xf32, #tpu.memory_space<hbm>> -> memref<128x128xf32, #tpu.memory_space<hbm>>
    %dma_wait3A_58 = arith.constant 0 : i32
    %dma_wait3A_59 = tpu.memref_slice %arg4[%mul3A_4, %dma_wait3A_58] : memref<32768x128xf32, #tpu.memory_space<hbm>> -> memref<128x128xf32, #tpu.memory_space<hbm>>
    tpu.wait_dma2 semaphore(%arg15 : memref<!tpu.dma_semaphore, #tpu.memory_space<semaphore_mem>>) src(%arg7 : memref<128x128xf32, #tpu.memory_space<vmem>>) dst(%dma_wait3A_59 : memref<128x128xf32, #tpu.memory_space<hbm>>)
    %dma_start3A_60 = arith.constant 640 : i32
    %dma_start3A_61 = tpu.memref_slice %arg5[%dma_start3A_60] : memref<1024xi32, #tpu.memory_space<vmem>> -> memref<128xi32, #tpu.memory_space<vmem>>
    %dma_start3A_62 = arith.constant 0 : i32
    %dma_start3A_63 = arith.constant 0 : i32
    %dma_start3A_64 = tpu.memref_slice %arg2[%dma_start3A_62, %dma_start3A_63] : memref<524288x128xf32, #tpu.memory_space<hbm>> -> memref<524288x128xf32, #tpu.memory_space<hbm>>
    tpu.enqueue_indirect_dma source(%dma_start3A_64 : memref<524288x128xf32, #tpu.memory_space<hbm>>) target(%arg7 : memref<128x128xf32, #tpu.memory_space<vmem>>) offsets(%dma_start3A_61 : memref<128xi32, #tpu.memory_space<vmem>>) semaphore(%arg11 : memref<!tpu.dma_semaphore, #tpu.memory_space<semaphore_mem>>)
    %dma_wait3A_65 = arith.constant 0 : i32
    %dma_wait3A_66 = tpu.memref_slice %arg5[%dma_wait3A_65] : memref<1024xi32, #tpu.memory_space<vmem>> -> memref<128xi32, #tpu.memory_space<vmem>>
    %dma_wait3A_67 = arith.constant 0 : i32
    %dma_wait3A_68 = arith.constant 0 : i32
    %dma_wait3A_69 = tpu.memref_slice %arg2[%dma_wait3A_67, %dma_wait3A_68] : memref<524288x128xf32, #tpu.memory_space<hbm>> -> memref<524288x128xf32, #tpu.memory_space<hbm>>
    tpu.wait_indirect_dma semaphore(%arg12 : memref<!tpu.dma_semaphore, #tpu.memory_space<semaphore_mem>>) src(%dma_wait3A_69 : memref<524288x128xf32, #tpu.memory_space<hbm>>) dst(%arg8 : memref<128x128xf32, #tpu.memory_space<vmem>>)
    %add3A_70 = arith.constant 256 : i32
    %add3A_71 = arith.addi %mul3A_4, %add3A_70 : i32
    %dma_start3A_72 = arith.constant 0 : i32
    %dma_start3A_73 = tpu.memref_slice %arg4[%add3A_71, %dma_start3A_72] : memref<32768x128xf32, #tpu.memory_space<hbm>> -> memref<128x128xf32, #tpu.memory_space<hbm>>
    %dma_start3A_74 = arith.constant 0 : i32
    %dma_start3A_75 = tpu.memref_slice %arg4[%add3A_71, %dma_start3A_74] : memref<32768x128xf32, #tpu.memory_space<hbm>> -> memref<128x128xf32, #tpu.memory_space<hbm>>
    tpu.enqueue_dma source(%arg8 : memref<128x128xf32, #tpu.memory_space<vmem>>) target(%dma_start3A_75 : memref<128x128xf32, #tpu.memory_space<hbm>>) target_semaphore(%arg16 : memref<!tpu.dma_semaphore, #tpu.memory_space<semaphore_mem>>)
    %dma_wait3A_76 = arith.constant 0 : i32
    %dma_wait3A_77 = tpu.memref_slice %arg4[%mul3A_4, %dma_wait3A_76] : memref<32768x128xf32, #tpu.memory_space<hbm>> -> memref<128x128xf32, #tpu.memory_space<hbm>>
    %dma_wait3A_78 = arith.constant 0 : i32
    %dma_wait3A_79 = tpu.memref_slice %arg4[%mul3A_4, %dma_wait3A_78] : memref<32768x128xf32, #tpu.memory_space<hbm>> -> memref<128x128xf32, #tpu.memory_space<hbm>>
    tpu.wait_dma2 semaphore(%arg16 : memref<!tpu.dma_semaphore, #tpu.memory_space<semaphore_mem>>) src(%arg8 : memref<128x128xf32, #tpu.memory_space<vmem>>) dst(%dma_wait3A_79 : memref<128x128xf32, #tpu.memory_space<hbm>>)
    %dma_start3A_80 = arith.constant 768 : i32
    %dma_start3A_81 = tpu.memref_slice %arg5[%dma_start3A_80] : memref<1024xi32, #tpu.memory_space<vmem>> -> memref<128xi32, #tpu.memory_space<vmem>>
    %dma_start3A_82 = arith.constant 0 : i32
    %dma_start3A_83 = arith.constant 0 : i32
    %dma_start3A_84 = tpu.memref_slice %arg2[%dma_start3A_82, %dma_start3A_83] : memref<524288x128xf32, #tpu.memory_space<hbm>> -> memref<524288x128xf32, #tpu.memory_space<hbm>>
    tpu.enqueue_indirect_dma source(%dma_start3A_84 : memref<524288x128xf32, #tpu.memory_space<hbm>>) target(%arg8 : memref<128x128xf32, #tpu.memory_space<vmem>>) offsets(%dma_start3A_81 : memref<128xi32, #tpu.memory_space<vmem>>) semaphore(%arg12 : memref<!tpu.dma_semaphore, #tpu.memory_space<semaphore_mem>>)
    %dma_wait3A_85 = arith.constant 0 : i32
    %dma_wait3A_86 = tpu.memref_slice %arg5[%dma_wait3A_85] : memref<1024xi32, #tpu.memory_space<vmem>> -> memref<128xi32, #tpu.memory_space<vmem>>
    %dma_wait3A_87 = arith.constant 0 : i32
    %dma_wait3A_88 = arith.constant 0 : i32
    %dma_wait3A_89 = tpu.memref_slice %arg2[%dma_wait3A_87, %dma_wait3A_88] : memref<524288x128xf32, #tpu.memory_space<hbm>> -> memref<524288x128xf32, #tpu.memory_space<hbm>>
    tpu.wait_indirect_dma semaphore(%arg13 : memref<!tpu.dma_semaphore, #tpu.memory_space<semaphore_mem>>) src(%dma_wait3A_89 : memref<524288x128xf32, #tpu.memory_space<hbm>>) dst(%arg9 : memref<128x128xf32, #tpu.memory_space<vmem>>)
    %add3A_90 = arith.constant 384 : i32
    %add3A_91 = arith.addi %mul3A_4, %add3A_90 : i32
    %dma_start3A_92 = arith.constant 0 : i32
    %dma_start3A_93 = tpu.memref_slice %arg4[%add3A_91, %dma_start3A_92] : memref<32768x128xf32, #tpu.memory_space<hbm>> -> memref<128x128xf32, #tpu.memory_space<hbm>>
    %dma_start3A_94 = arith.constant 0 : i32
    %dma_start3A_95 = tpu.memref_slice %arg4[%add3A_91, %dma_start3A_94] : memref<32768x128xf32, #tpu.memory_space<hbm>> -> memref<128x128xf32, #tpu.memory_space<hbm>>
    tpu.enqueue_dma source(%arg9 : memref<128x128xf32, #tpu.memory_space<vmem>>) target(%dma_start3A_95 : memref<128x128xf32, #tpu.memory_space<hbm>>) target_semaphore(%arg17 : memref<!tpu.dma_semaphore, #tpu.memory_space<semaphore_mem>>)
    %dma_wait3A_96 = arith.constant 0 : i32
    %dma_wait3A_97 = tpu.memref_slice %arg4[%mul3A_4, %dma_wait3A_96] : memref<32768x128xf32, #tpu.memory_space<hbm>> -> memref<128x128xf32, #tpu.memory_space<hbm>>
    %dma_wait3A_98 = arith.constant 0 : i32
    %dma_wait3A_99 = tpu.memref_slice %arg4[%mul3A_4, %dma_wait3A_98] : memref<32768x128xf32, #tpu.memory_space<hbm>> -> memref<128x128xf32, #tpu.memory_space<hbm>>
    tpu.wait_dma2 semaphore(%arg17 : memref<!tpu.dma_semaphore, #tpu.memory_space<semaphore_mem>>) src(%arg9 : memref<128x128xf32, #tpu.memory_space<vmem>>) dst(%dma_wait3A_99 : memref<128x128xf32, #tpu.memory_space<hbm>>)
    %dma_start3A_100 = arith.constant 896 : i32
    %dma_start3A_101 = tpu.memref_slice %arg5[%dma_start3A_100] : memref<1024xi32, #tpu.memory_space<vmem>> -> memref<128xi32, #tpu.memory_space<vmem>>
    %dma_start3A_102 = arith.constant 0 : i32
    %dma_start3A_103 = arith.constant 0 : i32
    %dma_start3A_104 = tpu.memref_slice %arg2[%dma_start3A_102, %dma_start3A_103] : memref<524288x128xf32, #tpu.memory_space<hbm>> -> memref<524288x128xf32, #tpu.memory_space<hbm>>
    tpu.enqueue_indirect_dma source(%dma_start3A_104 : memref<524288x128xf32, #tpu.memory_space<hbm>>) target(%arg9 : memref<128x128xf32, #tpu.memory_space<vmem>>) offsets(%dma_start3A_101 : memref<128xi32, #tpu.memory_space<vmem>>) semaphore(%arg13 : memref<!tpu.dma_semaphore, #tpu.memory_space<semaphore_mem>>)
    %dma_wait3A_105 = arith.constant 0 : i32
    %dma_wait3A_106 = tpu.memref_slice %arg5[%dma_wait3A_105] : memref<1024xi32, #tpu.memory_space<vmem>> -> memref<128xi32, #tpu.memory_space<vmem>>
    %dma_wait3A_107 = arith.constant 0 : i32
    %dma_wait3A_108 = arith.constant 0 : i32
    %dma_wait3A_109 = tpu.memref_slice %arg2[%dma_wait3A_107, %dma_wait3A_108] : memref<524288x128xf32, #tpu.memory_space<hbm>> -> memref<524288x128xf32, #tpu.memory_space<hbm>>
    tpu.wait_indirect_dma semaphore(%arg10 : memref<!tpu.dma_semaphore, #tpu.memory_space<semaphore_mem>>) src(%dma_wait3A_109 : memref<524288x128xf32, #tpu.memory_space<hbm>>) dst(%arg6 : memref<128x128xf32, #tpu.memory_space<vmem>>)
    %add3A_110 = arith.constant 512 : i32
    %add3A_111 = arith.addi %mul3A_4, %add3A_110 : i32
    %dma_start3A_112 = arith.constant 0 : i32
    %dma_start3A_113 = tpu.memref_slice %arg4[%add3A_111, %dma_start3A_112] : memref<32768x128xf32, #tpu.memory_space<hbm>> -> memref<128x128xf32, #tpu.memory_space<hbm>>
    %dma_start3A_114 = arith.constant 0 : i32
    %dma_start3A_115 = tpu.memref_slice %arg4[%add3A_111, %dma_start3A_114] : memref<32768x128xf32, #tpu.memory_space<hbm>> -> memref<128x128xf32, #tpu.memory_space<hbm>>
    tpu.enqueue_dma source(%arg6 : memref<128x128xf32, #tpu.memory_space<vmem>>) target(%dma_start3A_115 : memref<128x128xf32, #tpu.memory_space<hbm>>) target_semaphore(%arg14 : memref<!tpu.dma_semaphore, #tpu.memory_space<semaphore_mem>>)
    %dma_wait3A_116 = arith.constant 0 : i32
    %dma_wait3A_117 = tpu.memref_slice %arg5[%dma_wait3A_116] : memref<1024xi32, #tpu.memory_space<vmem>> -> memref<128xi32, #tpu.memory_space<vmem>>
    %dma_wait3A_118 = arith.constant 0 : i32
    %dma_wait3A_119 = arith.constant 0 : i32
    %dma_wait3A_120 = tpu.memref_slice %arg2[%dma_wait3A_118, %dma_wait3A_119] : memref<524288x128xf32, #tpu.memory_space<hbm>> -> memref<524288x128xf32, #tpu.memory_space<hbm>>
    tpu.wait_indirect_dma semaphore(%arg11 : memref<!tpu.dma_semaphore, #tpu.memory_space<semaphore_mem>>) src(%dma_wait3A_120 : memref<524288x128xf32, #tpu.memory_space<hbm>>) dst(%arg7 : memref<128x128xf32, #tpu.memory_space<vmem>>)
    %add3A_121 = arith.constant 640 : i32
    %add3A_122 = arith.addi %mul3A_4, %add3A_121 : i32
    %dma_start3A_123 = arith.constant 0 : i32
    %dma_start3A_124 = tpu.memref_slice %arg4[%add3A_122, %dma_start3A_123] : memref<32768x128xf32, #tpu.memory_space<hbm>> -> memref<128x128xf32, #tpu.memory_space<hbm>>
    %dma_start3A_125 = arith.constant 0 : i32
    %dma_start3A_126 = tpu.memref_slice %arg4[%add3A_122, %dma_start3A_125] : memref<32768x128xf32, #tpu.memory_space<hbm>> -> memref<128x128xf32, #tpu.memory_space<hbm>>
    tpu.enqueue_dma source(%arg7 : memref<128x128xf32, #tpu.memory_space<vmem>>) target(%dma_start3A_126 : memref<128x128xf32, #tpu.memory_space<hbm>>) target_semaphore(%arg15 : memref<!tpu.dma_semaphore, #tpu.memory_space<semaphore_mem>>)
    %dma_wait3A_127 = arith.constant 0 : i32
    %dma_wait3A_128 = tpu.memref_slice %arg5[%dma_wait3A_127] : memref<1024xi32, #tpu.memory_space<vmem>> -> memref<128xi32, #tpu.memory_space<vmem>>
    %dma_wait3A_129 = arith.constant 0 : i32
    %dma_wait3A_130 = arith.constant 0 : i32
    %dma_wait3A_131 = tpu.memref_slice %arg2[%dma_wait3A_129, %dma_wait3A_130] : memref<524288x128xf32, #tpu.memory_space<hbm>> -> memref<524288x128xf32, #tpu.memory_space<hbm>>
    tpu.wait_indirect_dma semaphore(%arg12 : memref<!tpu.dma_semaphore, #tpu.memory_space<semaphore_mem>>) src(%dma_wait3A_131 : memref<524288x128xf32, #tpu.memory_space<hbm>>) dst(%arg8 : memref<128x128xf32, #tpu.memory_space<vmem>>)
    %add3A_132 = arith.constant 768 : i32
    %add3A_133 = arith.addi %mul3A_4, %add3A_132 : i32
    %dma_start3A_134 = arith.constant 0 : i32
    %dma_start3A_135 = tpu.memref_slice %arg4[%add3A_133, %dma_start3A_134] : memref<32768x128xf32, #tpu.memory_space<hbm>> -> memref<128x128xf32, #tpu.memory_space<hbm>>
    %dma_start3A_136 = arith.constant 0 : i32
    %dma_start3A_137 = tpu.memref_slice %arg4[%add3A_133, %dma_start3A_136] : memref<32768x128xf32, #tpu.memory_space<hbm>> -> memref<128x128xf32, #tpu.memory_space<hbm>>
    tpu.enqueue_dma source(%arg8 : memref<128x128xf32, #tpu.memory_space<vmem>>) target(%dma_start3A_137 : memref<128x128xf32, #tpu.memory_space<hbm>>) target_semaphore(%arg16 : memref<!tpu.dma_semaphore, #tpu.memory_space<semaphore_mem>>)
    %dma_wait3A_138 = arith.constant 0 : i32
    %dma_wait3A_139 = tpu.memref_slice %arg5[%dma_wait3A_138] : memref<1024xi32, #tpu.memory_space<vmem>> -> memref<128xi32, #tpu.memory_space<vmem>>
    %dma_wait3A_140 = arith.constant 0 : i32
    %dma_wait3A_141 = arith.constant 0 : i32
    %dma_wait3A_142 = tpu.memref_slice %arg2[%dma_wait3A_140, %dma_wait3A_141] : memref<524288x128xf32, #tpu.memory_space<hbm>> -> memref<524288x128xf32, #tpu.memory_space<hbm>>
    tpu.wait_indirect_dma semaphore(%arg13 : memref<!tpu.dma_semaphore, #tpu.memory_space<semaphore_mem>>) src(%dma_wait3A_142 : memref<524288x128xf32, #tpu.memory_space<hbm>>) dst(%arg9 : memref<128x128xf32, #tpu.memory_space<vmem>>)
    %add3A_143 = arith.constant 896 : i32
    %add3A_144 = arith.addi %mul3A_4, %add3A_143 : i32
    %dma_start3A_145 = arith.constant 0 : i32
    %dma_start3A_146 = tpu.memref_slice %arg4[%add3A_144, %dma_start3A_145] : memref<32768x128xf32, #tpu.memory_space<hbm>> -> memref<128x128xf32, #tpu.memory_space<hbm>>
    %dma_start3A_147 = arith.constant 0 : i32
    %dma_start3A_148 = tpu.memref_slice %arg4[%add3A_144, %dma_start3A_147] : memref<32768x128xf32, #tpu.memory_space<hbm>> -> memref<128x128xf32, #tpu.memory_space<hbm>>
    tpu.enqueue_dma source(%arg9 : memref<128x128xf32, #tpu.memory_space<vmem>>) target(%dma_start3A_148 : memref<128x128xf32, #tpu.memory_space<hbm>>) target_semaphore(%arg17 : memref<!tpu.dma_semaphore, #tpu.memory_space<semaphore_mem>>)
    %dma_wait3A_149 = arith.constant 0 : i32
    %dma_wait3A_150 = tpu.memref_slice %arg4[%mul3A_4, %dma_wait3A_149] : memref<32768x128xf32, #tpu.memory_space<hbm>> -> memref<128x128xf32, #tpu.memory_space<hbm>>
    %dma_wait3A_151 = arith.constant 0 : i32
    %dma_wait3A_152 = tpu.memref_slice %arg4[%mul3A_4, %dma_wait3A_151] : memref<32768x128xf32, #tpu.memory_space<hbm>> -> memref<128x128xf32, #tpu.memory_space<hbm>>
    tpu.wait_dma2 semaphore(%arg14 : memref<!tpu.dma_semaphore, #tpu.memory_space<semaphore_mem>>) src(%arg6 : memref<128x128xf32, #tpu.memory_space<vmem>>) dst(%dma_wait3A_152 : memref<128x128xf32, #tpu.memory_space<hbm>>)
    %dma_wait3A_153 = arith.constant 0 : i32
    %dma_wait3A_154 = tpu.memref_slice %arg4[%mul3A_4, %dma_wait3A_153] : memref<32768x128xf32, #tpu.memory_space<hbm>> -> memref<128x128xf32, #tpu.memory_space<hbm>>
    %dma_wait3A_155 = arith.constant 0 : i32
    %dma_wait3A_156 = tpu.memref_slice %arg4[%mul3A_4, %dma_wait3A_155] : memref<32768x128xf32, #tpu.memory_space<hbm>> -> memref<128x128xf32, #tpu.memory_space<hbm>>
    tpu.wait_dma2 semaphore(%arg15 : memref<!tpu.dma_semaphore, #tpu.memory_space<semaphore_mem>>) src(%arg7 : memref<128x128xf32, #tpu.memory_space<vmem>>) dst(%dma_wait3A_156 : memref<128x128xf32, #tpu.memory_space<hbm>>)
    %dma_wait3A_157 = arith.constant 0 : i32
    %dma_wait3A_158 = tpu.memref_slice %arg4[%mul3A_4, %dma_wait3A_157] : memref<32768x128xf32, #tpu.memory_space<hbm>> -> memref<128x128xf32, #tpu.memory_space<hbm>>
    %dma_wait3A_159 = arith.constant 0 : i32
    %dma_wait3A_160 = tpu.memref_slice %arg4[%mul3A_4, %dma_wait3A_159] : memref<32768x128xf32, #tpu.memory_space<hbm>> -> memref<128x128xf32, #tpu.memory_space<hbm>>
    tpu.wait_dma2 semaphore(%arg16 : memref<!tpu.dma_semaphore, #tpu.memory_space<semaphore_mem>>) src(%arg8 : memref<128x128xf32, #tpu.memory_space<vmem>>) dst(%dma_wait3A_160 : memref<128x128xf32, #tpu.memory_space<hbm>>)
    %dma_wait3A_161 = arith.constant 0 : i32
    %dma_wait3A_162 = tpu.memref_slice %arg4[%mul3A_4, %dma_wait3A_161] : memref<32768x128xf32, #tpu.memory_space<hbm>> -> memref<128x128xf32, #tpu.memory_space<hbm>>
    %dma_wait3A_163 = arith.constant 0 : i32
    %dma_wait3A_164 = tpu.memref_slice %arg4[%mul3A_4, %dma_wait3A_163] : memref<32768x128xf32, #tpu.memory_space<hbm>> -> memref<128x128xf32, #tpu.memory_space<hbm>>
    tpu.wait_dma2 semaphore(%arg17 : memref<!tpu.dma_semaphore, #tpu.memory_space<semaphore_mem>>) src(%arg9 : memref<128x128xf32, #tpu.memory_space<vmem>>) dst(%dma_wait3A_164 : memref<128x128xf32, #tpu.memory_space<hbm>>)
    return
  }
}

module attributes {stable_mosaic.version = 14 : i64} {
  func.func @_decode_body(%arg0: i32, %arg1: memref<16384x128xf32, #tpu.memory_space<vmem>>, %arg2: memref<128x128xf32, #tpu.memory_space<vmem>>, %arg3: memref<1x128xf32, #tpu.memory_space<vmem>>, %arg4: memref<128x128xf32, #tpu.memory_space<vmem>>, %arg5: memref<1x128xf32, #tpu.memory_space<vmem>>, %arg6: memref<128x1xf32, #tpu.memory_space<vmem>>, %arg7: memref<1x1xf32, #tpu.memory_space<vmem>>, %arg8: memref<16x1024xi32, #tpu.memory_space<vmem>>, %arg9: memref<16x1024xf32, #tpu.memory_space<vmem>>, %arg10: memref<16x1024xf32, #tpu.memory_space<vmem>>, %arg11: memref<16x128xi32, #tpu.memory_space<vmem>>) attributes {dimension_semantics = [#tpu.dimension_semantics<parallel>], iteration_bounds = array<i64: 2>, scalar_prefetch = 0 : i64, scratch_operands = 0 : i64, tpu.core_type = #tpu.core_type<tc>, window_params = [{transform_indices = @transform_0, window_bounds = array<i64: 16384, 128>}, {pipeline_mode = #tpu.pipeline_mode<synchronous>, transform_indices = @transform_1, window_bounds = array<i64: 128, 128>}, {pipeline_mode = #tpu.pipeline_mode<synchronous>, transform_indices = @transform_2, window_bounds = array<i64: 1, 128>}, {pipeline_mode = #tpu.pipeline_mode<synchronous>, transform_indices = @transform_3, window_bounds = array<i64: 128, 128>}, {pipeline_mode = #tpu.pipeline_mode<synchronous>, transform_indices = @transform_4, window_bounds = array<i64: 1, 128>}, {pipeline_mode = #tpu.pipeline_mode<synchronous>, transform_indices = @transform_5, window_bounds = array<i64: 128, 1>}, {pipeline_mode = #tpu.pipeline_mode<synchronous>, transform_indices = @transform_6, window_bounds = array<i64: 1, 1>}, {transform_indices = @transform_7, window_bounds = array<i64: 16, 1024>}, {transform_indices = @transform_8, window_bounds = array<i64: 16, 1024>}, {transform_indices = @transform_9, window_bounds = array<i64: 16, 1024>}, {transform_indices = @transform_10, window_bounds = array<i64: 16, 128>}]} {
    %get3A = arith.constant 0 : index
    %get3A_0 = arith.constant 0 : index
    %get3A_1 = vector.load %arg1[%get3A, %get3A_0] : memref<16384x128xf32, #tpu.memory_space<vmem>>, vector<16384x128xf32>
    %get3A_2 = arith.constant 0 : index
    %get3A_3 = arith.constant 0 : index
    %get3A_4 = vector.load %arg2[%get3A_2, %get3A_3] : memref<128x128xf32, #tpu.memory_space<vmem>>, vector<128x128xf32>
    %dot_general3A = arith.constant dense<0.000000e+00> : vector<16384x128xf32>
    %dot_general3A_5 = tpu.matmul %get3A_1, %get3A_4, %dot_general3A {dimension_numbers = #tpu.dot_dimension_numbers<[1], [0], [0], [1], [0, 0, 1, 1], [], []>, transpose_lhs_hint = false} : vector<16384x128xf32>, vector<128x128xf32>, vector<16384x128xf32> -> vector<16384x128xf32>
    %get3A_6 = arith.constant 0 : index
    %get3A_7 = arith.constant 0 : index
    %get3A_8 = vector.load %arg3[%get3A_6, %get3A_7] : memref<1x128xf32, #tpu.memory_space<vmem>>, vector<1x128xf32>
    %add3A = vector.broadcast %get3A_8 : vector<1x128xf32> to vector<16384x128xf32>
    %add3A_9 = arith.addf %dot_general3A_5, %add3A : vector<16384x128xf32>
    %tanh3A = math.tanh %add3A_9 : vector<16384x128xf32>
    %get3A_10 = arith.constant 0 : index
    %get3A_11 = arith.constant 0 : index
    %get3A_12 = vector.load %arg4[%get3A_10, %get3A_11] : memref<128x128xf32, #tpu.memory_space<vmem>>, vector<128x128xf32>
    %dot_general3A_13 = arith.constant dense<0.000000e+00> : vector<16384x128xf32>
    %dot_general3A_14 = tpu.matmul %tanh3A, %get3A_12, %dot_general3A_13 {dimension_numbers = #tpu.dot_dimension_numbers<[1], [0], [0], [1], [0, 0, 1, 1], [], []>, transpose_lhs_hint = false} : vector<16384x128xf32>, vector<128x128xf32>, vector<16384x128xf32> -> vector<16384x128xf32>
    %get3A_15 = arith.constant 0 : index
    %get3A_16 = arith.constant 0 : index
    %get3A_17 = vector.load %arg5[%get3A_15, %get3A_16] : memref<1x128xf32, #tpu.memory_space<vmem>>, vector<1x128xf32>
    %add3A_18 = vector.broadcast %get3A_17 : vector<1x128xf32> to vector<16384x128xf32>
    %add3A_19 = arith.addf %dot_general3A_14, %add3A_18 : vector<16384x128xf32>
    %tanh3A_20 = math.tanh %add3A_19 : vector<16384x128xf32>
    %get3A_21 = arith.constant 0 : index
    %get3A_22 = arith.constant 0 : index
    %get3A_23 = vector.load %arg6[%get3A_21, %get3A_22] : memref<128x1xf32, #tpu.memory_space<vmem>>, vector<128x1xf32>
    %dot_general3A_24 = arith.constant dense<0.000000e+00> : vector<16384x1xf32>
    %dot_general3A_25 = tpu.matmul %tanh3A_20, %get3A_23, %dot_general3A_24 {dimension_numbers = #tpu.dot_dimension_numbers<[1], [0], [0], [1], [0, 0, 1, 1], [], []>, transpose_lhs_hint = false} : vector<16384x128xf32>, vector<128x1xf32>, vector<16384x1xf32> -> vector<16384x1xf32>
    %get3A_26 = arith.constant 0 : index
    %get3A_27 = arith.constant 0 : index
    %get3A_28 = vector.load %arg7[%get3A_26, %get3A_27] : memref<1x1xf32, #tpu.memory_space<vmem>>, vector<1x1xf32>
    %add3A_29 = vector.broadcast %get3A_28 : vector<1x1xf32> to vector<16384x1xf32>
    %add3A_30 = arith.addf %dot_general3A_25, %add3A_29 : vector<16384x1xf32>
    %reshape3A = vector.shape_cast %add3A_30 : vector<16384x1xf32> to vector<16x1024xf32>
    %get3A_31 = arith.constant 0 : index
    %get3A_32 = arith.constant 0 : index
    %get3A_33 = vector.load %arg8[%get3A_31, %get3A_32] : memref<16x1024xi32, #tpu.memory_space<vmem>>, vector<16x1024xi32>
    %get3A_34 = arith.constant dense<0> : vector<16x1024xi32>
    %get3A_35 = arith.cmpi ne, %get3A_33, %get3A_34 : vector<16x1024xi32>
    %jit3A = arith.constant 0xFF800000 : f32
    %broadcast_in_dim3A = vector.broadcast %jit3A : f32 to vector<16x1024xf32>
    %select_n3A = arith.select %get3A_35, %reshape3A, %broadcast_in_dim3A : vector<16x1024xi1>, vector<16x1024xf32>
    %reduce_max3A = arith.constant dense<0xFF800000> : vector<16xf32>
    %reduce_max3A_36 = vector.multi_reduction <maximumf>, %select_n3A, %reduce_max3A [1] : vector<16x1024xf32> to vector<16xf32>
    %broadcast_in_dim3A_37 = vector.shape_cast %reduce_max3A_36 : vector<16xf32> to vector<16x1xf32>
    %sub3A = vector.broadcast %broadcast_in_dim3A_37 : vector<16x1xf32> to vector<16x1024xf32>
    %sub3A_38 = arith.subf %select_n3A, %sub3A : vector<16x1024xf32>
    %exp3A = math.exp %sub3A_38 : vector<16x1024xf32>
    %reduce_sum3A = arith.constant dense<0.000000e+00> : vector<16xf32>
    %reduce_sum3A_39 = vector.multi_reduction <add>, %exp3A, %reduce_sum3A [1] : vector<16x1024xf32> to vector<16xf32>
    %broadcast_in_dim3A_40 = vector.shape_cast %reduce_sum3A_39 : vector<16xf32> to vector<16x1xf32>
    %log3A = math.log %broadcast_in_dim3A_40 : vector<16x1xf32>
    %sub3A_41 = vector.broadcast %log3A : vector<16x1xf32> to vector<16x1024xf32>
    %sub3A_42 = arith.subf %sub3A_38, %sub3A_41 : vector<16x1024xf32>
    %swap3A = arith.constant 0 : index
    %swap3A_43 = arith.constant 0 : index
    %swap3A_44 = vector.load %arg10[%swap3A, %swap3A_43] : memref<16x1024xf32, #tpu.memory_space<vmem>>, vector<16x1024xf32>
    tpu.vector_store %arg10[%swap3A, %swap3A_43], %sub3A_42 {strides = array<i32>} : memref<16x1024xf32, #tpu.memory_space<vmem>>, vector<16x1024xf32>,
    %get3A_45 = arith.constant 0 : index
    %get3A_46 = arith.constant 0 : index
    %get3A_47 = vector.load %arg9[%get3A_45, %get3A_46] : memref<16x1024xf32, #tpu.memory_space<vmem>>, vector<16x1024xf32>
    %log3A_48 = math.log %get3A_47 : vector<16x1024xf32>
    %neg3A = arith.constant 0.000000e+00 : f32
    %neg3A_49 = vector.broadcast %neg3A : f32 to vector<16x1024xf32>
    %neg3A_50 = arith.subf %neg3A_49, %log3A_48 : vector<16x1024xf32>
    %log3A_51 = math.log %neg3A_50 : vector<16x1024xf32>
    %neg3A_52 = arith.constant 0.000000e+00 : f32
    %neg3A_53 = vector.broadcast %neg3A_52 : f32 to vector<16x1024xf32>
    %neg3A_54 = arith.subf %neg3A_53, %log3A_51 : vector<16x1024xf32>
    %add3A_55 = arith.addf %sub3A_42, %neg3A_54 : vector<16x1024xf32>
    %jit3A_56 = arith.constant 0xFF800000 : f32
    %broadcast_in_dim3A_57 = vector.broadcast %jit3A_56 : f32 to vector<16x1024xf32>
    %select_n3A_58 = arith.select %get3A_35, %add3A_55, %broadcast_in_dim3A_57 : vector<16x1024xi1>, vector<16x1024xf32>
    %reduce_max3A_59 = arith.constant dense<0xFF800000> : vector<16xf32>
    %reduce_max3A_60 = vector.multi_reduction <maximumf>, %select_n3A_58, %reduce_max3A_59 [1] : vector<16x1024xf32> to vector<16xf32>
    %broadcast_in_dim3A_61 = vector.shape_cast %reduce_max3A_60 : vector<16xf32> to vector<16x1xf32>
    %iota3A = tpu.iota {dimensions = array<i32: 1>} : vector<16x1024xi32>
    %eq3A = vector.broadcast %broadcast_in_dim3A_61 : vector<16x1xf32> to vector<16x1024xf32>
    %eq3A_62 = arith.cmpf oeq, %select_n3A_58, %eq3A : vector<16x1024xf32>
    %jit3A_63 = arith.constant 1024 : i32
    %broadcast_in_dim3A_64 = vector.broadcast %jit3A_63 : i32 to vector<16x1024xi32>
    %select_n3A_65 = arith.select %eq3A_62, %iota3A, %broadcast_in_dim3A_64 : vector<16x1024xi1>, vector<16x1024xi32>
    %reduce_min3A = arith.constant dense<2147483647> : vector<16xi32>
    %reduce_min3A_66 = vector.multi_reduction <minsi>, %select_n3A_65, %reduce_min3A [1] : vector<16x1024xi32> to vector<16xi32>
    %broadcast_in_dim3A_67 = vector.shape_cast %reduce_min3A_66 : vector<16xi32> to vector<16x1xi32>
    %broadcast_in_dim3A_68 = vector.shape_cast %broadcast_in_dim3A_67 : vector<16x1xi32> to vector<16x1xi32>
    %broadcast_in_dim3A_69 = vector.broadcast %broadcast_in_dim3A_68 : vector<16x1xi32> to vector<16x128xi32>
    %swap3A_70 = arith.constant 0 : index
    %swap3A_71 = arith.constant 0 : index
    %swap3A_72 = vector.load %arg11[%swap3A_70, %swap3A_71] : memref<16x128xi32, #tpu.memory_space<vmem>>, vector<16x128xi32>
    tpu.vector_store %arg11[%swap3A_70, %swap3A_71], %broadcast_in_dim3A_69 {strides = array<i32>} : memref<16x128xi32, #tpu.memory_space<vmem>>, vector<16x128xi32>,
    return
  }
  func.func @transform_0(%arg0: i32) -> (i32, i32) {
    %c0_i32 = arith.constant 0 : i32
    %c0_i32_0 = arith.constant 0 : i32
    return %arg0, %c0_i32 : i32, i32
  }
  func.func @transform_1(%arg0: i32) -> (i32, i32) {
    %c0_i32 = arith.constant 0 : i32
    %c0_i32_0 = arith.constant 0 : i32
    %c0_i32_1 = arith.constant 0 : i32
    return %c0_i32, %c0_i32_0 : i32, i32
  }
  func.func @transform_2(%arg0: i32) -> (i32, i32) {
    %c0_i32 = arith.constant 0 : i32
    %c0_i32_0 = arith.constant 0 : i32
    %c0_i32_1 = arith.constant 0 : i32
    return %c0_i32, %c0_i32_0 : i32, i32
  }
  func.func @transform_3(%arg0: i32) -> (i32, i32) {
    %c0_i32 = arith.constant 0 : i32
    %c0_i32_0 = arith.constant 0 : i32
    %c0_i32_1 = arith.constant 0 : i32
    return %c0_i32, %c0_i32_0 : i32, i32
  }
  func.func @transform_4(%arg0: i32) -> (i32, i32) {
    %c0_i32 = arith.constant 0 : i32
    %c0_i32_0 = arith.constant 0 : i32
    %c0_i32_1 = arith.constant 0 : i32
    return %c0_i32, %c0_i32_0 : i32, i32
  }
  func.func @transform_5(%arg0: i32) -> (i32, i32) {
    %c0_i32 = arith.constant 0 : i32
    %c0_i32_0 = arith.constant 0 : i32
    %c0_i32_1 = arith.constant 0 : i32
    return %c0_i32, %c0_i32_0 : i32, i32
  }
  func.func @transform_6(%arg0: i32) -> (i32, i32) {
    %c0_i32 = arith.constant 0 : i32
    %c0_i32_0 = arith.constant 0 : i32
    %c0_i32_1 = arith.constant 0 : i32
    return %c0_i32, %c0_i32_0 : i32, i32
  }
  func.func @transform_7(%arg0: i32) -> (i32, i32) {
    %add3A = arith.constant 0 : i32
    %add3A_0 = arith.addi %arg0, %add3A : i32
    %c0_i32 = arith.constant 0 : i32
    %c0_i32_1 = arith.constant 0 : i32
    return %add3A_0, %c0_i32 : i32, i32
  }
  func.func @transform_8(%arg0: i32) -> (i32, i32) {
    %add3A = arith.constant 0 : i32
    %add3A_0 = arith.addi %arg0, %add3A : i32
    %c0_i32 = arith.constant 0 : i32
    %c0_i32_1 = arith.constant 0 : i32
    return %add3A_0, %c0_i32 : i32, i32
  }
  func.func @transform_9(%arg0: i32) -> (i32, i32) {
    %c0_i32 = arith.constant 0 : i32
    %c0_i32_0 = arith.constant 0 : i32
    return %arg0, %c0_i32 : i32, i32
  }
  func.func @transform_10(%arg0: i32) -> (i32, i32) {
    %c0_i32 = arith.constant 0 : i32
    %c0_i32_0 = arith.constant 0 : i32
    return %arg0, %c0_i32 : i32, i32
  }
}

module attributes {stable_mosaic.version = 14 : i64} {
  func.func @_decode_body(%arg0: i32, %arg1: memref<16384x128xf32, #tpu.memory_space<vmem>>, %arg2: memref<128x128xf32, #tpu.memory_space<vmem>>, %arg3: memref<1x128xf32, #tpu.memory_space<vmem>>, %arg4: memref<128x128xf32, #tpu.memory_space<vmem>>, %arg5: memref<1x128xf32, #tpu.memory_space<vmem>>, %arg6: memref<128x1xf32, #tpu.memory_space<vmem>>, %arg7: memref<1x1xf32, #tpu.memory_space<vmem>>, %arg8: memref<16x1024xi32, #tpu.memory_space<vmem>>, %arg9: memref<16x1024xf32, #tpu.memory_space<vmem>>, %arg10: memref<16x1024xf32, #tpu.memory_space<vmem>>, %arg11: memref<16x128xi32, #tpu.memory_space<vmem>>) attributes {dimension_semantics = [#tpu.dimension_semantics<parallel>], iteration_bounds = array<i64: 2>, scalar_prefetch = 0 : i64, scratch_operands = 0 : i64, tpu.core_type = #tpu.core_type<tc>, window_params = [{transform_indices = @transform_0, window_bounds = array<i64: 16384, 128>}, {pipeline_mode = #tpu.pipeline_mode<synchronous>, transform_indices = @transform_1, window_bounds = array<i64: 128, 128>}, {pipeline_mode = #tpu.pipeline_mode<synchronous>, transform_indices = @transform_2, window_bounds = array<i64: 1, 128>}, {pipeline_mode = #tpu.pipeline_mode<synchronous>, transform_indices = @transform_3, window_bounds = array<i64: 128, 128>}, {pipeline_mode = #tpu.pipeline_mode<synchronous>, transform_indices = @transform_4, window_bounds = array<i64: 1, 128>}, {pipeline_mode = #tpu.pipeline_mode<synchronous>, transform_indices = @transform_5, window_bounds = array<i64: 128, 1>}, {pipeline_mode = #tpu.pipeline_mode<synchronous>, transform_indices = @transform_6, window_bounds = array<i64: 1, 1>}, {transform_indices = @transform_7, window_bounds = array<i64: 16, 1024>}, {transform_indices = @transform_8, window_bounds = array<i64: 16, 1024>}, {transform_indices = @transform_9, window_bounds = array<i64: 16, 1024>}, {transform_indices = @transform_10, window_bounds = array<i64: 16, 128>}]} {
    %get3A = arith.constant 0 : index
    %get3A_0 = arith.constant 0 : index
    %get3A_1 = vector.load %arg1[%get3A, %get3A_0] : memref<16384x128xf32, #tpu.memory_space<vmem>>, vector<16384x128xf32>
    %get3A_2 = arith.constant 0 : index
    %get3A_3 = arith.constant 0 : index
    %get3A_4 = vector.load %arg2[%get3A_2, %get3A_3] : memref<128x128xf32, #tpu.memory_space<vmem>>, vector<128x128xf32>
    %dot_general3A = arith.constant dense<0.000000e+00> : vector<16384x128xf32>
    %dot_general3A_5 = tpu.matmul %get3A_1, %get3A_4, %dot_general3A {dimension_numbers = #tpu.dot_dimension_numbers<[1], [0], [0], [1], [0, 0, 1, 1], [], []>, transpose_lhs_hint = false} : vector<16384x128xf32>, vector<128x128xf32>, vector<16384x128xf32> -> vector<16384x128xf32>
    %get3A_6 = arith.constant 0 : index
    %get3A_7 = arith.constant 0 : index
    %get3A_8 = vector.load %arg3[%get3A_6, %get3A_7] : memref<1x128xf32, #tpu.memory_space<vmem>>, vector<1x128xf32>
    %add3A = vector.broadcast %get3A_8 : vector<1x128xf32> to vector<16384x128xf32>
    %add3A_9 = arith.addf %dot_general3A_5, %add3A : vector<16384x128xf32>
    %tanh3A = math.tanh %add3A_9 : vector<16384x128xf32>
    %get3A_10 = arith.constant 0 : index
    %get3A_11 = arith.constant 0 : index
    %get3A_12 = vector.load %arg4[%get3A_10, %get3A_11] : memref<128x128xf32, #tpu.memory_space<vmem>>, vector<128x128xf32>
    %dot_general3A_13 = arith.constant dense<0.000000e+00> : vector<16384x128xf32>
    %dot_general3A_14 = tpu.matmul %tanh3A, %get3A_12, %dot_general3A_13 {dimension_numbers = #tpu.dot_dimension_numbers<[1], [0], [0], [1], [0, 0, 1, 1], [], []>, transpose_lhs_hint = false} : vector<16384x128xf32>, vector<128x128xf32>, vector<16384x128xf32> -> vector<16384x128xf32>
    %get3A_15 = arith.constant 0 : index
    %get3A_16 = arith.constant 0 : index
    %get3A_17 = vector.load %arg5[%get3A_15, %get3A_16] : memref<1x128xf32, #tpu.memory_space<vmem>>, vector<1x128xf32>
    %add3A_18 = vector.broadcast %get3A_17 : vector<1x128xf32> to vector<16384x128xf32>
    %add3A_19 = arith.addf %dot_general3A_14, %add3A_18 : vector<16384x128xf32>
    %tanh3A_20 = math.tanh %add3A_19 : vector<16384x128xf32>
    %get3A_21 = arith.constant 0 : index
    %get3A_22 = arith.constant 0 : index
    %get3A_23 = vector.load %arg6[%get3A_21, %get3A_22] : memref<128x1xf32, #tpu.memory_space<vmem>>, vector<128x1xf32>
    %dot_general3A_24 = arith.constant dense<0.000000e+00> : vector<16384x1xf32>
    %dot_general3A_25 = tpu.matmul %tanh3A_20, %get3A_23, %dot_general3A_24 {dimension_numbers = #tpu.dot_dimension_numbers<[1], [0], [0], [1], [0, 0, 1, 1], [], []>, transpose_lhs_hint = false} : vector<16384x128xf32>, vector<128x1xf32>, vector<16384x1xf32> -> vector<16384x1xf32>
    %get3A_26 = arith.constant 0 : index
    %get3A_27 = arith.constant 0 : index
    %get3A_28 = vector.load %arg7[%get3A_26, %get3A_27] : memref<1x1xf32, #tpu.memory_space<vmem>>, vector<1x1xf32>
    %add3A_29 = vector.broadcast %get3A_28 : vector<1x1xf32> to vector<16384x1xf32>
    %add3A_30 = arith.addf %dot_general3A_25, %add3A_29 : vector<16384x1xf32>
    %reshape3A = vector.shape_cast %add3A_30 : vector<16384x1xf32> to vector<16x1024xf32>
    %get3A_31 = arith.constant 0 : index
    %get3A_32 = arith.constant 0 : index
    %get3A_33 = vector.load %arg8[%get3A_31, %get3A_32] : memref<16x1024xi32, #tpu.memory_space<vmem>>, vector<16x1024xi32>
    %get3A_34 = arith.constant dense<0> : vector<16x1024xi32>
    %get3A_35 = arith.cmpi ne, %get3A_33, %get3A_34 : vector<16x1024xi32>
    %jit3A = arith.constant 0xFF800000 : f32
    %broadcast_in_dim3A = vector.broadcast %jit3A : f32 to vector<16x1024xf32>
    %select_n3A = arith.select %get3A_35, %reshape3A, %broadcast_in_dim3A : vector<16x1024xi1>, vector<16x1024xf32>
    %reduce_max3A = arith.constant dense<0xFF800000> : vector<16xf32>
    %reduce_max3A_36 = vector.multi_reduction <maximumf>, %select_n3A, %reduce_max3A [1] : vector<16x1024xf32> to vector<16xf32>
    %broadcast_in_dim3A_37 = vector.shape_cast %reduce_max3A_36 : vector<16xf32> to vector<16x1xf32>
    %sub3A = vector.broadcast %broadcast_in_dim3A_37 : vector<16x1xf32> to vector<16x1024xf32>
    %sub3A_38 = arith.subf %select_n3A, %sub3A : vector<16x1024xf32>
    %exp3A = math.exp %sub3A_38 : vector<16x1024xf32>
    %reduce_sum3A = arith.constant dense<0.000000e+00> : vector<16xf32>
    %reduce_sum3A_39 = vector.multi_reduction <add>, %exp3A, %reduce_sum3A [1] : vector<16x1024xf32> to vector<16xf32>
    %broadcast_in_dim3A_40 = vector.shape_cast %reduce_sum3A_39 : vector<16xf32> to vector<16x1xf32>
    %log3A = math.log %broadcast_in_dim3A_40 : vector<16x1xf32>
    %sub3A_41 = vector.broadcast %log3A : vector<16x1xf32> to vector<16x1024xf32>
    %sub3A_42 = arith.subf %sub3A_38, %sub3A_41 : vector<16x1024xf32>
    %swap3A = arith.constant 0 : index
    %swap3A_43 = arith.constant 0 : index
    %swap3A_44 = vector.load %arg10[%swap3A, %swap3A_43] : memref<16x1024xf32, #tpu.memory_space<vmem>>, vector<16x1024xf32>
    tpu.vector_store %arg10[%swap3A, %swap3A_43], %sub3A_42 {strides = array<i32>} : memref<16x1024xf32, #tpu.memory_space<vmem>>, vector<16x1024xf32>,
    %get3A_45 = arith.constant 0 : index
    %get3A_46 = arith.constant 0 : index
    %get3A_47 = vector.load %arg9[%get3A_45, %get3A_46] : memref<16x1024xf32, #tpu.memory_space<vmem>>, vector<16x1024xf32>
    %log3A_48 = math.log %get3A_47 : vector<16x1024xf32>
    %neg3A = arith.constant 0.000000e+00 : f32
    %neg3A_49 = vector.broadcast %neg3A : f32 to vector<16x1024xf32>
    %neg3A_50 = arith.subf %neg3A_49, %log3A_48 : vector<16x1024xf32>
    %log3A_51 = math.log %neg3A_50 : vector<16x1024xf32>
    %neg3A_52 = arith.constant 0.000000e+00 : f32
    %neg3A_53 = vector.broadcast %neg3A_52 : f32 to vector<16x1024xf32>
    %neg3A_54 = arith.subf %neg3A_53, %log3A_51 : vector<16x1024xf32>
    %add3A_55 = arith.addf %sub3A_42, %neg3A_54 : vector<16x1024xf32>
    %jit3A_56 = arith.constant 0xFF800000 : f32
    %broadcast_in_dim3A_57 = vector.broadcast %jit3A_56 : f32 to vector<16x1024xf32>
    %select_n3A_58 = arith.select %get3A_35, %add3A_55, %broadcast_in_dim3A_57 : vector<16x1024xi1>, vector<16x1024xf32>
    %reduce_max3A_59 = arith.constant dense<0xFF800000> : vector<16xf32>
    %reduce_max3A_60 = vector.multi_reduction <maximumf>, %select_n3A_58, %reduce_max3A_59 [1] : vector<16x1024xf32> to vector<16xf32>
    %broadcast_in_dim3A_61 = vector.shape_cast %reduce_max3A_60 : vector<16xf32> to vector<16x1xf32>
    %iota3A = tpu.iota {dimensions = array<i32: 1>} : vector<16x1024xi32>
    %eq3A = vector.broadcast %broadcast_in_dim3A_61 : vector<16x1xf32> to vector<16x1024xf32>
    %eq3A_62 = arith.cmpf oeq, %select_n3A_58, %eq3A : vector<16x1024xf32>
    %jit3A_63 = arith.constant 1024 : i32
    %broadcast_in_dim3A_64 = vector.broadcast %jit3A_63 : i32 to vector<16x1024xi32>
    %select_n3A_65 = arith.select %eq3A_62, %iota3A, %broadcast_in_dim3A_64 : vector<16x1024xi1>, vector<16x1024xi32>
    %reduce_min3A = arith.constant dense<2147483647> : vector<16xi32>
    %reduce_min3A_66 = vector.multi_reduction <minsi>, %select_n3A_65, %reduce_min3A [1] : vector<16x1024xi32> to vector<16xi32>
    %broadcast_in_dim3A_67 = vector.shape_cast %reduce_min3A_66 : vector<16xi32> to vector<16x1xi32>
    %broadcast_in_dim3A_68 = vector.shape_cast %broadcast_in_dim3A_67 : vector<16x1xi32> to vector<16x1xi32>
    %broadcast_in_dim3A_69 = vector.broadcast %broadcast_in_dim3A_68 : vector<16x1xi32> to vector<16x128xi32>
    %swap3A_70 = arith.constant 0 : index
    %swap3A_71 = arith.constant 0 : index
    %swap3A_72 = vector.load %arg11[%swap3A_70, %swap3A_71] : memref<16x128xi32, #tpu.memory_space<vmem>>, vector<16x128xi32>
    tpu.vector_store %arg11[%swap3A_70, %swap3A_71], %broadcast_in_dim3A_69 {strides = array<i32>} : memref<16x128xi32, #tpu.memory_space<vmem>>, vector<16x128xi32>,
    return
  }
  func.func @transform_0(%arg0: i32) -> (i32, i32) {
    %c0_i32 = arith.constant 0 : i32
    %c0_i32_0 = arith.constant 0 : i32
    return %arg0, %c0_i32 : i32, i32
  }
  func.func @transform_1(%arg0: i32) -> (i32, i32) {
    %c0_i32 = arith.constant 0 : i32
    %c0_i32_0 = arith.constant 0 : i32
    %c0_i32_1 = arith.constant 0 : i32
    return %c0_i32, %c0_i32_0 : i32, i32
  }
  func.func @transform_2(%arg0: i32) -> (i32, i32) {
    %c0_i32 = arith.constant 0 : i32
    %c0_i32_0 = arith.constant 0 : i32
    %c0_i32_1 = arith.constant 0 : i32
    return %c0_i32, %c0_i32_0 : i32, i32
  }
  func.func @transform_3(%arg0: i32) -> (i32, i32) {
    %c0_i32 = arith.constant 0 : i32
    %c0_i32_0 = arith.constant 0 : i32
    %c0_i32_1 = arith.constant 0 : i32
    return %c0_i32, %c0_i32_0 : i32, i32
  }
  func.func @transform_4(%arg0: i32) -> (i32, i32) {
    %c0_i32 = arith.constant 0 : i32
    %c0_i32_0 = arith.constant 0 : i32
    %c0_i32_1 = arith.constant 0 : i32
    return %c0_i32, %c0_i32_0 : i32, i32
  }
  func.func @transform_5(%arg0: i32) -> (i32, i32) {
    %c0_i32 = arith.constant 0 : i32
    %c0_i32_0 = arith.constant 0 : i32
    %c0_i32_1 = arith.constant 0 : i32
    return %c0_i32, %c0_i32_0 : i32, i32
  }
  func.func @transform_6(%arg0: i32) -> (i32, i32) {
    %c0_i32 = arith.constant 0 : i32
    %c0_i32_0 = arith.constant 0 : i32
    %c0_i32_1 = arith.constant 0 : i32
    return %c0_i32, %c0_i32_0 : i32, i32
  }
  func.func @transform_7(%arg0: i32) -> (i32, i32) {
    %add3A = arith.constant 4 : i32
    %add3A_0 = arith.addi %arg0, %add3A : i32
    %c0_i32 = arith.constant 0 : i32
    %c0_i32_1 = arith.constant 0 : i32
    return %add3A_0, %c0_i32 : i32, i32
  }
  func.func @transform_8(%arg0: i32) -> (i32, i32) {
    %add3A = arith.constant 4 : i32
    %add3A_0 = arith.addi %arg0, %add3A : i32
    %c0_i32 = arith.constant 0 : i32
    %c0_i32_1 = arith.constant 0 : i32
    return %add3A_0, %c0_i32 : i32, i32
  }
  func.func @transform_9(%arg0: i32) -> (i32, i32) {
    %c0_i32 = arith.constant 0 : i32
    %c0_i32_0 = arith.constant 0 : i32
    return %arg0, %c0_i32 : i32, i32
  }
  func.func @transform_10(%arg0: i32) -> (i32, i32) {
    %c0_i32 = arith.constant 0 : i32
    %c0_i32_0 = arith.constant 0 : i32
    return %arg0, %c0_i32 : i32, i32
  }
}

module attributes {stable_mosaic.version = 14 : i64} {
  func.func @_decode_body(%arg0: i32, %arg1: memref<16384x128xf32, #tpu.memory_space<vmem>>, %arg2: memref<128x128xf32, #tpu.memory_space<vmem>>, %arg3: memref<1x128xf32, #tpu.memory_space<vmem>>, %arg4: memref<128x128xf32, #tpu.memory_space<vmem>>, %arg5: memref<1x128xf32, #tpu.memory_space<vmem>>, %arg6: memref<128x1xf32, #tpu.memory_space<vmem>>, %arg7: memref<1x1xf32, #tpu.memory_space<vmem>>, %arg8: memref<16x1024xi32, #tpu.memory_space<vmem>>, %arg9: memref<16x1024xf32, #tpu.memory_space<vmem>>, %arg10: memref<16x1024xf32, #tpu.memory_space<vmem>>, %arg11: memref<16x128xi32, #tpu.memory_space<vmem>>) attributes {dimension_semantics = [#tpu.dimension_semantics<parallel>], iteration_bounds = array<i64: 2>, scalar_prefetch = 0 : i64, scratch_operands = 0 : i64, tpu.core_type = #tpu.core_type<tc>, window_params = [{transform_indices = @transform_0, window_bounds = array<i64: 16384, 128>}, {pipeline_mode = #tpu.pipeline_mode<synchronous>, transform_indices = @transform_1, window_bounds = array<i64: 128, 128>}, {pipeline_mode = #tpu.pipeline_mode<synchronous>, transform_indices = @transform_2, window_bounds = array<i64: 1, 128>}, {pipeline_mode = #tpu.pipeline_mode<synchronous>, transform_indices = @transform_3, window_bounds = array<i64: 128, 128>}, {pipeline_mode = #tpu.pipeline_mode<synchronous>, transform_indices = @transform_4, window_bounds = array<i64: 1, 128>}, {pipeline_mode = #tpu.pipeline_mode<synchronous>, transform_indices = @transform_5, window_bounds = array<i64: 128, 1>}, {pipeline_mode = #tpu.pipeline_mode<synchronous>, transform_indices = @transform_6, window_bounds = array<i64: 1, 1>}, {transform_indices = @transform_7, window_bounds = array<i64: 16, 1024>}, {transform_indices = @transform_8, window_bounds = array<i64: 16, 1024>}, {transform_indices = @transform_9, window_bounds = array<i64: 16, 1024>}, {transform_indices = @transform_10, window_bounds = array<i64: 16, 128>}]} {
    %get3A = arith.constant 0 : index
    %get3A_0 = arith.constant 0 : index
    %get3A_1 = vector.load %arg1[%get3A, %get3A_0] : memref<16384x128xf32, #tpu.memory_space<vmem>>, vector<16384x128xf32>
    %get3A_2 = arith.constant 0 : index
    %get3A_3 = arith.constant 0 : index
    %get3A_4 = vector.load %arg2[%get3A_2, %get3A_3] : memref<128x128xf32, #tpu.memory_space<vmem>>, vector<128x128xf32>
    %dot_general3A = arith.constant dense<0.000000e+00> : vector<16384x128xf32>
    %dot_general3A_5 = tpu.matmul %get3A_1, %get3A_4, %dot_general3A {dimension_numbers = #tpu.dot_dimension_numbers<[1], [0], [0], [1], [0, 0, 1, 1], [], []>, transpose_lhs_hint = false} : vector<16384x128xf32>, vector<128x128xf32>, vector<16384x128xf32> -> vector<16384x128xf32>
    %get3A_6 = arith.constant 0 : index
    %get3A_7 = arith.constant 0 : index
    %get3A_8 = vector.load %arg3[%get3A_6, %get3A_7] : memref<1x128xf32, #tpu.memory_space<vmem>>, vector<1x128xf32>
    %add3A = vector.broadcast %get3A_8 : vector<1x128xf32> to vector<16384x128xf32>
    %add3A_9 = arith.addf %dot_general3A_5, %add3A : vector<16384x128xf32>
    %tanh3A = math.tanh %add3A_9 : vector<16384x128xf32>
    %get3A_10 = arith.constant 0 : index
    %get3A_11 = arith.constant 0 : index
    %get3A_12 = vector.load %arg4[%get3A_10, %get3A_11] : memref<128x128xf32, #tpu.memory_space<vmem>>, vector<128x128xf32>
    %dot_general3A_13 = arith.constant dense<0.000000e+00> : vector<16384x128xf32>
    %dot_general3A_14 = tpu.matmul %tanh3A, %get3A_12, %dot_general3A_13 {dimension_numbers = #tpu.dot_dimension_numbers<[1], [0], [0], [1], [0, 0, 1, 1], [], []>, transpose_lhs_hint = false} : vector<16384x128xf32>, vector<128x128xf32>, vector<16384x128xf32> -> vector<16384x128xf32>
    %get3A_15 = arith.constant 0 : index
    %get3A_16 = arith.constant 0 : index
    %get3A_17 = vector.load %arg5[%get3A_15, %get3A_16] : memref<1x128xf32, #tpu.memory_space<vmem>>, vector<1x128xf32>
    %add3A_18 = vector.broadcast %get3A_17 : vector<1x128xf32> to vector<16384x128xf32>
    %add3A_19 = arith.addf %dot_general3A_14, %add3A_18 : vector<16384x128xf32>
    %tanh3A_20 = math.tanh %add3A_19 : vector<16384x128xf32>
    %get3A_21 = arith.constant 0 : index
    %get3A_22 = arith.constant 0 : index
    %get3A_23 = vector.load %arg6[%get3A_21, %get3A_22] : memref<128x1xf32, #tpu.memory_space<vmem>>, vector<128x1xf32>
    %dot_general3A_24 = arith.constant dense<0.000000e+00> : vector<16384x1xf32>
    %dot_general3A_25 = tpu.matmul %tanh3A_20, %get3A_23, %dot_general3A_24 {dimension_numbers = #tpu.dot_dimension_numbers<[1], [0], [0], [1], [0, 0, 1, 1], [], []>, transpose_lhs_hint = false} : vector<16384x128xf32>, vector<128x1xf32>, vector<16384x1xf32> -> vector<16384x1xf32>
    %get3A_26 = arith.constant 0 : index
    %get3A_27 = arith.constant 0 : index
    %get3A_28 = vector.load %arg7[%get3A_26, %get3A_27] : memref<1x1xf32, #tpu.memory_space<vmem>>, vector<1x1xf32>
    %add3A_29 = vector.broadcast %get3A_28 : vector<1x1xf32> to vector<16384x1xf32>
    %add3A_30 = arith.addf %dot_general3A_25, %add3A_29 : vector<16384x1xf32>
    %reshape3A = vector.shape_cast %add3A_30 : vector<16384x1xf32> to vector<16x1024xf32>
    %get3A_31 = arith.constant 0 : index
    %get3A_32 = arith.constant 0 : index
    %get3A_33 = vector.load %arg8[%get3A_31, %get3A_32] : memref<16x1024xi32, #tpu.memory_space<vmem>>, vector<16x1024xi32>
    %get3A_34 = arith.constant dense<0> : vector<16x1024xi32>
    %get3A_35 = arith.cmpi ne, %get3A_33, %get3A_34 : vector<16x1024xi32>
    %jit3A = arith.constant 0xFF800000 : f32
    %broadcast_in_dim3A = vector.broadcast %jit3A : f32 to vector<16x1024xf32>
    %select_n3A = arith.select %get3A_35, %reshape3A, %broadcast_in_dim3A : vector<16x1024xi1>, vector<16x1024xf32>
    %reduce_max3A = arith.constant dense<0xFF800000> : vector<16xf32>
    %reduce_max3A_36 = vector.multi_reduction <maximumf>, %select_n3A, %reduce_max3A [1] : vector<16x1024xf32> to vector<16xf32>
    %broadcast_in_dim3A_37 = vector.shape_cast %reduce_max3A_36 : vector<16xf32> to vector<16x1xf32>
    %sub3A = vector.broadcast %broadcast_in_dim3A_37 : vector<16x1xf32> to vector<16x1024xf32>
    %sub3A_38 = arith.subf %select_n3A, %sub3A : vector<16x1024xf32>
    %exp3A = math.exp %sub3A_38 : vector<16x1024xf32>
    %reduce_sum3A = arith.constant dense<0.000000e+00> : vector<16xf32>
    %reduce_sum3A_39 = vector.multi_reduction <add>, %exp3A, %reduce_sum3A [1] : vector<16x1024xf32> to vector<16xf32>
    %broadcast_in_dim3A_40 = vector.shape_cast %reduce_sum3A_39 : vector<16xf32> to vector<16x1xf32>
    %log3A = math.log %broadcast_in_dim3A_40 : vector<16x1xf32>
    %sub3A_41 = vector.broadcast %log3A : vector<16x1xf32> to vector<16x1024xf32>
    %sub3A_42 = arith.subf %sub3A_38, %sub3A_41 : vector<16x1024xf32>
    %swap3A = arith.constant 0 : index
    %swap3A_43 = arith.constant 0 : index
    %swap3A_44 = vector.load %arg10[%swap3A, %swap3A_43] : memref<16x1024xf32, #tpu.memory_space<vmem>>, vector<16x1024xf32>
    tpu.vector_store %arg10[%swap3A, %swap3A_43], %sub3A_42 {strides = array<i32>} : memref<16x1024xf32, #tpu.memory_space<vmem>>, vector<16x1024xf32>,
    %get3A_45 = arith.constant 0 : index
    %get3A_46 = arith.constant 0 : index
    %get3A_47 = vector.load %arg9[%get3A_45, %get3A_46] : memref<16x1024xf32, #tpu.memory_space<vmem>>, vector<16x1024xf32>
    %log3A_48 = math.log %get3A_47 : vector<16x1024xf32>
    %neg3A = arith.constant 0.000000e+00 : f32
    %neg3A_49 = vector.broadcast %neg3A : f32 to vector<16x1024xf32>
    %neg3A_50 = arith.subf %neg3A_49, %log3A_48 : vector<16x1024xf32>
    %log3A_51 = math.log %neg3A_50 : vector<16x1024xf32>
    %neg3A_52 = arith.constant 0.000000e+00 : f32
    %neg3A_53 = vector.broadcast %neg3A_52 : f32 to vector<16x1024xf32>
    %neg3A_54 = arith.subf %neg3A_53, %log3A_51 : vector<16x1024xf32>
    %add3A_55 = arith.addf %sub3A_42, %neg3A_54 : vector<16x1024xf32>
    %jit3A_56 = arith.constant 0xFF800000 : f32
    %broadcast_in_dim3A_57 = vector.broadcast %jit3A_56 : f32 to vector<16x1024xf32>
    %select_n3A_58 = arith.select %get3A_35, %add3A_55, %broadcast_in_dim3A_57 : vector<16x1024xi1>, vector<16x1024xf32>
    %reduce_max3A_59 = arith.constant dense<0xFF800000> : vector<16xf32>
    %reduce_max3A_60 = vector.multi_reduction <maximumf>, %select_n3A_58, %reduce_max3A_59 [1] : vector<16x1024xf32> to vector<16xf32>
    %broadcast_in_dim3A_61 = vector.shape_cast %reduce_max3A_60 : vector<16xf32> to vector<16x1xf32>
    %iota3A = tpu.iota {dimensions = array<i32: 1>} : vector<16x1024xi32>
    %eq3A = vector.broadcast %broadcast_in_dim3A_61 : vector<16x1xf32> to vector<16x1024xf32>
    %eq3A_62 = arith.cmpf oeq, %select_n3A_58, %eq3A : vector<16x1024xf32>
    %jit3A_63 = arith.constant 1024 : i32
    %broadcast_in_dim3A_64 = vector.broadcast %jit3A_63 : i32 to vector<16x1024xi32>
    %select_n3A_65 = arith.select %eq3A_62, %iota3A, %broadcast_in_dim3A_64 : vector<16x1024xi1>, vector<16x1024xi32>
    %reduce_min3A = arith.constant dense<2147483647> : vector<16xi32>
    %reduce_min3A_66 = vector.multi_reduction <minsi>, %select_n3A_65, %reduce_min3A [1] : vector<16x1024xi32> to vector<16xi32>
    %broadcast_in_dim3A_67 = vector.shape_cast %reduce_min3A_66 : vector<16xi32> to vector<16x1xi32>
    %broadcast_in_dim3A_68 = vector.shape_cast %broadcast_in_dim3A_67 : vector<16x1xi32> to vector<16x1xi32>
    %broadcast_in_dim3A_69 = vector.broadcast %broadcast_in_dim3A_68 : vector<16x1xi32> to vector<16x128xi32>
    %swap3A_70 = arith.constant 0 : index
    %swap3A_71 = arith.constant 0 : index
    %swap3A_72 = vector.load %arg11[%swap3A_70, %swap3A_71] : memref<16x128xi32, #tpu.memory_space<vmem>>, vector<16x128xi32>
    tpu.vector_store %arg11[%swap3A_70, %swap3A_71], %broadcast_in_dim3A_69 {strides = array<i32>} : memref<16x128xi32, #tpu.memory_space<vmem>>, vector<16x128xi32>,
    return
  }
  func.func @transform_0(%arg0: i32) -> (i32, i32) {
    %c0_i32 = arith.constant 0 : i32
    %c0_i32_0 = arith.constant 0 : i32
    return %arg0, %c0_i32 : i32, i32
  }
  func.func @transform_1(%arg0: i32) -> (i32, i32) {
    %c0_i32 = arith.constant 0 : i32
    %c0_i32_0 = arith.constant 0 : i32
    %c0_i32_1 = arith.constant 0 : i32
    return %c0_i32, %c0_i32_0 : i32, i32
  }
  func.func @transform_2(%arg0: i32) -> (i32, i32) {
    %c0_i32 = arith.constant 0 : i32
    %c0_i32_0 = arith.constant 0 : i32
    %c0_i32_1 = arith.constant 0 : i32
    return %c0_i32, %c0_i32_0 : i32, i32
  }
  func.func @transform_3(%arg0: i32) -> (i32, i32) {
    %c0_i32 = arith.constant 0 : i32
    %c0_i32_0 = arith.constant 0 : i32
    %c0_i32_1 = arith.constant 0 : i32
    return %c0_i32, %c0_i32_0 : i32, i32
  }
  func.func @transform_4(%arg0: i32) -> (i32, i32) {
    %c0_i32 = arith.constant 0 : i32
    %c0_i32_0 = arith.constant 0 : i32
    %c0_i32_1 = arith.constant 0 : i32
    return %c0_i32, %c0_i32_0 : i32, i32
  }
  func.func @transform_5(%arg0: i32) -> (i32, i32) {
    %c0_i32 = arith.constant 0 : i32
    %c0_i32_0 = arith.constant 0 : i32
    %c0_i32_1 = arith.constant 0 : i32
    return %c0_i32, %c0_i32_0 : i32, i32
  }
  func.func @transform_6(%arg0: i32) -> (i32, i32) {
    %c0_i32 = arith.constant 0 : i32
    %c0_i32_0 = arith.constant 0 : i32
    %c0_i32_1 = arith.constant 0 : i32
    return %c0_i32, %c0_i32_0 : i32, i32
  }
  func.func @transform_7(%arg0: i32) -> (i32, i32) {
    %add3A = arith.constant 2 : i32
    %add3A_0 = arith.addi %arg0, %add3A : i32
    %c0_i32 = arith.constant 0 : i32
    %c0_i32_1 = arith.constant 0 : i32
    return %add3A_0, %c0_i32 : i32, i32
  }
  func.func @transform_8(%arg0: i32) -> (i32, i32) {
    %add3A = arith.constant 2 : i32
    %add3A_0 = arith.addi %arg0, %add3A : i32
    %c0_i32 = arith.constant 0 : i32
    %c0_i32_1 = arith.constant 0 : i32
    return %add3A_0, %c0_i32 : i32, i32
  }
  func.func @transform_9(%arg0: i32) -> (i32, i32) {
    %c0_i32 = arith.constant 0 : i32
    %c0_i32_0 = arith.constant 0 : i32
    return %arg0, %c0_i32 : i32, i32
  }
  func.func @transform_10(%arg0: i32) -> (i32, i32) {
    %c0_i32 = arith.constant 0 : i32
    %c0_i32_0 = arith.constant 0 : i32
    return %arg0, %c0_i32 : i32, i32
  }
}

module attributes {stable_mosaic.version = 14 : i64} {
  func.func @_decode_body(%arg0: i32, %arg1: memref<16384x128xf32, #tpu.memory_space<vmem>>, %arg2: memref<128x128xf32, #tpu.memory_space<vmem>>, %arg3: memref<1x128xf32, #tpu.memory_space<vmem>>, %arg4: memref<128x128xf32, #tpu.memory_space<vmem>>, %arg5: memref<1x128xf32, #tpu.memory_space<vmem>>, %arg6: memref<128x1xf32, #tpu.memory_space<vmem>>, %arg7: memref<1x1xf32, #tpu.memory_space<vmem>>, %arg8: memref<16x1024xi32, #tpu.memory_space<vmem>>, %arg9: memref<16x1024xf32, #tpu.memory_space<vmem>>, %arg10: memref<16x1024xf32, #tpu.memory_space<vmem>>, %arg11: memref<16x128xi32, #tpu.memory_space<vmem>>) attributes {dimension_semantics = [#tpu.dimension_semantics<parallel>], iteration_bounds = array<i64: 2>, scalar_prefetch = 0 : i64, scratch_operands = 0 : i64, tpu.core_type = #tpu.core_type<tc>, window_params = [{transform_indices = @transform_0, window_bounds = array<i64: 16384, 128>}, {pipeline_mode = #tpu.pipeline_mode<synchronous>, transform_indices = @transform_1, window_bounds = array<i64: 128, 128>}, {pipeline_mode = #tpu.pipeline_mode<synchronous>, transform_indices = @transform_2, window_bounds = array<i64: 1, 128>}, {pipeline_mode = #tpu.pipeline_mode<synchronous>, transform_indices = @transform_3, window_bounds = array<i64: 128, 128>}, {pipeline_mode = #tpu.pipeline_mode<synchronous>, transform_indices = @transform_4, window_bounds = array<i64: 1, 128>}, {pipeline_mode = #tpu.pipeline_mode<synchronous>, transform_indices = @transform_5, window_bounds = array<i64: 128, 1>}, {pipeline_mode = #tpu.pipeline_mode<synchronous>, transform_indices = @transform_6, window_bounds = array<i64: 1, 1>}, {transform_indices = @transform_7, window_bounds = array<i64: 16, 1024>}, {transform_indices = @transform_8, window_bounds = array<i64: 16, 1024>}, {transform_indices = @transform_9, window_bounds = array<i64: 16, 1024>}, {transform_indices = @transform_10, window_bounds = array<i64: 16, 128>}]} {
    %get3A = arith.constant 0 : index
    %get3A_0 = arith.constant 0 : index
    %get3A_1 = vector.load %arg1[%get3A, %get3A_0] : memref<16384x128xf32, #tpu.memory_space<vmem>>, vector<16384x128xf32>
    %get3A_2 = arith.constant 0 : index
    %get3A_3 = arith.constant 0 : index
    %get3A_4 = vector.load %arg2[%get3A_2, %get3A_3] : memref<128x128xf32, #tpu.memory_space<vmem>>, vector<128x128xf32>
    %dot_general3A = arith.constant dense<0.000000e+00> : vector<16384x128xf32>
    %dot_general3A_5 = tpu.matmul %get3A_1, %get3A_4, %dot_general3A {dimension_numbers = #tpu.dot_dimension_numbers<[1], [0], [0], [1], [0, 0, 1, 1], [], []>, transpose_lhs_hint = false} : vector<16384x128xf32>, vector<128x128xf32>, vector<16384x128xf32> -> vector<16384x128xf32>
    %get3A_6 = arith.constant 0 : index
    %get3A_7 = arith.constant 0 : index
    %get3A_8 = vector.load %arg3[%get3A_6, %get3A_7] : memref<1x128xf32, #tpu.memory_space<vmem>>, vector<1x128xf32>
    %add3A = vector.broadcast %get3A_8 : vector<1x128xf32> to vector<16384x128xf32>
    %add3A_9 = arith.addf %dot_general3A_5, %add3A : vector<16384x128xf32>
    %tanh3A = math.tanh %add3A_9 : vector<16384x128xf32>
    %get3A_10 = arith.constant 0 : index
    %get3A_11 = arith.constant 0 : index
    %get3A_12 = vector.load %arg4[%get3A_10, %get3A_11] : memref<128x128xf32, #tpu.memory_space<vmem>>, vector<128x128xf32>
    %dot_general3A_13 = arith.constant dense<0.000000e+00> : vector<16384x128xf32>
    %dot_general3A_14 = tpu.matmul %tanh3A, %get3A_12, %dot_general3A_13 {dimension_numbers = #tpu.dot_dimension_numbers<[1], [0], [0], [1], [0, 0, 1, 1], [], []>, transpose_lhs_hint = false} : vector<16384x128xf32>, vector<128x128xf32>, vector<16384x128xf32> -> vector<16384x128xf32>
    %get3A_15 = arith.constant 0 : index
    %get3A_16 = arith.constant 0 : index
    %get3A_17 = vector.load %arg5[%get3A_15, %get3A_16] : memref<1x128xf32, #tpu.memory_space<vmem>>, vector<1x128xf32>
    %add3A_18 = vector.broadcast %get3A_17 : vector<1x128xf32> to vector<16384x128xf32>
    %add3A_19 = arith.addf %dot_general3A_14, %add3A_18 : vector<16384x128xf32>
    %tanh3A_20 = math.tanh %add3A_19 : vector<16384x128xf32>
    %get3A_21 = arith.constant 0 : index
    %get3A_22 = arith.constant 0 : index
    %get3A_23 = vector.load %arg6[%get3A_21, %get3A_22] : memref<128x1xf32, #tpu.memory_space<vmem>>, vector<128x1xf32>
    %dot_general3A_24 = arith.constant dense<0.000000e+00> : vector<16384x1xf32>
    %dot_general3A_25 = tpu.matmul %tanh3A_20, %get3A_23, %dot_general3A_24 {dimension_numbers = #tpu.dot_dimension_numbers<[1], [0], [0], [1], [0, 0, 1, 1], [], []>, transpose_lhs_hint = false} : vector<16384x128xf32>, vector<128x1xf32>, vector<16384x1xf32> -> vector<16384x1xf32>
    %get3A_26 = arith.constant 0 : index
    %get3A_27 = arith.constant 0 : index
    %get3A_28 = vector.load %arg7[%get3A_26, %get3A_27] : memref<1x1xf32, #tpu.memory_space<vmem>>, vector<1x1xf32>
    %add3A_29 = vector.broadcast %get3A_28 : vector<1x1xf32> to vector<16384x1xf32>
    %add3A_30 = arith.addf %dot_general3A_25, %add3A_29 : vector<16384x1xf32>
    %reshape3A = vector.shape_cast %add3A_30 : vector<16384x1xf32> to vector<16x1024xf32>
    %get3A_31 = arith.constant 0 : index
    %get3A_32 = arith.constant 0 : index
    %get3A_33 = vector.load %arg8[%get3A_31, %get3A_32] : memref<16x1024xi32, #tpu.memory_space<vmem>>, vector<16x1024xi32>
    %get3A_34 = arith.constant dense<0> : vector<16x1024xi32>
    %get3A_35 = arith.cmpi ne, %get3A_33, %get3A_34 : vector<16x1024xi32>
    %jit3A = arith.constant 0xFF800000 : f32
    %broadcast_in_dim3A = vector.broadcast %jit3A : f32 to vector<16x1024xf32>
    %select_n3A = arith.select %get3A_35, %reshape3A, %broadcast_in_dim3A : vector<16x1024xi1>, vector<16x1024xf32>
    %reduce_max3A = arith.constant dense<0xFF800000> : vector<16xf32>
    %reduce_max3A_36 = vector.multi_reduction <maximumf>, %select_n3A, %reduce_max3A [1] : vector<16x1024xf32> to vector<16xf32>
    %broadcast_in_dim3A_37 = vector.shape_cast %reduce_max3A_36 : vector<16xf32> to vector<16x1xf32>
    %sub3A = vector.broadcast %broadcast_in_dim3A_37 : vector<16x1xf32> to vector<16x1024xf32>
    %sub3A_38 = arith.subf %select_n3A, %sub3A : vector<16x1024xf32>
    %exp3A = math.exp %sub3A_38 : vector<16x1024xf32>
    %reduce_sum3A = arith.constant dense<0.000000e+00> : vector<16xf32>
    %reduce_sum3A_39 = vector.multi_reduction <add>, %exp3A, %reduce_sum3A [1] : vector<16x1024xf32> to vector<16xf32>
    %broadcast_in_dim3A_40 = vector.shape_cast %reduce_sum3A_39 : vector<16xf32> to vector<16x1xf32>
    %log3A = math.log %broadcast_in_dim3A_40 : vector<16x1xf32>
    %sub3A_41 = vector.broadcast %log3A : vector<16x1xf32> to vector<16x1024xf32>
    %sub3A_42 = arith.subf %sub3A_38, %sub3A_41 : vector<16x1024xf32>
    %swap3A = arith.constant 0 : index
    %swap3A_43 = arith.constant 0 : index
    %swap3A_44 = vector.load %arg10[%swap3A, %swap3A_43] : memref<16x1024xf32, #tpu.memory_space<vmem>>, vector<16x1024xf32>
    tpu.vector_store %arg10[%swap3A, %swap3A_43], %sub3A_42 {strides = array<i32>} : memref<16x1024xf32, #tpu.memory_space<vmem>>, vector<16x1024xf32>,
    %get3A_45 = arith.constant 0 : index
    %get3A_46 = arith.constant 0 : index
    %get3A_47 = vector.load %arg9[%get3A_45, %get3A_46] : memref<16x1024xf32, #tpu.memory_space<vmem>>, vector<16x1024xf32>
    %log3A_48 = math.log %get3A_47 : vector<16x1024xf32>
    %neg3A = arith.constant 0.000000e+00 : f32
    %neg3A_49 = vector.broadcast %neg3A : f32 to vector<16x1024xf32>
    %neg3A_50 = arith.subf %neg3A_49, %log3A_48 : vector<16x1024xf32>
    %log3A_51 = math.log %neg3A_50 : vector<16x1024xf32>
    %neg3A_52 = arith.constant 0.000000e+00 : f32
    %neg3A_53 = vector.broadcast %neg3A_52 : f32 to vector<16x1024xf32>
    %neg3A_54 = arith.subf %neg3A_53, %log3A_51 : vector<16x1024xf32>
    %add3A_55 = arith.addf %sub3A_42, %neg3A_54 : vector<16x1024xf32>
    %jit3A_56 = arith.constant 0xFF800000 : f32
    %broadcast_in_dim3A_57 = vector.broadcast %jit3A_56 : f32 to vector<16x1024xf32>
    %select_n3A_58 = arith.select %get3A_35, %add3A_55, %broadcast_in_dim3A_57 : vector<16x1024xi1>, vector<16x1024xf32>
    %reduce_max3A_59 = arith.constant dense<0xFF800000> : vector<16xf32>
    %reduce_max3A_60 = vector.multi_reduction <maximumf>, %select_n3A_58, %reduce_max3A_59 [1] : vector<16x1024xf32> to vector<16xf32>
    %broadcast_in_dim3A_61 = vector.shape_cast %reduce_max3A_60 : vector<16xf32> to vector<16x1xf32>
    %iota3A = tpu.iota {dimensions = array<i32: 1>} : vector<16x1024xi32>
    %eq3A = vector.broadcast %broadcast_in_dim3A_61 : vector<16x1xf32> to vector<16x1024xf32>
    %eq3A_62 = arith.cmpf oeq, %select_n3A_58, %eq3A : vector<16x1024xf32>
    %jit3A_63 = arith.constant 1024 : i32
    %broadcast_in_dim3A_64 = vector.broadcast %jit3A_63 : i32 to vector<16x1024xi32>
    %select_n3A_65 = arith.select %eq3A_62, %iota3A, %broadcast_in_dim3A_64 : vector<16x1024xi1>, vector<16x1024xi32>
    %reduce_min3A = arith.constant dense<2147483647> : vector<16xi32>
    %reduce_min3A_66 = vector.multi_reduction <minsi>, %select_n3A_65, %reduce_min3A [1] : vector<16x1024xi32> to vector<16xi32>
    %broadcast_in_dim3A_67 = vector.shape_cast %reduce_min3A_66 : vector<16xi32> to vector<16x1xi32>
    %broadcast_in_dim3A_68 = vector.shape_cast %broadcast_in_dim3A_67 : vector<16x1xi32> to vector<16x1xi32>
    %broadcast_in_dim3A_69 = vector.broadcast %broadcast_in_dim3A_68 : vector<16x1xi32> to vector<16x128xi32>
    %swap3A_70 = arith.constant 0 : index
    %swap3A_71 = arith.constant 0 : index
    %swap3A_72 = vector.load %arg11[%swap3A_70, %swap3A_71] : memref<16x128xi32, #tpu.memory_space<vmem>>, vector<16x128xi32>
    tpu.vector_store %arg11[%swap3A_70, %swap3A_71], %broadcast_in_dim3A_69 {strides = array<i32>} : memref<16x128xi32, #tpu.memory_space<vmem>>, vector<16x128xi32>,
    return
  }
  func.func @transform_0(%arg0: i32) -> (i32, i32) {
    %c0_i32 = arith.constant 0 : i32
    %c0_i32_0 = arith.constant 0 : i32
    return %arg0, %c0_i32 : i32, i32
  }
  func.func @transform_1(%arg0: i32) -> (i32, i32) {
    %c0_i32 = arith.constant 0 : i32
    %c0_i32_0 = arith.constant 0 : i32
    %c0_i32_1 = arith.constant 0 : i32
    return %c0_i32, %c0_i32_0 : i32, i32
  }
  func.func @transform_2(%arg0: i32) -> (i32, i32) {
    %c0_i32 = arith.constant 0 : i32
    %c0_i32_0 = arith.constant 0 : i32
    %c0_i32_1 = arith.constant 0 : i32
    return %c0_i32, %c0_i32_0 : i32, i32
  }
  func.func @transform_3(%arg0: i32) -> (i32, i32) {
    %c0_i32 = arith.constant 0 : i32
    %c0_i32_0 = arith.constant 0 : i32
    %c0_i32_1 = arith.constant 0 : i32
    return %c0_i32, %c0_i32_0 : i32, i32
  }
  func.func @transform_4(%arg0: i32) -> (i32, i32) {
    %c0_i32 = arith.constant 0 : i32
    %c0_i32_0 = arith.constant 0 : i32
    %c0_i32_1 = arith.constant 0 : i32
    return %c0_i32, %c0_i32_0 : i32, i32
  }
  func.func @transform_5(%arg0: i32) -> (i32, i32) {
    %c0_i32 = arith.constant 0 : i32
    %c0_i32_0 = arith.constant 0 : i32
    %c0_i32_1 = arith.constant 0 : i32
    return %c0_i32, %c0_i32_0 : i32, i32
  }
  func.func @transform_6(%arg0: i32) -> (i32, i32) {
    %c0_i32 = arith.constant 0 : i32
    %c0_i32_0 = arith.constant 0 : i32
    %c0_i32_1 = arith.constant 0 : i32
    return %c0_i32, %c0_i32_0 : i32, i32
  }
  func.func @transform_7(%arg0: i32) -> (i32, i32) {
    %add3A = arith.constant 6 : i32
    %add3A_0 = arith.addi %arg0, %add3A : i32
    %c0_i32 = arith.constant 0 : i32
    %c0_i32_1 = arith.constant 0 : i32
    return %add3A_0, %c0_i32 : i32, i32
  }
  func.func @transform_8(%arg0: i32) -> (i32, i32) {
    %add3A = arith.constant 6 : i32
    %add3A_0 = arith.addi %arg0, %add3A : i32
    %c0_i32 = arith.constant 0 : i32
    %c0_i32_1 = arith.constant 0 : i32
    return %add3A_0, %c0_i32 : i32, i32
  }
  func.func @transform_9(%arg0: i32) -> (i32, i32) {
    %c0_i32 = arith.constant 0 : i32
    %c0_i32_0 = arith.constant 0 : i32
    return %arg0, %c0_i32 : i32, i32
  }
  func.func @transform_10(%arg0: i32) -> (i32, i32) {
    %c0_i32 = arith.constant 0 : i32
    %c0_i32_0 = arith.constant 0 : i32
    return %arg0, %c0_i32 : i32, i32
  }
}

</mosaic_0001>

<sc_bundles>
// kernel: kernel.10.cloned.1.call-start
scs
__scs_entry_jumppad:
0x0: {  	(pc) =	sbr.rel $0x88, $3  }
0x1: {  	(tag) =	ssettag $0x0;
	lr =	simm.s32 $0x1  }
0x2: {  	[smem:$0x3F97] =	sst lr;
	_ =	strace $0xD0000000  }
0x3: {  	_ = 	snop  }
0x4: {  	_ = 	snop  }
0x5: {  	_ = 	snop  }
0x6: {  	_ = 	snop  }
0x7: {  	_ = 	snop  }
__scs_overlays_trampoline_lowered:
0x8: {  	[smem:$0x3FA6] =	sst s0  }
0x9: {  	[smem:$0x3FA7] =	sst s1  }
0xa: {  	[smem:$0x3FA8] =	sst s2  }
0xb: {  	[smem:$0x3FA9] =	sst s3  }
0xc: {  	[smem:$0x3FAA] =	sst s4  }
0xd: {  	[smem:$0x3FAB] =	sst s5  }
0xe: {  	[smem:$0x3FAC] =	sst s6  }
0xf: {  	[smem:$0x3FAD] =	sst s7  }
0x10: {  	[smem:$0x3FAE] =	sst s8  }
0x11: {  	[smem:$0x3FAF] =	sst s9;
	s0 =	simm.s32 @!p0 $0x0  }
0x12: {  	s1 =	sld [smem:$0x3F95];
	s0 =	simm.s32 @p0 $0x1  }
0x13: {  	[smem:$0x3FB0] =	sst s0;
	s0 =	simm.s32 @!p1 $0x0  }
0x14: {  	s2 =	sld [smem:$0x3F94];
	s0 =	simm.s32 @p1 $0x1  }
0x15: {  	[smem:$0x3FB1] =	sst s0;
	s0 =	simm.s32 @!p2 $0x0  }
0x16: {  	s3 =	sld [smem:$0x3FDB];
	s0 =	simm.s32 @p2 $0x1  }
0x17: {  	s4 =	simm.s32 $0x1BF5;
	[smem:$0x3FB3] =	sst s0  }
0x18: {  	s0 =	sld [smem:$0x3F96];
	_ =	swait.ge [sflag:s4], $0x0  }
0x19: {  	s7 =	sld [smem:$0x3F97]  }
0x1a: {  	s8 =	sadd.s32 $0xFFFFE003, lr  }
0x1b: {  	s9 =	sadd.s32 $0xFFFFFEF7, lr;
	s5 =	simm.s32 $0xFFFFFFFF;
	p2 =	slt.u32 s8, $0xFFFFF086  }
0x1c: {  	p1 =	slt.u32 s9, $0xF7A;
	s5 =	simm.s32 @!p2 $0x0  }
0x1d: {  	s5 =	simm.s32 @p1 $0x1;
	p0 =	seq.s32 s7, s2  }
0x1e: {  	s7 =	smul.u32 @!p0 $0xF7A, s2;
	p2 =	seq.s32 @!p0 s5, $0x0  }
0x1f: {  	s9 =	smul.u32 $0xF7A, s1;
	s8 =	simm.s32 @!p0 $0x1BF5;
	p2 =	por !p2, p0  }
0x20: {  	[sflag:s8] =	ssyncset.s32 @!p0 $0xFFFFF086;
	s6 =	sadd.s32 @!p0 s3, s7;
	s7 =	simm.s32 @!p0 $0x108  }
0x21: {  	s3 =	sadd.s32 s3, s9;
	s6 =	sadd.s32 @!p0 $0x88, s6;
	s7 =	simm.s32 @p2 $0x1082  }
0x22: {  	[simem:s7], [sflag:s8] =	dma.local @!p0 [hbm:s6], $0xF7A  }
0x23: {  	s9 =	sor.u32 $0xD0000000, s2;
	s6 =	simm.s32 $0x108;
	_ =	swait.ge @!p0 [sflag:s8], $0x0  }
0x24: {  	s3 =	sadd.s32 $0x88, s3;
	s6 =	simm.s32 @!p1 $0x1082;
	[sflag:s4] =	ssyncset.s32 $0xFFFFF086  }
0x25: {  	[simem:s6], [sflag:s4] =	dma.local [hbm:s3], $0xF7A  }
0x26: {  	[smem:$0x3F97] =	sst s1;
	(tag) =	ssettag s2;
	_ =	strace s9  }
0x27: {  	s1 =	sld [smem:$0x3FA7]  }
0x28: {  	s2 =	sld [smem:$0x3FA8]  }
0x29: {  	s4 =	sld [smem:$0x3FAA]  }
0x2a: {  	p0 =	seq.s32 s5, $0x0;
	s5 =	sld [smem:$0x3FAB]  }
0x2b: {  	s6 =	sld [smem:$0x3FAC]  }
0x2c: {  	s7 =	sld [smem:$0x3FAD]  }
0x2d: {  	s3 =	simm.s32 $0x108;
	s8 =	sld [smem:$0x3FAE]  }
0x2e: {  	s3 =	simm.s32 @!p0 $0x1082;
	s9 =	sld [smem:$0x3FAF]  }
0x2f: {  	lr =	sadd.s32 s0, s3;
	s0 =	sld [smem:$0x3FA6]  }
0x30: {  	s3 =	sld [smem:$0x3FA9]  }
0x31: {  	[smem:$0x3FB2] =	sst s10  }
0x32: {  	s10 =	sld [smem:$0x3FB0];
	_ =	sdelay $0x3  }
0x33: {  	p0 =	seq.s32 s10, $0x1;
	s10 =	sld [smem:$0x3FB2];
	_ =	sdelay $0x3  }
0x34: {  	[smem:$0x3FB2] =	sst s10  }
0x35: {  	s10 =	sld [smem:$0x3FB1];
	_ =	sdelay $0x3  }
0x36: {  	p1 =	seq.s32 s10, $0x1;
	s10 =	sld [smem:$0x3FB2];
	_ =	sdelay $0x3  }
0x37: {  	[smem:$0x3FB2] =	sst s10  }
0x38: {  	s10 =	sld [smem:$0x3FB3]  }
0x39: {  	_ = 	snop;
	(pc) =	sbr.ind lr, $3  }
0x3a: {  	_ = 	snop  }
0x3b: {  	_ = 	snop  }
0x3c: {  	p2 =	seq.s32 s10, $0x1;
	s10 =	sld [smem:$0x3FB2]  }
0x3d: {  	_ =	shalt  }
0x3e: {  	_ =	shalt  }
0x3f: {  	_ =	shalt  }
0x40: {  	_ =	shalt  }
0x41: {  	_ =	shalt  }
0x42: {  	_ =	shalt  }
0x43: {  	_ =	shalt  }
0x44: {  	_ =	shalt  }
0x45: {  	_ =	shalt  }
0x46: {  	_ =	shalt  }
0x47: {  	_ =	shalt  }
0x48: {  	_ =	shalt  }
0x49: {  	_ =	shalt  }
0x4a: {  	_ =	shalt  }
0x4b: {  	_ =	shalt  }
0x4c: {  	_ =	shalt  }
0x4d: {  	_ =	shalt  }
0x4e: {  	_ =	shalt  }
0x4f: {  	_ =	shalt  }
0x50: {  	_ =	shalt  }
0x51: {  	_ =	shalt  }
0x52: {  	_ =	shalt  }
0x53: {  	_ =	shalt  }
0x54: {  	_ =	shalt  }
0x55: {  	_ =	shalt  }
0x56: {  	_ =	shalt  }
0x57: {  	_ =	shalt  }
0x58: {  	_ =	shalt  }
0x59: {  	_ =	shalt  }
0x5a: {  	_ =	shalt  }
0x5b: {  	_ =	shalt  }
0x5c: {  	_ =	shalt  }
0x5d: {  	_ =	shalt  }
0x5e: {  	_ =	shalt  }
0x5f: {  	_ =	shalt  }
0x60: {  	_ =	shalt  }
0x61: {  	_ =	shalt  }
0x62: {  	_ =	shalt  }
0x63: {  	_ =	shalt  }
0x64: {  	_ =	shalt  }
0x65: {  	_ =	shalt  }
0x66: {  	_ =	shalt  }
0x67: {  	_ =	shalt  }
0x68: {  	_ =	shalt  }
0x69: {  	_ =	shalt  }
0x6a: {  	_ =	shalt  }
0x6b: {  	_ =	shalt  }
0x6c: {  	_ =	shalt  }
0x6d: {  	_ =	shalt  }
0x6e: {  	_ =	shalt  }
0x6f: {  	_ =	shalt  }
0x70: {  	_ =	shalt  }
0x71: {  	_ =	shalt  }
0x72: {  	_ =	shalt  }
0x73: {  	_ =	shalt  }
0x74: {  	_ =	shalt  }
0x75: {  	_ =	shalt  }
0x76: {  	_ =	shalt  }
0x77: {  	_ =	shalt  }
0x78: {  	_ =	shalt  }
0x79: {  	_ =	shalt  }
0x7a: {  	_ =	shalt  }
0x7b: {  	_ =	shalt  }
0x7c: {  	_ =	shalt  }
0x7d: {  	_ =	shalt  }
0x7e: {  	_ =	shalt  }
0x7f: {  	_ =	shalt  }
0x80: {  	_ =	shalt  }
0x81: {  	_ =	shalt  }
0x82: {  	_ =	shalt  }
0x83: {  	_ =	shalt  }
0x84: {  	_ =	shalt  }
0x85: {  	_ =	shalt  }
0x86: {  	_ =	shalt  }
0x87: {  	_ =	shalt  }
.Lfunc_end0:
.L_simem_size_0:
called_computation_lowered:
.L_overlay_start_0:
0x88: {  	s2 =	sld [smem:$0x3FD9]  }
0x89: {  	s3 =	sld [smem:$0x3FFE];
	_ =	sdelay $0x1  }
0x8a: {  	s1 =	srdreg.scid  }
0x8b: {  	s0 =	sand.u32 $0x1, s1  }
0x8c: {  	s14 =	sshll.u32 s0, $0xA;
	s2 =	sadd.s32 s3, s2  }
0x8d: {  	s2 =	sadd.s32 s2, s14  }
0x8e: {  	[smem:$0x3FBE] =	sst s2  }
0x8f: {  	_ = 	snop  }
0x90: {  	s2 =	sld [smem:$0x3FD0];
	_ =	sdelay $0x2  }
0x91: {  	s4 =	simm.s32 $0xD;
	s5 =	simm.s32 $0x10;
	s15 =	sld [smem:$0x3FC9]  }
0x92: {  	[smem:s5], [sflag:s4] =	dma.local [hbm:s2], $0x1  }
0x93: {  	_ =	swait.eq [sflag:s4], $0x1  }
0x94: {  	[sflag:s4] =	ssyncset.done $0x0  }
0x95: {  	[sflag:s4] =	ssyncadd.s32 $0xFFFFFFFF  }
0x96: {  	s16 =	sld [smem:$0x10];
	(tm) =	ssettm $0x1  }
0x97: {  	s17 =	sld [smem:$0x3FFB];
	_ =	sdelay $0x3  }
0x98: {  	_ =	strace s17  }
0x99: {  	s4 =	sld [smem:$0x3FFC];
	_ =	sdelay $0x3  }
0x9a: {  	_ =	strace s4  }
0x9b: {  	s4 =	sld [smem:$0x3FFD];
	_ =	sdelay $0x3  }
0x9c: {  	_ =	strace s4  }
0x9d: {  	_ =	strace $0x8FFFFFFF  }
0x9e: {  	s18 =	sld [smem:$0x3FDB];
	_ =	sdelay $0x1  }
0x9f: {  	s19 =	simm.s32 $_scs_section_size  }
0xa0: {  	s6 =	simm.s32 $_size__tile_overlayer_lowered;
	s7 =	simm.s32 $_tile_overlayer_lowered  }
0xa1: {  	s22 =	simm.s32 $0x1BFF;
	s21 =	sshll.u32 s7, $0x1;
	s4 =	sadd.s32 s19, s18  }
0xa2: {  	s8 =	simm.s32 $0x0;
	s20 =	sshll.u32 s6, $0x1;
	s6 =	sadd.s32 s21, s4  }
0xa3: {  	[timem:s8], [sflag:s22] =	dma.local [hbm:s6], s20  }
0xa4: {  	_ =	swait.ge [sflag:s22], s20  }
0xa5: {  	s5 =	ssub.s32 $0x0, s20;
	[sflag:s22] =	ssyncset.done $0x0  }
0xa6: {  	[sflag:s22] =	ssyncadd.s32 s5;
	_ =	sdelay $0x1  }
0xa7: {  	s23 =	simm.s32 $0x1B8B  }
0xa8: {  	_ =	swait.ge [sflag:s23], $0x1  }
0xa9: {  	[sflag:s23] =	ssyncset.done $0x0  }
0xaa: {  	s25 =	simm.s32 $0x1B8E;
	s24 =	sld [smem:$0x3FFE];
	[sflag:s23] =	ssyncadd.s32 $0xFFFFFFFF  }
0xab: {  	s26 =	simm.s32 $execute0_lowered;
	[smem:$0x3FD2] =	sst s25  }
0xac: {  	s6 =	sshll.u32 s26, $0x1;
	_ =	strace $0x80000046;
	[dreg:$0x1] =	wrdreg $0xFFFFFFFF  }
0xad: {  	s28 =	simm.s32 $_size_execute0_lowered;
	s4 =	sadd.s32 s4, s6;
	[dreg:$0x0] =	wrdreg $0x0  }
0xae: {  	s6 =	sshll.u32 s28, $0x1;
	[dreg:$0x2] =	wrdreg s4  }
0xaf: {  	[dreg:$0x3] =	wrdreg s6  }
0xb0: {  	[dreg:$0x4] =	wrdreg $0xC0  }
0xb1: {  	_ =	task [dreg:s8], $0x5FFFF  }
0xb2: {  	[dreg:$0x1] =	wrdreg $0xFFFFFFFF  }
0xb3: {  	[dreg:$0x0] =	wrdreg $0x60  }
0xb4: {  	[dreg:$0x2] =	wrdreg s15  }
0xb5: {  	[dreg:$0x3] =	wrdreg s16  }
0xb6: {  	[dreg:$0x4] =	wrdreg s24  }
0xb7: {  	[dreg:$0x5] =	wrdreg $0x9  }
0xb8: {  	_ =	task.clear_ibuf [dreg:s8], $0x6FFFF;
	_ =	strace $0x90000046  }
0xb9: {  	s29 =	simm.s32 $0x9;
	_ =	strace $0x80000048  }
0xba: {  	_ =	swait.ge [sflag:s29], $0x1  }
0xbb: {  	[sflag:s29] =	ssyncadd.s32 $0xFFFFFFFF  }
0xbc: {  	_ =	strace $0x90000048  }
0xbd: {  	_ =	sfence  }
0xbe: {  	s30 =	sld [smem:$0x0];
	_ =	sdelay $0x2  }
0xbf: {  	s31 =	sshll.u32 s1, $0xD;
	s1 =	sshrl.u32 s1, $0x2  }
0xc0: {  	s3 =	sand.u32 $0x4000, s31;
	s1 =	sadd.s32 s1, s30  }
0xc1: {  	s0 =	sor.u32 s3, s0;
	s1 =	sshll.u32 s1, $0x11  }
0xc2: {  	s0 =	sor.u32 s1, s0  }
0xc3: {  	s0 =	sadd.s32 $0x8F2B, s0  }
0xc4: {  	[sflag:s0] =	ssyncadd.remote.s32 $0x1  }
0xc5: {  	_ =	sfence.sel $0xFFFF  }
0xc6: {  	[dreg:$0x0] =	wrdreg $0xFFFFFFFF;
	(pc) =	sbr.abs _section_cstart, $3  }
0xc7: {  	[dreg:$0x1] =	wrdreg $0xFFFFFFFF  }
0xc8: {  	_ =	task.clear_ibuf [dreg:s8], $0x2FFFF;
	_ =	strace $0x9FFFFFFF  }
0xc9: {  	(tm) =	ssettm $0x7FFFFFFF  }
tec
execute0_lowered:
.L_overlay_start_1:
0x0: {  	(tag) =	ssettag $0x1  }
0x1: {  	s1 =	srdreg.scid  }
0x2: {  	s0 =	stileid.u32;
	s1 =	sand.u32 $0x1, s1  }
0x3: {  	s2 =	rddreg [dreg:$0x0];
	s6 =	sshll.u32 s0, $0xB;
	s7 =	sshll.u32 s1, $0xA  }
0x4: {  	s4 =	rddreg [dreg:$0x1];
	s6 =	sor.u32 s7, s6  }
0x5: {  	s5 =	rddreg [dreg:$0x2];
	s3 =	simm.s32 $0x0;
	s7 =	sshrl.u32 s6, $0x3  }
0x6: {  	[smem:$0x7FF] =	sst s3;
	s6 =	sshll.u32 s6, $0x4;
	s4 =	sadd.s32 s4, s7  }
0x7: {  	_ =	strace $0x80000047;
	s31 =	sadd.s32 s6, s5;
	[dreg:$0x4] =	wrdreg s4  }
0x8: {  	s26 =	sadd.s32 $0x2C00, s31;
	s25 =	rddreg [dreg:$0x4]  }
0x9: {  	s4 =	simm.s32 $0x9;
	[dreg:$0x5] =	wrdreg s26  }
0xa: {  	[tilespmem:s3], [sflag:$0x9] =	stream.linear.gather [hbm4b:s25+s3], $0x400, $0x38;
	[tilespmem:$0x10400] =	vst v63  }
0xb: {  	_ =	swait.ge [sflag:s4], $0x400  }
0xc: {  	[sflag:s4] =	ssyncset.done $0x0  }
0xd: {  	s5 =	simm.s32 $0x80;
	s6 =	simm.s32 $0x400;
	[sflag:s4] =	ssyncadd.s32 $0xFFFFFC00  }
0xe: {  	[tilespmem:s6], [sflag:$0x1] =	stream.indirect.gather [hbm4b:s2+s5], $0x80, s3, s5, $0xb8;
	[tilespmem:$0x10400] =	vst v63  }
0xf: {  	s7 =	simm.s32 $0x4400  }
0x10: {  	[tilespmem:s7], [sflag:$0x2] =	stream.indirect.gather [hbm4b:s2+s5], $0x80, s5, s5, $0xb8;
	[tilespmem:$0x10400] =	vst v63  }
0x11: {  	s8 =	simm.s32 $0x100;
	s9 =	simm.s32 $0x8400  }
0x12: {  	[tilespmem:s9], [sflag:$0x3] =	stream.indirect.gather [hbm4b:s2+s5], $0x80, s8, s5, $0xb8;
	[tilespmem:$0x10400] =	vst v63  }
0x13: {  	s10 =	simm.s32 $0x180;
	s11 =	simm.s32 $0xC400;
	s12 =	simm.s32 $0x1  }
0x14: {  	[tilespmem:s11], [sflag:$0x4] =	stream.indirect.gather [hbm4b:s2+s5], $0x80, s10, s5, $0xb8;
	[tilespmem:$0x10400] =	vst v63  }
0x15: {  	_ =	swait.ge [sflag:s12], $0x4000  }
0x16: {  	[sflag:s12] =	ssyncset.done $0x0  }
0x17: {  	s13 =	simm.s32 $0x5;
	s14 =	rddreg [dreg:$0x5];
	[sflag:s12] =	ssyncadd.s32 $0xFFFFC000  }
0x18: {  	[hbm4b:s14+s3] =	stream.linear.scatter [tilespmem:s6], [sflag:$0x5], $0x4000, $0x38;
	[tilespmem:$0x10400] =	vst v63  }
0x19: {  	_ =	swait.ge [sflag:s13], $0x4000  }
0x1a: {  	[sflag:s13] =	ssyncset.done $0x0  }
0x1b: {  	s15 =	simm.s32 $0x2;
	s14 =	simm.s32 $0x200;
	[sflag:s13] =	ssyncadd.s32 $0xFFFFC000  }
0x1c: {  	[tilespmem:s6], [sflag:$0x1] =	stream.indirect.gather [hbm4b:s2+s5], $0x80, s14, s5, $0xb8;
	[tilespmem:$0x10400] =	vst v63  }
0x1d: {  	_ =	swait.ge [sflag:s15], $0x4000  }
0x1e: {  	[sflag:s15] =	ssyncset.done $0x0  }
0x1f: {  	s17 =	simm.s32 $0x6;
	s16 =	sadd.s32 $0x3400, s31;
	[sflag:s15] =	ssyncadd.s32 $0xFFFFC000  }
0x20: {  	[hbm4b:s16+s3] =	stream.linear.scatter [tilespmem:s7], [sflag:$0x6], $0x4000, $0x38;
	[tilespmem:$0x10400] =	vst v63  }
0x21: {  	_ =	swait.ge [sflag:s17], $0x4000  }
0x22: {  	[sflag:s17] =	ssyncset.done $0x0  }
0x23: {  	s18 =	simm.s32 $0x280;
	s19 =	simm.s32 $0x3;
	[sflag:s17] =	ssyncadd.s32 $0xFFFFC000  }
0x24: {  	[tilespmem:s7], [sflag:$0x2] =	stream.indirect.gather [hbm4b:s2+s5], $0x80, s18, s5, $0xb8;
	[tilespmem:$0x10400] =	vst v63  }
0x25: {  	_ =	swait.ge [sflag:s19], $0x4000  }
0x26: {  	[sflag:s19] =	ssyncset.done $0x0  }
0x27: {  	s21 =	simm.s32 $0x7;
	s20 =	sadd.s32 $0x3C00, s31;
	[sflag:s19] =	ssyncadd.s32 $0xFFFFC000  }
0x28: {  	[hbm4b:s20+s3] =	stream.linear.scatter [tilespmem:s9], [sflag:$0x7], $0x4000, $0x38;
	[tilespmem:$0x10400] =	vst v63  }
0x29: {  	_ =	swait.ge [sflag:s21], $0x4000  }
0x2a: {  	[sflag:s21] =	ssyncset.done $0x0  }
0x2b: {  	s22 =	simm.s32 $0x300;
	s23 =	simm.s32 $0x4;
	[sflag:s21] =	ssyncadd.s32 $0xFFFFC000  }
0x2c: {  	[tilespmem:s9], [sflag:$0x3] =	stream.indirect.gather [hbm4b:s2+s5], $0x80, s22, s5, $0xb8;
	[tilespmem:$0x10400] =	vst v63  }
0x2d: {  	_ =	swait.ge [sflag:s23], $0x4000  }
0x2e: {  	[sflag:s23] =	ssyncset.done $0x0  }
0x2f: {  	s24 =	simm.s32 $0x8;
	s25 =	sadd.s32 $0x4400, s31;
	[sflag:s23] =	ssyncadd.s32 $0xFFFFC000  }
0x30: {  	[hbm4b:s25+s3] =	stream.linear.scatter [tilespmem:s11], [sflag:$0x8], $0x4000, $0x38;
	[tilespmem:$0x10400] =	vst v63  }
0x31: {  	_ =	swait.ge [sflag:s24], $0x4000  }
0x32: {  	[sflag:s24] =	ssyncset.done $0x0  }
0x33: {  	s26 =	simm.s32 $0x380;
	[sflag:s24] =	ssyncadd.s32 $0xFFFFC000  }
0x34: {  	[tilespmem:s11], [sflag:$0x4] =	stream.indirect.gather [hbm4b:s2+s5], $0x80, s26, s5, $0xb8;
	[tilespmem:$0x10400] =	vst v63  }
0x35: {  	_ =	swait.ge [sflag:s12], $0x4000  }
0x36: {  	[sflag:s12] =	ssyncset.done $0x0  }
0x37: {  	s28 =	sadd.s32 $0x4C00, s31;
	[sflag:s12] =	ssyncadd.s32 $0xFFFFC000  }
0x38: {  	[hbm4b:s28+s3] =	stream.linear.scatter [tilespmem:s6], [sflag:$0x5], $0x4000, $0x38;
	[tilespmem:$0x10400] =	vst v63  }
0x39: {  	_ =	swait.ge [sflag:s15], $0x4000  }
0x3a: {  	[sflag:s15] =	ssyncset.done $0x0  }
0x3b: {  	s29 =	sadd.s32 $0x5400, s31;
	[sflag:s15] =	ssyncadd.s32 $0xFFFFC000  }
0x3c: {  	[hbm4b:s29+s3] =	stream.linear.scatter [tilespmem:s7], [sflag:$0x6], $0x4000, $0x38;
	[tilespmem:$0x10400] =	vst v63  }
0x3d: {  	_ =	swait.ge [sflag:s19], $0x4000  }
0x3e: {  	[sflag:s19] =	ssyncset.done $0x0  }
0x3f: {  	s30 =	sadd.s32 $0x5C00, s31;
	[sflag:s19] =	ssyncadd.s32 $0xFFFFC000  }
0x40: {  	[hbm4b:s30+s3] =	stream.linear.scatter [tilespmem:s9], [sflag:$0x7], $0x4000, $0x38;
	[tilespmem:$0x10400] =	vst v63  }
0x41: {  	_ =	swait.ge [sflag:s23], $0x4000  }
0x42: {  	[sflag:s23] =	ssyncset.done $0x0  }
0x43: {  	s31 =	sadd.s32 $0x6400, s31;
	[sflag:s23] =	ssyncadd.s32 $0xFFFFC000  }
0x44: {  	[hbm4b:s31+s3] =	stream.linear.scatter [tilespmem:s11], [sflag:$0x8], $0x4000, $0x38;
	[tilespmem:$0x10400] =	vst v63  }
0x45: {  	s1 =	ssub.s32 $0x2, s1;
	_ =	swait.ge [sflag:s13], $0x4000  }
0x46: {  	s0 =	sshrl.u32 s1, $0x1;
	[sflag:s13] =	ssyncset.done $0x0  }
0x47: {  	s0 =	ssub.s32 s1, s0;
	[sflag:s13] =	ssyncadd.s32 $0xFFFFC000  }
0x48: {  	s0 =	smax.u32 s0, $0x1;
	_ =	swait.ge [sflag:s17], $0x4000  }
0x49: {  	p0 =	sne.s32 s0, $0x1;
	[sflag:s17] =	ssyncset.done $0x0  }
.Ltmp0:
0x4a: {  	[sflag:s17] =	ssyncadd.s32 $0xFFFFC000;
	(pc) =	sbr.rel @!p0 .LBB2_2-.Ltmp0, $4  }
0x4b: {  	_ =	swait.ge [sflag:s21], $0x4000  }
0x4c: {  	[sflag:s21] =	ssyncset.done $0x0  }
0x4d: {  	[sflag:s21] =	ssyncadd.s32 $0xFFFFC000  }
0x4e: {  	s1 =	sadd.s32 $0xFFFFFFFF, s0;
	_ =	swait.ge [sflag:s24], $0x4000  }
.LBB2_1:
0x4f: {  	[sflag:s24] =	ssyncset.done $0x0  }
0x50: {  	s0 =	rddreg [dreg:$0x4];
	[sflag:s24] =	ssyncadd.s32 $0xFFFFC000  }
0x51: {  	[tilespmem:s3], [sflag:$0x9] =	stream.linear.gather [hbm4b:s0+s3], $0x400, $0x38;
	[tilespmem:$0x10400] =	vst v63  }
0x52: {  	_ =	swait.ge [sflag:s4], $0x400  }
0x53: {  	[sflag:s4] =	ssyncset.done $0x0  }
0x54: {  	[sflag:s4] =	ssyncadd.s32 $0xFFFFFC00  }
0x55: {  	[tilespmem:s6], [sflag:$0x1] =	stream.indirect.gather [hbm4b:s2+s5], $0x80, s3, s5, $0xb8;
	[tilespmem:$0x10400] =	vst v63  }
0x56: {  	_ = 	snop  }
0x57: {  	[tilespmem:s7], [sflag:$0x2] =	stream.indirect.gather [hbm4b:s2+s5], $0x80, s5, s5, $0xb8;
	[tilespmem:$0x10400] =	vst v63  }
0x58: {  	_ = 	snop  }
0x59: {  	[tilespmem:s9], [sflag:$0x3] =	stream.indirect.gather [hbm4b:s2+s5], $0x80, s8, s5, $0xb8;
	[tilespmem:$0x10400] =	vst v63  }
0x5a: {  	_ = 	snop  }
0x5b: {  	[tilespmem:s11], [sflag:$0x4] =	stream.indirect.gather [hbm4b:s2+s5], $0x80, s10, s5, $0xb8;
	[tilespmem:$0x10400] =	vst v63  }
0x5c: {  	_ =	swait.ge [sflag:s12], $0x4000  }
0x5d: {  	[sflag:s12] =	ssyncset.done $0x0  }
0x5e: {  	s0 =	rddreg [dreg:$0x5];
	[sflag:s12] =	ssyncadd.s32 $0xFFFFC000  }
0x5f: {  	[hbm4b:s0+s3] =	stream.linear.scatter [tilespmem:s6], [sflag:$0x5], $0x4000, $0x38;
	[tilespmem:$0x10400] =	vst v63  }
0x60: {  	_ =	swait.ge [sflag:s13], $0x4000  }
0x61: {  	[sflag:s13] =	ssyncset.done $0x0  }
0x62: {  	[sflag:s13] =	ssyncadd.s32 $0xFFFFC000  }
0x63: {  	[tilespmem:s6], [sflag:$0x1] =	stream.indirect.gather [hbm4b:s2+s5], $0x80, s14, s5, $0xb8;
	[tilespmem:$0x10400] =	vst v63  }
0x64: {  	_ =	swait.ge [sflag:s15], $0x4000  }
0x65: {  	[sflag:s15] =	ssyncset.done $0x0  }
0x66: {  	[sflag:s15] =	ssyncadd.s32 $0xFFFFC000  }
0x67: {  	[hbm4b:s16+s3] =	stream.linear.scatter [tilespmem:s7], [sflag:$0x6], $0x4000, $0x38;
	[tilespmem:$0x10400] =	vst v63  }
0x68: {  	_ =	swait.ge [sflag:s17], $0x4000  }
0x69: {  	[sflag:s17] =	ssyncset.done $0x0  }
0x6a: {  	[sflag:s17] =	ssyncadd.s32 $0xFFFFC000  }
0x6b: {  	[tilespmem:s7], [sflag:$0x2] =	stream.indirect.gather [hbm4b:s2+s5], $0x80, s18, s5, $0xb8;
	[tilespmem:$0x10400] =	vst v63  }
0x6c: {  	_ =	swait.ge [sflag:s19], $0x4000  }
0x6d: {  	[sflag:s19] =	ssyncset.done $0x0  }
0x6e: {  	[sflag:s19] =	ssyncadd.s32 $0xFFFFC000  }
0x6f: {  	[hbm4b:s20+s3] =	stream.linear.scatter [tilespmem:s9], [sflag:$0x7], $0x4000, $0x38;
	[tilespmem:$0x10400] =	vst v63  }
0x70: {  	_ =	swait.ge [sflag:s21], $0x4000  }
0x71: {  	[sflag:s21] =	ssyncset.done $0x0  }
0x72: {  	[sflag:s21] =	ssyncadd.s32 $0xFFFFC000  }
0x73: {  	[tilespmem:s9], [sflag:$0x3] =	stream.indirect.gather [hbm4b:s2+s5], $0x80, s22, s5, $0xb8;
	[tilespmem:$0x10400] =	vst v63  }
0x74: {  	_ =	swait.ge [sflag:s23], $0x4000  }
0x75: {  	[sflag:s23] =	ssyncset.done $0x0  }
0x76: {  	[sflag:s23] =	ssyncadd.s32 $0xFFFFC000  }
0x77: {  	[hbm4b:s25+s3] =	stream.linear.scatter [tilespmem:s11], [sflag:$0x8], $0x4000, $0x38;
	[tilespmem:$0x10400] =	vst v63  }
0x78: {  	_ =	swait.ge [sflag:s24], $0x4000  }
0x79: {  	[sflag:s24] =	ssyncset.done $0x0  }
0x7a: {  	[sflag:s24] =	ssyncadd.s32 $0xFFFFC000  }
0x7b: {  	[tilespmem:s11], [sflag:$0x4] =	stream.indirect.gather [hbm4b:s2+s5], $0x80, s26, s5, $0xb8;
	[tilespmem:$0x10400] =	vst v63  }
0x7c: {  	_ =	swait.ge [sflag:s12], $0x4000  }
0x7d: {  	[sflag:s12] =	ssyncset.done $0x0  }
0x7e: {  	[sflag:s12] =	ssyncadd.s32 $0xFFFFC000  }
0x7f: {  	[hbm4b:s28+s3] =	stream.linear.scatter [tilespmem:s6], [sflag:$0x5], $0x4000, $0x38;
	[tilespmem:$0x10400] =	vst v63  }
0x80: {  	_ =	swait.ge [sflag:s15], $0x4000  }
0x81: {  	[sflag:s15] =	ssyncset.done $0x0  }
0x82: {  	[sflag:s15] =	ssyncadd.s32 $0xFFFFC000  }
0x83: {  	[hbm4b:s29+s3] =	stream.linear.scatter [tilespmem:s7], [sflag:$0x6], $0x4000, $0x38;
	[tilespmem:$0x10400] =	vst v63  }
0x84: {  	_ =	swait.ge [sflag:s19], $0x4000  }
0x85: {  	[sflag:s19] =	ssyncset.done $0x0  }
0x86: {  	[sflag:s19] =	ssyncadd.s32 $0xFFFFC000  }
0x87: {  	[hbm4b:s30+s3] =	stream.linear.scatter [tilespmem:s9], [sflag:$0x7], $0x4000, $0x38;
	[tilespmem:$0x10400] =	vst v63  }
0x88: {  	_ =	swait.ge [sflag:s23], $0x4000  }
0x89: {  	[sflag:s23] =	ssyncset.done $0x0  }
0x8a: {  	[sflag:s23] =	ssyncadd.s32 $0xFFFFC000  }
0x8b: {  	[hbm4b:s31+s3] =	stream.linear.scatter [tilespmem:s11], [sflag:$0x8], $0x4000, $0x38;
	[tilespmem:$0x10400] =	vst v63  }
0x8c: {  	_ =	swait.ge [sflag:s13], $0x4000  }
0x8d: {  	[sflag:s13] =	ssyncset.done $0x0  }
0x8e: {  	[sflag:s13] =	ssyncadd.s32 $0xFFFFC000  }
0x8f: {  	_ =	swait.ge [sflag:s17], $0x4000  }
0x90: {  	p0 =	sne.s32 s1, $0x1;
	[sflag:s17] =	ssyncset.done $0x0  }
.Ltmp1:
0x91: {  	[sflag:s17] =	ssyncadd.s32 $0xFFFFC000;
	(pc) =	sbr.rel @p0 .LBB2_1-.Ltmp1, $4  }
0x92: {  	_ =	swait.ge [sflag:s21], $0x4000  }
0x93: {  	[sflag:s21] =	ssyncset.done $0x0  }
0x94: {  	[sflag:s21] =	ssyncadd.s32 $0xFFFFC000  }
0x95: {  	s1 =	sadd.s32 $0xFFFFFFFF, s1;
	_ =	swait.ge [sflag:s24], $0x4000  }
.LBB2_2:
0x96: {  	[sflag:s24] =	ssyncset.done $0x0  }
0x97: {  	[sflag:s24] =	ssyncadd.s32 $0xFFFFC000  }
0x98: {  	_ =	sfence.sel $0x180000  }
0x99: {  	[bflag:$0x0] =	sbarrier.arrive $0xFFFF  }
0x9a: {  	_ =	strace $0x90000047  }
0x9b: {  	s0 =	stileid.u32;
	[bflag:$0x2] =	sbarrier.arrive $0xFFFF  }
0x9c: {  	p0 =	sne.s32 s0, $0x0;
	s0 =	rddreg [dreg:$0x3]  }
0x9d: {  	s0 =	sadd.s32 @!p0 $0x100000, s0  }
0x9e: {  	[sflag:s0] =	ssyncadd.tile.s32 @!p0 $0x1;
	_ =	shalt  }
.Lfunc_end2:
_tile_overlayer_lowered:
.L_overlay_start_2:
0x9f: {  	(tag) =	ssettag $0x2  }
0xa0: {  	s0 =	rddreg [dreg:$0x0];
	s2 =	stileid.u32  }
0xa1: {  	s1 =	rddreg [dreg:$0x1];
	p0 =	sne.s32 s2, $0x0  }
0xa2: {  	s3 =	rddreg [dreg:$0x2];
	[bflag:$0x3] =	sbarrier.arrive $0xFFFF;
	s2 =	simm.s32 @!p0 $0x1C09  }
0xa3: {  	[timem:s3], [sflag:s2] =	dma.local @!p0 [hbm:s0], s1  }
0xa4: {  	s0 =	simm.s32 @!p0 $0x9  }
0xa5: {  	_ =	swait.ge @!p0 [sflag:s0], s1  }
0xa6: {  	s1 =	ssub.s32 @!p0 $0x0, s1;
	[sflag:s0] =	ssyncset.done @!p0 $0x0  }
0xa7: {  	[sflag:s0] =	ssyncadd.s32 @!p0 s1  }
0xa8: {  	[bflag:$0x3] =	sbarrier.arrive $0xFFFF  }
0xa9: {  	_ =	shalt  }

// kernel: kernel.13.cloned.1.call-start
scs
__scs_entry_jumppad:
0x0: {  	(pc) =	sbr.rel $0x88, $3  }
0x1: {  	(tag) =	ssettag $0x0;
	lr =	simm.s32 $0x1  }
0x2: {  	[smem:$0x3F97] =	sst lr;
	_ =	strace $0xD0000000  }
0x3: {  	_ = 	snop  }
0x4: {  	_ = 	snop  }
0x5: {  	_ = 	snop  }
0x6: {  	_ = 	snop  }
0x7: {  	_ = 	snop  }
__scs_overlays_trampoline_lowered:
0x8: {  	[smem:$0x3FA6] =	sst s0  }
0x9: {  	[smem:$0x3FA7] =	sst s1  }
0xa: {  	[smem:$0x3FA8] =	sst s2  }
0xb: {  	[smem:$0x3FA9] =	sst s3  }
0xc: {  	[smem:$0x3FAA] =	sst s4  }
0xd: {  	[smem:$0x3FAB] =	sst s5  }
0xe: {  	[smem:$0x3FAC] =	sst s6  }
0xf: {  	[smem:$0x3FAD] =	sst s7  }
0x10: {  	[smem:$0x3FAE] =	sst s8  }
0x11: {  	[smem:$0x3FAF] =	sst s9;
	s0 =	simm.s32 @!p0 $0x0  }
0x12: {  	s1 =	sld [smem:$0x3F95];
	s0 =	simm.s32 @p0 $0x1  }
0x13: {  	[smem:$0x3FB0] =	sst s0;
	s0 =	simm.s32 @!p1 $0x0  }
0x14: {  	s2 =	sld [smem:$0x3F94];
	s0 =	simm.s32 @p1 $0x1  }
0x15: {  	[smem:$0x3FB1] =	sst s0;
	s0 =	simm.s32 @!p2 $0x0  }
0x16: {  	s3 =	sld [smem:$0x3FDB];
	s0 =	simm.s32 @p2 $0x1  }
0x17: {  	s4 =	simm.s32 $0x1BF5;
	[smem:$0x3FB3] =	sst s0  }
0x18: {  	s0 =	sld [smem:$0x3F96];
	_ =	swait.ge [sflag:s4], $0x0  }
0x19: {  	s7 =	sld [smem:$0x3F97]  }
0x1a: {  	s8 =	sadd.s32 $0xFFFFE003, lr  }
0x1b: {  	s9 =	sadd.s32 $0xFFFFFEF7, lr;
	s5 =	simm.s32 $0xFFFFFFFF;
	p2 =	slt.u32 s8, $0xFFFFF086  }
0x1c: {  	p1 =	slt.u32 s9, $0xF7A;
	s5 =	simm.s32 @!p2 $0x0  }
0x1d: {  	s5 =	simm.s32 @p1 $0x1;
	p0 =	seq.s32 s7, s2  }
0x1e: {  	s7 =	smul.u32 @!p0 $0xF7A, s2;
	p2 =	seq.s32 @!p0 s5, $0x0  }
0x1f: {  	s9 =	smul.u32 $0xF7A, s1;
	s8 =	simm.s32 @!p0 $0x1BF5;
	p2 =	por !p2, p0  }
0x20: {  	[sflag:s8] =	ssyncset.s32 @!p0 $0xFFFFF086;
	s6 =	sadd.s32 @!p0 s3, s7;
	s7 =	simm.s32 @!p0 $0x108  }
0x21: {  	s3 =	sadd.s32 s3, s9;
	s6 =	sadd.s32 @!p0 $0x88, s6;
	s7 =	simm.s32 @p2 $0x1082  }
0x22: {  	[simem:s7], [sflag:s8] =	dma.local @!p0 [hbm:s6], $0xF7A  }
0x23: {  	s9 =	sor.u32 $0xD0000000, s2;
	s6 =	simm.s32 $0x108;
	_ =	swait.ge @!p0 [sflag:s8], $0x0  }
0x24: {  	s3 =	sadd.s32 $0x88, s3;
	s6 =	simm.s32 @!p1 $0x1082;
	[sflag:s4] =	ssyncset.s32 $0xFFFFF086  }
0x25: {  	[simem:s6], [sflag:s4] =	dma.local [hbm:s3], $0xF7A  }
0x26: {  	[smem:$0x3F97] =	sst s1;
	(tag) =	ssettag s2;
	_ =	strace s9  }
0x27: {  	s1 =	sld [smem:$0x3FA7]  }
0x28: {  	s2 =	sld [smem:$0x3FA8]  }
0x29: {  	s4 =	sld [smem:$0x3FAA]  }
0x2a: {  	p0 =	seq.s32 s5, $0x0;
	s5 =	sld [smem:$0x3FAB]  }
0x2b: {  	s6 =	sld [smem:$0x3FAC]  }
0x2c: {  	s7 =	sld [smem:$0x3FAD]  }
0x2d: {  	s3 =	simm.s32 $0x108;
	s8 =	sld [smem:$0x3FAE]  }
0x2e: {  	s3 =	simm.s32 @!p0 $0x1082;
	s9 =	sld [smem:$0x3FAF]  }
0x2f: {  	lr =	sadd.s32 s0, s3;
	s0 =	sld [smem:$0x3FA6]  }
0x30: {  	s3 =	sld [smem:$0x3FA9]  }
0x31: {  	[smem:$0x3FB2] =	sst s10  }
0x32: {  	s10 =	sld [smem:$0x3FB0];
	_ =	sdelay $0x3  }
0x33: {  	p0 =	seq.s32 s10, $0x1;
	s10 =	sld [smem:$0x3FB2];
	_ =	sdelay $0x3  }
0x34: {  	[smem:$0x3FB2] =	sst s10  }
0x35: {  	s10 =	sld [smem:$0x3FB1];
	_ =	sdelay $0x3  }
0x36: {  	p1 =	seq.s32 s10, $0x1;
	s10 =	sld [smem:$0x3FB2];
	_ =	sdelay $0x3  }
0x37: {  	[smem:$0x3FB2] =	sst s10  }
0x38: {  	s10 =	sld [smem:$0x3FB3]  }
0x39: {  	_ = 	snop;
	(pc) =	sbr.ind lr, $3  }
0x3a: {  	_ = 	snop  }
0x3b: {  	_ = 	snop  }
0x3c: {  	p2 =	seq.s32 s10, $0x1;
	s10 =	sld [smem:$0x3FB2]  }
0x3d: {  	_ =	shalt  }
0x3e: {  	_ =	shalt  }
0x3f: {  	_ =	shalt  }
0x40: {  	_ =	shalt  }
0x41: {  	_ =	shalt  }
0x42: {  	_ =	shalt  }
0x43: {  	_ =	shalt  }
0x44: {  	_ =	shalt  }
0x45: {  	_ =	shalt  }
0x46: {  	_ =	shalt  }
0x47: {  	_ =	shalt  }
0x48: {  	_ =	shalt  }
0x49: {  	_ =	shalt  }
0x4a: {  	_ =	shalt  }
0x4b: {  	_ =	shalt  }
0x4c: {  	_ =	shalt  }
0x4d: {  	_ =	shalt  }
0x4e: {  	_ =	shalt  }
0x4f: {  	_ =	shalt  }
0x50: {  	_ =	shalt  }
0x51: {  	_ =	shalt  }
0x52: {  	_ =	shalt  }
0x53: {  	_ =	shalt  }
0x54: {  	_ =	shalt  }
0x55: {  	_ =	shalt  }
0x56: {  	_ =	shalt  }
0x57: {  	_ =	shalt  }
0x58: {  	_ =	shalt  }
0x59: {  	_ =	shalt  }
0x5a: {  	_ =	shalt  }
0x5b: {  	_ =	shalt  }
0x5c: {  	_ =	shalt  }
0x5d: {  	_ =	shalt  }
0x5e: {  	_ =	shalt  }
0x5f: {  	_ =	shalt  }
0x60: {  	_ =	shalt  }
0x61: {  	_ =	shalt  }
0x62: {  	_ =	shalt  }
0x63: {  	_ =	shalt  }
0x64: {  	_ =	shalt  }
0x65: {  	_ =	shalt  }
0x66: {  	_ =	shalt  }
0x67: {  	_ =	shalt  }
0x68: {  	_ =	shalt  }
0x69: {  	_ =	shalt  }
0x6a: {  	_ =	shalt  }
0x6b: {  	_ =	shalt  }
0x6c: {  	_ =	shalt  }
0x6d: {  	_ =	shalt  }
0x6e: {  	_ =	shalt  }
0x6f: {  	_ =	shalt  }
0x70: {  	_ =	shalt  }
0x71: {  	_ =	shalt  }
0x72: {  	_ =	shalt  }
0x73: {  	_ =	shalt  }
0x74: {  	_ =	shalt  }
0x75: {  	_ =	shalt  }
0x76: {  	_ =	shalt  }
0x77: {  	_ =	shalt  }
0x78: {  	_ =	shalt  }
0x79: {  	_ =	shalt  }
0x7a: {  	_ =	shalt  }
0x7b: {  	_ =	shalt  }
0x7c: {  	_ =	shalt  }
0x7d: {  	_ =	shalt  }
0x7e: {  	_ =	shalt  }
0x7f: {  	_ =	shalt  }
0x80: {  	_ =	shalt  }
0x81: {  	_ =	shalt  }
0x82: {  	_ =	shalt  }
0x83: {  	_ =	shalt  }
0x84: {  	_ =	shalt  }
0x85: {  	_ =	shalt  }
0x86: {  	_ =	shalt  }
0x87: {  	_ =	shalt  }
.Lfunc_end0:
.L_simem_size_0:
called_computation.1_lowered:
.L_overlay_start_0:
0x88: {  	s2 =	sld [smem:$0x3FD9]  }
0x89: {  	s3 =	sld [smem:$0x3FFE];
	_ =	sdelay $0x1  }
0x8a: {  	s1 =	srdreg.scid  }
0x8b: {  	s0 =	sand.u32 $0x1, s1  }
0x8c: {  	s15 =	sshll.u32 s0, $0xA;
	s2 =	sadd.s32 s3, s2  }
0x8d: {  	s2 =	sadd.s32 s2, s15  }
0x8e: {  	[smem:$0x3FBE] =	sst s2  }
0x8f: {  	_ = 	snop  }
0x90: {  	s16 =	sld [smem:$0x3FD0];
	_ =	sdelay $0x2  }
0x91: {  	s4 =	simm.s32 $0xD;
	s5 =	simm.s32 $0x10;
	s2 =	sld [smem:$0x3FC9]  }
0x92: {  	[smem:s5], [sflag:s4] =	dma.local [hbm:s16], $0x1  }
0x93: {  	_ =	swait.eq [sflag:s4], $0x1  }
0x94: {  	[sflag:s4] =	ssyncset.done $0x0  }
0x95: {  	[sflag:s4] =	ssyncadd.s32 $0xFFFFFFFF  }
0x96: {  	s17 =	sld [smem:$0x10];
	(tm) =	ssettm $0x1  }
0x97: {  	s18 =	sld [smem:$0x3FFB];
	_ =	sdelay $0x3  }
0x98: {  	_ =	strace s18  }
0x99: {  	s3 =	sld [smem:$0x3FFC];
	_ =	sdelay $0x3  }
0x9a: {  	_ =	strace s3  }
0x9b: {  	s3 =	sld [smem:$0x3FFD];
	_ =	sdelay $0x3  }
0x9c: {  	_ =	strace s3  }
0x9d: {  	_ =	strace $0x8FFFFFFF  }
0x9e: {  	s19 =	sld [smem:$0x3FDB];
	_ =	sdelay $0x1  }
0x9f: {  	s20 =	simm.s32 $_scs_section_size  }
0xa0: {  	s6 =	simm.s32 $_size__tile_overlayer_lowered;
	s7 =	simm.s32 $_tile_overlayer_lowered  }
0xa1: {  	s8 =	simm.s32 $0x1BFF;
	s21 =	sshll.u32 s7, $0x1;
	s5 =	sadd.s32 s20, s19  }
0xa2: {  	s22 =	simm.s32 $0x0;
	s6 =	sshll.u32 s6, $0x1;
	s7 =	sadd.s32 s21, s5  }
0xa3: {  	[timem:s22], [sflag:s8] =	dma.local [hbm:s7], s6  }
0xa4: {  	_ =	swait.ge [sflag:s8], s6  }
0xa5: {  	s6 =	ssub.s32 $0x0, s6;
	[sflag:s8] =	ssyncset.done $0x0  }
0xa6: {  	[sflag:s8] =	ssyncadd.s32 s6;
	_ =	sdelay $0x1  }
0xa7: {  	s23 =	simm.s32 $0x1B8B  }
0xa8: {  	_ =	swait.ge [sflag:s23], $0x1  }
0xa9: {  	[sflag:s23] =	ssyncset.done $0x0  }
0xaa: {  	[sflag:s23] =	ssyncadd.s32 $0xFFFFFFFF  }
0xab: {  	s6 =	sld [smem:$0x0]  }
0xac: {  	s7 =	sand.u32 $0xFFFFFFFE, s1  }
0xad: {  	p0 =	sne.s32 s1, s7  }
0xae: {  	s7 =	sshll.u32 @p0 s7, $0xE  }
0xaf: {  	s7 =	sadd.s32 @p0 $0x11B8D, s7;
	s8 =	sshll.u32 @p0 s6, $0x11  }
0xb0: {  	s7 =	sor.u32 @p0 s8, s7  }
0xb1: {  	[sflag:s7] =	ssyncadd.remote.s32 @p0 $0x1;
	_ =	sdelay $0x1  }
0xb2: {  	s7 =	simm.s32 @p0 $0x1B8D  }
0xb3: {  	_ =	swait.eq @p0 [sflag:s7], $0x1  }
0xb4: {  	[sflag:s7] =	ssyncadd.s32 @p0 $0xFFFFFFFF  }
0xb5: {  	s8 =	sshll.u32 @!p0 s1, $0xE  }
0xb6: {  	s8 =	sor.u32 @!p0 $0x4000, s8;
	s7 =	simm.s32 @!p0 $0x1B8D  }
0xb7: {  	s6 =	sshll.u32 @!p0 s6, $0x11;
	s8 =	sadd.s32 @!p0 $0x11B8D, s8;
	_ =	swait.eq @!p0 [sflag:s7], $0x1  }
0xb8: {  	s6 =	sor.u32 @!p0 s6, s8;
	[sflag:s7] =	ssyncadd.s32 @!p0 $0xFFFFFFFF  }
0xb9: {  	s25 =	simm.s32 $0x1B8E;
	s24 =	sld [smem:$0x3FFE];
	[sflag:s6] =	ssyncadd.remote.s32 @!p0 $0x1  }
0xba: {  	s26 =	simm.s32 $execute0_lowered;
	[smem:$0x3FD2] =	sst s25  }
0xbb: {  	s7 =	sshll.u32 s26, $0x1;
	_ =	strace $0x8000004C;
	[dreg:$0x1] =	wrdreg $0xFFFFFFFF  }
0xbc: {  	s28 =	simm.s32 $_size_execute0_lowered;
	s5 =	sadd.s32 s5, s7;
	[dreg:$0x0] =	wrdreg $0x0  }
0xbd: {  	s7 =	sshll.u32 s28, $0x1;
	[dreg:$0x2] =	wrdreg s5  }
0xbe: {  	[dreg:$0x3] =	wrdreg s7  }
0xbf: {  	[dreg:$0x4] =	wrdreg $0xC0  }
0xc0: {  	_ =	task [dreg:s22], $0x5FFFF  }
0xc1: {  	[dreg:$0x1] =	wrdreg $0xFFFFFFFF  }
0xc2: {  	[dreg:$0x0] =	wrdreg $0x60  }
0xc3: {  	[dreg:$0x2] =	wrdreg s2  }
0xc4: {  	[dreg:$0x3] =	wrdreg s17  }
0xc5: {  	[dreg:$0x4] =	wrdreg s24  }
0xc6: {  	[dreg:$0x5] =	wrdreg $0xA  }
0xc7: {  	_ =	task.clear_ibuf [dreg:s22], $0x6FFFF;
	_ =	strace $0x9000004C  }
0xc8: {  	s29 =	simm.s32 $0xA;
	_ =	strace $0x8000004E  }
0xc9: {  	_ =	swait.ge [sflag:s29], $0x1  }
0xca: {  	[sflag:s29] =	ssyncadd.s32 $0xFFFFFFFF  }
0xcb: {  	_ =	strace $0x9000004E  }
0xcc: {  	_ =	sfence  }
0xcd: {  	s30 =	sld [smem:$0x0];
	_ =	sdelay $0x2  }
0xce: {  	s31 =	sshll.u32 s1, $0xD;
	s1 =	sshrl.u32 s1, $0x2  }
0xcf: {  	s4 =	sand.u32 $0x4000, s31;
	s1 =	sadd.s32 s1, s30  }
0xd0: {  	s0 =	sor.u32 s4, s0;
	s1 =	sshll.u32 s1, $0x11  }
0xd1: {  	s0 =	sor.u32 s1, s0  }
0xd2: {  	s0 =	sadd.s32 $0x8F2B, s0  }
0xd3: {  	[sflag:s0] =	ssyncadd.remote.s32 $0x1  }
0xd4: {  	_ =	sfence.sel $0xFFFF  }
0xd5: {  	[dreg:$0x0] =	wrdreg $0xFFFFFFFF;
	(pc) =	sbr.abs _section_cstart, $3  }
0xd6: {  	[dreg:$0x1] =	wrdreg $0xFFFFFFFF  }
0xd7: {  	_ =	task.clear_ibuf [dreg:s22], $0x2FFFF;
	_ =	strace $0x9FFFFFFF  }
0xd8: {  	(tm) =	ssettm $0x7FFFFFFF  }
0xd9: {  	_ =	shalt  }
tec
execute0_lowered:
.L_overlay_start_1:
0x0: {  	(tag) =	ssettag $0x1  }
0x1: {  	s1 =	srdreg.scid  }
0x2: {  	s0 =	stileid.u32;
	s1 =	sand.u32 $0x1, s1  }
0x3: {  	s2 =	rddreg [dreg:$0x0];
	s3 =	sshll.u32 s0, $0xB;
	s5 =	sshll.u32 s1, $0xA  }
0x4: {  	s4 =	rddreg [dreg:$0x1];
	s5 =	sor.u32 s5, s3  }
0x5: {  	s6 =	rddreg [dreg:$0x2];
	s7 =	sshrl.u32 s5, $0x3  }
0x6: {  	s3 =	simm.s32 $0x0;
	s5 =	sshll.u32 s5, $0x4;
	s4 =	sadd.s32 s7, s4  }
0x7: {  	[smem:$0x7FF] =	sst s3;
	s31 =	sadd.s32 s5, s6;
	s4 =	sadd.s32 $0x1000, s4  }
0x8: {  	_ =	strace $0x8000004D;
	s26 =	sadd.s32 $0x102C00, s31;
	[dreg:$0x4] =	wrdreg s4  }
0x9: {  	[dreg:$0x5] =	wrdreg s26  }
0xa: {  	s4 =	simm.s32 $0x9;
	s25 =	rddreg [dreg:$0x4]  }
0xb: {  	[tilespmem:s3], [sflag:$0x9] =	stream.linear.gather [hbm4b:s25+s3], $0x400, $0x38;
	[tilespmem:$0x10400] =	vst v63  }
0xc: {  	_ =	swait.ge [sflag:s4], $0x400  }
0xd: {  	[sflag:s4] =	ssyncset.done $0x0  }
0xe: {  	s5 =	simm.s32 $0x80;
	s6 =	simm.s32 $0x400;
	[sflag:s4] =	ssyncadd.s32 $0xFFFFFC00  }
0xf: {  	[tilespmem:s6], [sflag:$0x1] =	stream.indirect.gather [hbm4b:s2+s5], $0x80, s3, s5, $0xb8;
	[tilespmem:$0x10400] =	vst v63  }
0x10: {  	s7 =	simm.s32 $0x4400  }
0x11: {  	[tilespmem:s7], [sflag:$0x2] =	stream.indirect.gather [hbm4b:s2+s5], $0x80, s5, s5, $0xb8;
	[tilespmem:$0x10400] =	vst v63  }
0x12: {  	s8 =	simm.s32 $0x100;
	s9 =	simm.s32 $0x8400  }
0x13: {  	[tilespmem:s9], [sflag:$0x3] =	stream.indirect.gather [hbm4b:s2+s5], $0x80, s8, s5, $0xb8;
	[tilespmem:$0x10400] =	vst v63  }
0x14: {  	s10 =	simm.s32 $0x180;
	s11 =	simm.s32 $0xC400;
	s12 =	simm.s32 $0x1  }
0x15: {  	[tilespmem:s11], [sflag:$0x4] =	stream.indirect.gather [hbm4b:s2+s5], $0x80, s10, s5, $0xb8;
	[tilespmem:$0x10400] =	vst v63  }
0x16: {  	_ =	swait.ge [sflag:s12], $0x4000  }
0x17: {  	[sflag:s12] =	ssyncset.done $0x0  }
0x18: {  	s13 =	simm.s32 $0x5;
	s14 =	rddreg [dreg:$0x5];
	[sflag:s12] =	ssyncadd.s32 $0xFFFFC000  }
0x19: {  	[hbm4b:s14+s3] =	stream.linear.scatter [tilespmem:s6], [sflag:$0x5], $0x4000, $0x38;
	[tilespmem:$0x10400] =	vst v63  }
0x1a: {  	_ =	swait.ge [sflag:s13], $0x4000  }
0x1b: {  	[sflag:s13] =	ssyncset.done $0x0  }
0x1c: {  	s15 =	simm.s32 $0x2;
	s14 =	simm.s32 $0x200;
	[sflag:s13] =	ssyncadd.s32 $0xFFFFC000  }
0x1d: {  	[tilespmem:s6], [sflag:$0x1] =	stream.indirect.gather [hbm4b:s2+s5], $0x80, s14, s5, $0xb8;
	[tilespmem:$0x10400] =	vst v63  }
0x1e: {  	_ =	swait.ge [sflag:s15], $0x4000  }
0x1f: {  	[sflag:s15] =	ssyncset.done $0x0  }
0x20: {  	s17 =	simm.s32 $0x6;
	s16 =	sadd.s32 $0x103400, s31;
	[sflag:s15] =	ssyncadd.s32 $0xFFFFC000  }
0x21: {  	[hbm4b:s16+s3] =	stream.linear.scatter [tilespmem:s7], [sflag:$0x6], $0x4000, $0x38;
	[tilespmem:$0x10400] =	vst v63  }
0x22: {  	_ =	swait.ge [sflag:s17], $0x4000  }
0x23: {  	[sflag:s17] =	ssyncset.done $0x0  }
0x24: {  	s18 =	simm.s32 $0x280;
	s19 =	simm.s32 $0x3;
	[sflag:s17] =	ssyncadd.s32 $0xFFFFC000  }
0x25: {  	[tilespmem:s7], [sflag:$0x2] =	stream.indirect.gather [hbm4b:s2+s5], $0x80, s18, s5, $0xb8;
	[tilespmem:$0x10400] =	vst v63  }
0x26: {  	_ =	swait.ge [sflag:s19], $0x4000  }
0x27: {  	[sflag:s19] =	ssyncset.done $0x0  }
0x28: {  	s21 =	simm.s32 $0x7;
	s20 =	sadd.s32 $0x103C00, s31;
	[sflag:s19] =	ssyncadd.s32 $0xFFFFC000  }
0x29: {  	[hbm4b:s20+s3] =	stream.linear.scatter [tilespmem:s9], [sflag:$0x7], $0x4000, $0x38;
	[tilespmem:$0x10400] =	vst v63  }
0x2a: {  	_ =	swait.ge [sflag:s21], $0x4000  }
0x2b: {  	[sflag:s21] =	ssyncset.done $0x0  }
0x2c: {  	s22 =	simm.s32 $0x300;
	s23 =	simm.s32 $0x4;
	[sflag:s21] =	ssyncadd.s32 $0xFFFFC000  }
0x2d: {  	[tilespmem:s9], [sflag:$0x3] =	stream.indirect.gather [hbm4b:s2+s5], $0x80, s22, s5, $0xb8;
	[tilespmem:$0x10400] =	vst v63  }
0x2e: {  	_ =	swait.ge [sflag:s23], $0x4000  }
0x2f: {  	[sflag:s23] =	ssyncset.done $0x0  }
0x30: {  	s24 =	simm.s32 $0x8;
	s25 =	sadd.s32 $0x104400, s31;
	[sflag:s23] =	ssyncadd.s32 $0xFFFFC000  }
0x31: {  	[hbm4b:s25+s3] =	stream.linear.scatter [tilespmem:s11], [sflag:$0x8], $0x4000, $0x38;
	[tilespmem:$0x10400] =	vst v63  }
0x32: {  	_ =	swait.ge [sflag:s24], $0x4000  }
0x33: {  	[sflag:s24] =	ssyncset.done $0x0  }
0x34: {  	s26 =	simm.s32 $0x380;
	[sflag:s24] =	ssyncadd.s32 $0xFFFFC000  }
0x35: {  	[tilespmem:s11], [sflag:$0x4] =	stream.indirect.gather [hbm4b:s2+s5], $0x80, s26, s5, $0xb8;
	[tilespmem:$0x10400] =	vst v63  }
0x36: {  	_ =	swait.ge [sflag:s12], $0x4000  }
0x37: {  	[sflag:s12] =	ssyncset.done $0x0  }
0x38: {  	s28 =	sadd.s32 $0x104C00, s31;
	[sflag:s12] =	ssyncadd.s32 $0xFFFFC000  }
0x39: {  	[hbm4b:s28+s3] =	stream.linear.scatter [tilespmem:s6], [sflag:$0x5], $0x4000, $0x38;
	[tilespmem:$0x10400] =	vst v63  }
0x3a: {  	_ =	swait.ge [sflag:s15], $0x4000  }
0x3b: {  	[sflag:s15] =	ssyncset.done $0x0  }
0x3c: {  	s29 =	sadd.s32 $0x105400, s31;
	[sflag:s15] =	ssyncadd.s32 $0xFFFFC000  }
0x3d: {  	[hbm4b:s29+s3] =	stream.linear.scatter [tilespmem:s7], [sflag:$0x6], $0x4000, $0x38;
	[tilespmem:$0x10400] =	vst v63  }
0x3e: {  	_ =	swait.ge [sflag:s19], $0x4000  }
0x3f: {  	[sflag:s19] =	ssyncset.done $0x0  }
0x40: {  	s30 =	sadd.s32 $0x105C00, s31;
	[sflag:s19] =	ssyncadd.s32 $0xFFFFC000  }
0x41: {  	[hbm4b:s30+s3] =	stream.linear.scatter [tilespmem:s9], [sflag:$0x7], $0x4000, $0x38;
	[tilespmem:$0x10400] =	vst v63  }
0x42: {  	_ =	swait.ge [sflag:s23], $0x4000  }
0x43: {  	[sflag:s23] =	ssyncset.done $0x0  }
0x44: {  	s31 =	sadd.s32 $0x106400, s31;
	[sflag:s23] =	ssyncadd.s32 $0xFFFFC000  }
0x45: {  	[hbm4b:s31+s3] =	stream.linear.scatter [tilespmem:s11], [sflag:$0x8], $0x4000, $0x38;
	[tilespmem:$0x10400] =	vst v63  }
0x46: {  	s1 =	ssub.s32 $0x2, s1;
	_ =	swait.ge [sflag:s13], $0x4000  }
0x47: {  	s0 =	sshrl.u32 s1, $0x1;
	[sflag:s13] =	ssyncset.done $0x0  }
0x48: {  	s0 =	ssub.s32 s1, s0;
	[sflag:s13] =	ssyncadd.s32 $0xFFFFC000  }
0x49: {  	s0 =	smax.u32 s0, $0x1;
	_ =	swait.ge [sflag:s17], $0x4000  }
0x4a: {  	p0 =	sne.s32 s0, $0x1;
	[sflag:s17] =	ssyncset.done $0x0  }
.Ltmp0:
0x4b: {  	[sflag:s17] =	ssyncadd.s32 $0xFFFFC000;
	(pc) =	sbr.rel @!p0 .LBB2_2-.Ltmp0, $4  }
0x4c: {  	_ =	swait.ge [sflag:s21], $0x4000  }
0x4d: {  	[sflag:s21] =	ssyncset.done $0x0  }
0x4e: {  	[sflag:s21] =	ssyncadd.s32 $0xFFFFC000  }
0x4f: {  	s1 =	sadd.s32 $0xFFFFFFFF, s0;
	_ =	swait.ge [sflag:s24], $0x4000  }
.LBB2_1:
0x50: {  	[sflag:s24] =	ssyncset.done $0x0  }
0x51: {  	s0 =	rddreg [dreg:$0x4];
	[sflag:s24] =	ssyncadd.s32 $0xFFFFC000  }
0x52: {  	[tilespmem:s3], [sflag:$0x9] =	stream.linear.gather [hbm4b:s0+s3], $0x400, $0x38;
	[tilespmem:$0x10400] =	vst v63  }
0x53: {  	_ =	swait.ge [sflag:s4], $0x400  }
0x54: {  	[sflag:s4] =	ssyncset.done $0x0  }
0x55: {  	[sflag:s4] =	ssyncadd.s32 $0xFFFFFC00  }
0x56: {  	[tilespmem:s6], [sflag:$0x1] =	stream.indirect.gather [hbm4b:s2+s5], $0x80, s3, s5, $0xb8;
	[tilespmem:$0x10400] =	vst v63  }
0x57: {  	_ = 	snop  }
0x58: {  	[tilespmem:s7], [sflag:$0x2] =	stream.indirect.gather [hbm4b:s2+s5], $0x80, s5, s5, $0xb8;
	[tilespmem:$0x10400] =	vst v63  }
0x59: {  	_ = 	snop  }
0x5a: {  	[tilespmem:s9], [sflag:$0x3] =	stream.indirect.gather [hbm4b:s2+s5], $0x80, s8, s5, $0xb8;
	[tilespmem:$0x10400] =	vst v63  }
0x5b: {  	_ = 	snop  }
0x5c: {  	[tilespmem:s11], [sflag:$0x4] =	stream.indirect.gather [hbm4b:s2+s5], $0x80, s10, s5, $0xb8;
	[tilespmem:$0x10400] =	vst v63  }
0x5d: {  	_ =	swait.ge [sflag:s12], $0x4000  }
0x5e: {  	[sflag:s12] =	ssyncset.done $0x0  }
0x5f: {  	s0 =	rddreg [dreg:$0x5];
	[sflag:s12] =	ssyncadd.s32 $0xFFFFC000  }
0x60: {  	[hbm4b:s0+s3] =	stream.linear.scatter [tilespmem:s6], [sflag:$0x5], $0x4000, $0x38;
	[tilespmem:$0x10400] =	vst v63  }
0x61: {  	_ =	swait.ge [sflag:s13], $0x4000  }
0x62: {  	[sflag:s13] =	ssyncset.done $0x0  }
0x63: {  	[sflag:s13] =	ssyncadd.s32 $0xFFFFC000  }
0x64: {  	[tilespmem:s6], [sflag:$0x1] =	stream.indirect.gather [hbm4b:s2+s5], $0x80, s14, s5, $0xb8;
	[tilespmem:$0x10400] =	vst v63  }
0x65: {  	_ =	swait.ge [sflag:s15], $0x4000  }
0x66: {  	[sflag:s15] =	ssyncset.done $0x0  }
0x67: {  	[sflag:s15] =	ssyncadd.s32 $0xFFFFC000  }
0x68: {  	[hbm4b:s16+s3] =	stream.linear.scatter [tilespmem:s7], [sflag:$0x6], $0x4000, $0x38;
	[tilespmem:$0x10400] =	vst v63  }
0x69: {  	_ =	swait.ge [sflag:s17], $0x4000  }
0x6a: {  	[sflag:s17] =	ssyncset.done $0x0  }
0x6b: {  	[sflag:s17] =	ssyncadd.s32 $0xFFFFC000  }
0x6c: {  	[tilespmem:s7], [sflag:$0x2] =	stream.indirect.gather [hbm4b:s2+s5], $0x80, s18, s5, $0xb8;
	[tilespmem:$0x10400] =	vst v63  }
0x6d: {  	_ =	swait.ge [sflag:s19], $0x4000  }
0x6e: {  	[sflag:s19] =	ssyncset.done $0x0  }
0x6f: {  	[sflag:s19] =	ssyncadd.s32 $0xFFFFC000  }
0x70: {  	[hbm4b:s20+s3] =	stream.linear.scatter [tilespmem:s9], [sflag:$0x7], $0x4000, $0x38;
	[tilespmem:$0x10400] =	vst v63  }
0x71: {  	_ =	swait.ge [sflag:s21], $0x4000  }
0x72: {  	[sflag:s21] =	ssyncset.done $0x0  }
0x73: {  	[sflag:s21] =	ssyncadd.s32 $0xFFFFC000  }
0x74: {  	[tilespmem:s9], [sflag:$0x3] =	stream.indirect.gather [hbm4b:s2+s5], $0x80, s22, s5, $0xb8;
	[tilespmem:$0x10400] =	vst v63  }
0x75: {  	_ =	swait.ge [sflag:s23], $0x4000  }
0x76: {  	[sflag:s23] =	ssyncset.done $0x0  }
0x77: {  	[sflag:s23] =	ssyncadd.s32 $0xFFFFC000  }
0x78: {  	[hbm4b:s25+s3] =	stream.linear.scatter [tilespmem:s11], [sflag:$0x8], $0x4000, $0x38;
	[tilespmem:$0x10400] =	vst v63  }
0x79: {  	_ =	swait.ge [sflag:s24], $0x4000  }
0x7a: {  	[sflag:s24] =	ssyncset.done $0x0  }
0x7b: {  	[sflag:s24] =	ssyncadd.s32 $0xFFFFC000  }
0x7c: {  	[tilespmem:s11], [sflag:$0x4] =	stream.indirect.gather [hbm4b:s2+s5], $0x80, s26, s5, $0xb8;
	[tilespmem:$0x10400] =	vst v63  }
0x7d: {  	_ =	swait.ge [sflag:s12], $0x4000  }
0x7e: {  	[sflag:s12] =	ssyncset.done $0x0  }
0x7f: {  	[sflag:s12] =	ssyncadd.s32 $0xFFFFC000  }
0x80: {  	[hbm4b:s28+s3] =	stream.linear.scatter [tilespmem:s6], [sflag:$0x5], $0x4000, $0x38;
	[tilespmem:$0x10400] =	vst v63  }
0x81: {  	_ =	swait.ge [sflag:s15], $0x4000  }
0x82: {  	[sflag:s15] =	ssyncset.done $0x0  }
0x83: {  	[sflag:s15] =	ssyncadd.s32 $0xFFFFC000  }
0x84: {  	[hbm4b:s29+s3] =	stream.linear.scatter [tilespmem:s7], [sflag:$0x6], $0x4000, $0x38;
	[tilespmem:$0x10400] =	vst v63  }
0x85: {  	_ =	swait.ge [sflag:s19], $0x4000  }
0x86: {  	[sflag:s19] =	ssyncset.done $0x0  }
0x87: {  	[sflag:s19] =	ssyncadd.s32 $0xFFFFC000  }
0x88: {  	[hbm4b:s30+s3] =	stream.linear.scatter [tilespmem:s9], [sflag:$0x7], $0x4000, $0x38;
	[tilespmem:$0x10400] =	vst v63  }
0x89: {  	_ =	swait.ge [sflag:s23], $0x4000  }
0x8a: {  	[sflag:s23] =	ssyncset.done $0x0  }
0x8b: {  	[sflag:s23] =	ssyncadd.s32 $0xFFFFC000  }
0x8c: {  	[hbm4b:s31+s3] =	stream.linear.scatter [tilespmem:s11], [sflag:$0x8], $0x4000, $0x38;
	[tilespmem:$0x10400] =	vst v63  }
0x8d: {  	_ =	swait.ge [sflag:s13], $0x4000  }
0x8e: {  	[sflag:s13] =	ssyncset.done $0x0  }
0x8f: {  	[sflag:s13] =	ssyncadd.s32 $0xFFFFC000  }
0x90: {  	_ =	swait.ge [sflag:s17], $0x4000  }
0x91: {  	p0 =	sne.s32 s1, $0x1;
	[sflag:s17] =	ssyncset.done $0x0  }
.Ltmp1:
0x92: {  	[sflag:s17] =	ssyncadd.s32 $0xFFFFC000;
	(pc) =	sbr.rel @p0 .LBB2_1-.Ltmp1, $4  }
0x93: {  	_ =	swait.ge [sflag:s21], $0x4000  }
0x94: {  	[sflag:s21] =	ssyncset.done $0x0  }
0x95: {  	[sflag:s21] =	ssyncadd.s32 $0xFFFFC000  }
0x96: {  	s1 =	sadd.s32 $0xFFFFFFFF, s1;
	_ =	swait.ge [sflag:s24], $0x4000  }
.LBB2_2:
0x97: {  	[sflag:s24] =	ssyncset.done $0x0  }
0x98: {  	[sflag:s24] =	ssyncadd.s32 $0xFFFFC000  }
0x99: {  	_ =	sfence.sel $0x180000  }
0x9a: {  	[bflag:$0x0] =	sbarrier.arrive $0xFFFF  }
0x9b: {  	_ =	strace $0x9000004D  }
0x9c: {  	s0 =	stileid.u32;
	[bflag:$0x2] =	sbarrier.arrive $0xFFFF  }
0x9d: {  	p0 =	sne.s32 s0, $0x0;
	s0 =	rddreg [dreg:$0x3]  }
0x9e: {  	s0 =	sadd.s32 @!p0 $0x100000, s0  }
0x9f: {  	[sflag:s0] =	ssyncadd.tile.s32 @!p0 $0x1;
	_ =	shalt  }
.Lfunc_end2:
_tile_overlayer_lowered:
.L_overlay_start_2:
0xa0: {  	(tag) =	ssettag $0x2  }
0xa1: {  	s0 =	rddreg [dreg:$0x0];
	s2 =	stileid.u32  }
0xa2: {  	s1 =	rddreg [dreg:$0x1];
	p0 =	sne.s32 s2, $0x0  }
0xa3: {  	s3 =	rddreg [dreg:$0x2];
	[bflag:$0x3] =	sbarrier.arrive $0xFFFF;
	s2 =	simm.s32 @!p0 $0x1C09  }
0xa4: {  	[timem:s3], [sflag:s2] =	dma.local @!p0 [hbm:s0], s1  }
0xa5: {  	s0 =	simm.s32 @!p0 $0x9  }
0xa6: {  	_ =	swait.ge @!p0 [sflag:s0], s1  }
0xa7: {  	s1 =	ssub.s32 @!p0 $0x0, s1;
	[sflag:s0] =	ssyncset.done @!p0 $0x0  }
0xa8: {  	[sflag:s0] =	ssyncadd.s32 @!p0 s1  }
0xa9: {  	[bflag:$0x3] =	sbarrier.arrive $0xFFFF  }
0xaa: {  	_ =	shalt  }

// kernel: kernel.16.cloned.1.call-start
scs
__scs_entry_jumppad:
0x0: {  	(pc) =	sbr.rel $0x88, $3  }
0x1: {  	(tag) =	ssettag $0x0;
	lr =	simm.s32 $0x1  }
0x2: {  	[smem:$0x3F97] =	sst lr;
	_ =	strace $0xD0000000  }
0x3: {  	_ = 	snop  }
0x4: {  	_ = 	snop  }
0x5: {  	_ = 	snop  }
0x6: {  	_ = 	snop  }
0x7: {  	_ = 	snop  }
__scs_overlays_trampoline_lowered:
0x8: {  	[smem:$0x3FA6] =	sst s0  }
0x9: {  	[smem:$0x3FA7] =	sst s1  }
0xa: {  	[smem:$0x3FA8] =	sst s2  }
0xb: {  	[smem:$0x3FA9] =	sst s3  }
0xc: {  	[smem:$0x3FAA] =	sst s4  }
0xd: {  	[smem:$0x3FAB] =	sst s5  }
0xe: {  	[smem:$0x3FAC] =	sst s6  }
0xf: {  	[smem:$0x3FAD] =	sst s7  }
0x10: {  	[smem:$0x3FAE] =	sst s8  }
0x11: {  	[smem:$0x3FAF] =	sst s9;
	s0 =	simm.s32 @!p0 $0x0  }
0x12: {  	s1 =	sld [smem:$0x3F95];
	s0 =	simm.s32 @p0 $0x1  }
0x13: {  	[smem:$0x3FB0] =	sst s0;
	s0 =	simm.s32 @!p1 $0x0  }
0x14: {  	s2 =	sld [smem:$0x3F94];
	s0 =	simm.s32 @p1 $0x1  }
0x15: {  	[smem:$0x3FB1] =	sst s0;
	s0 =	simm.s32 @!p2 $0x0  }
0x16: {  	s3 =	sld [smem:$0x3FDB];
	s0 =	simm.s32 @p2 $0x1  }
0x17: {  	s4 =	simm.s32 $0x1BF5;
	[smem:$0x3FB3] =	sst s0  }
0x18: {  	s0 =	sld [smem:$0x3F96];
	_ =	swait.ge [sflag:s4], $0x0  }
0x19: {  	s7 =	sld [smem:$0x3F97]  }
0x1a: {  	s8 =	sadd.s32 $0xFFFFE003, lr  }
0x1b: {  	s9 =	sadd.s32 $0xFFFFFEF7, lr;
	s5 =	simm.s32 $0xFFFFFFFF;
	p2 =	slt.u32 s8, $0xFFFFF086  }
0x1c: {  	p1 =	slt.u32 s9, $0xF7A;
	s5 =	simm.s32 @!p2 $0x0  }
0x1d: {  	s5 =	simm.s32 @p1 $0x1;
	p0 =	seq.s32 s7, s2  }
0x1e: {  	s7 =	smul.u32 @!p0 $0xF7A, s2;
	p2 =	seq.s32 @!p0 s5, $0x0  }
0x1f: {  	s9 =	smul.u32 $0xF7A, s1;
	s8 =	simm.s32 @!p0 $0x1BF5;
	p2 =	por !p2, p0  }
0x20: {  	[sflag:s8] =	ssyncset.s32 @!p0 $0xFFFFF086;
	s6 =	sadd.s32 @!p0 s3, s7;
	s7 =	simm.s32 @!p0 $0x108  }
0x21: {  	s3 =	sadd.s32 s3, s9;
	s6 =	sadd.s32 @!p0 $0x88, s6;
	s7 =	simm.s32 @p2 $0x1082  }
0x22: {  	[simem:s7], [sflag:s8] =	dma.local @!p0 [hbm:s6], $0xF7A  }
0x23: {  	s9 =	sor.u32 $0xD0000000, s2;
	s6 =	simm.s32 $0x108;
	_ =	swait.ge @!p0 [sflag:s8], $0x0  }
0x24: {  	s3 =	sadd.s32 $0x88, s3;
	s6 =	simm.s32 @!p1 $0x1082;
	[sflag:s4] =	ssyncset.s32 $0xFFFFF086  }
0x25: {  	[simem:s6], [sflag:s4] =	dma.local [hbm:s3], $0xF7A  }
0x26: {  	[smem:$0x3F97] =	sst s1;
	(tag) =	ssettag s2;
	_ =	strace s9  }
0x27: {  	s1 =	sld [smem:$0x3FA7]  }
0x28: {  	s2 =	sld [smem:$0x3FA8]  }
0x29: {  	s4 =	sld [smem:$0x3FAA]  }
0x2a: {  	p0 =	seq.s32 s5, $0x0;
	s5 =	sld [smem:$0x3FAB]  }
0x2b: {  	s6 =	sld [smem:$0x3FAC]  }
0x2c: {  	s7 =	sld [smem:$0x3FAD]  }
0x2d: {  	s3 =	simm.s32 $0x108;
	s8 =	sld [smem:$0x3FAE]  }
0x2e: {  	s3 =	simm.s32 @!p0 $0x1082;
	s9 =	sld [smem:$0x3FAF]  }
0x2f: {  	lr =	sadd.s32 s0, s3;
	s0 =	sld [smem:$0x3FA6]  }
0x30: {  	s3 =	sld [smem:$0x3FA9]  }
0x31: {  	[smem:$0x3FB2] =	sst s10  }
0x32: {  	s10 =	sld [smem:$0x3FB0];
	_ =	sdelay $0x3  }
0x33: {  	p0 =	seq.s32 s10, $0x1;
	s10 =	sld [smem:$0x3FB2];
	_ =	sdelay $0x3  }
0x34: {  	[smem:$0x3FB2] =	sst s10  }
0x35: {  	s10 =	sld [smem:$0x3FB1];
	_ =	sdelay $0x3  }
0x36: {  	p1 =	seq.s32 s10, $0x1;
	s10 =	sld [smem:$0x3FB2];
	_ =	sdelay $0x3  }
0x37: {  	[smem:$0x3FB2] =	sst s10  }
0x38: {  	s10 =	sld [smem:$0x3FB3]  }
0x39: {  	_ = 	snop;
	(pc) =	sbr.ind lr, $3  }
0x3a: {  	_ = 	snop  }
0x3b: {  	_ = 	snop  }
0x3c: {  	p2 =	seq.s32 s10, $0x1;
	s10 =	sld [smem:$0x3FB2]  }
0x3d: {  	_ =	shalt  }
0x3e: {  	_ =	shalt  }
0x3f: {  	_ =	shalt  }
0x40: {  	_ =	shalt  }
0x41: {  	_ =	shalt  }
0x42: {  	_ =	shalt  }
0x43: {  	_ =	shalt  }
0x44: {  	_ =	shalt  }
0x45: {  	_ =	shalt  }
0x46: {  	_ =	shalt  }
0x47: {  	_ =	shalt  }
0x48: {  	_ =	shalt  }
0x49: {  	_ =	shalt  }
0x4a: {  	_ =	shalt  }
0x4b: {  	_ =	shalt  }
0x4c: {  	_ =	shalt  }
0x4d: {  	_ =	shalt  }
0x4e: {  	_ =	shalt  }
0x4f: {  	_ =	shalt  }
0x50: {  	_ =	shalt  }
0x51: {  	_ =	shalt  }
0x52: {  	_ =	shalt  }
0x53: {  	_ =	shalt  }
0x54: {  	_ =	shalt  }
0x55: {  	_ =	shalt  }
0x56: {  	_ =	shalt  }
0x57: {  	_ =	shalt  }
0x58: {  	_ =	shalt  }
0x59: {  	_ =	shalt  }
0x5a: {  	_ =	shalt  }
0x5b: {  	_ =	shalt  }
0x5c: {  	_ =	shalt  }
0x5d: {  	_ =	shalt  }
0x5e: {  	_ =	shalt  }
0x5f: {  	_ =	shalt  }
0x60: {  	_ =	shalt  }
0x61: {  	_ =	shalt  }
0x62: {  	_ =	shalt  }
0x63: {  	_ =	shalt  }
0x64: {  	_ =	shalt  }
0x65: {  	_ =	shalt  }
0x66: {  	_ =	shalt  }
0x67: {  	_ =	shalt  }
0x68: {  	_ =	shalt  }
0x69: {  	_ =	shalt  }
0x6a: {  	_ =	shalt  }
0x6b: {  	_ =	shalt  }
0x6c: {  	_ =	shalt  }
0x6d: {  	_ =	shalt  }
0x6e: {  	_ =	shalt  }
0x6f: {  	_ =	shalt  }
0x70: {  	_ =	shalt  }
0x71: {  	_ =	shalt  }
0x72: {  	_ =	shalt  }
0x73: {  	_ =	shalt  }
0x74: {  	_ =	shalt  }
0x75: {  	_ =	shalt  }
0x76: {  	_ =	shalt  }
0x77: {  	_ =	shalt  }
0x78: {  	_ =	shalt  }
0x79: {  	_ =	shalt  }
0x7a: {  	_ =	shalt  }
0x7b: {  	_ =	shalt  }
0x7c: {  	_ =	shalt  }
0x7d: {  	_ =	shalt  }
0x7e: {  	_ =	shalt  }
0x7f: {  	_ =	shalt  }
0x80: {  	_ =	shalt  }
0x81: {  	_ =	shalt  }
0x82: {  	_ =	shalt  }
0x83: {  	_ =	shalt  }
0x84: {  	_ =	shalt  }
0x85: {  	_ =	shalt  }
0x86: {  	_ =	shalt  }
0x87: {  	_ =	shalt  }
.Lfunc_end0:
.L_simem_size_0:
called_computation.2_lowered:
.L_overlay_start_0:
0x88: {  	s2 =	sld [smem:$0x3FD9]  }
0x89: {  	s3 =	sld [smem:$0x3FFE];
	_ =	sdelay $0x1  }
0x8a: {  	s1 =	srdreg.scid  }
0x8b: {  	s0 =	sand.u32 $0x1, s1  }
0x8c: {  	s15 =	sshll.u32 s0, $0xA;
	s2 =	sadd.s32 s3, s2  }
0x8d: {  	s2 =	sadd.s32 s2, s15  }
0x8e: {  	[smem:$0x3FBE] =	sst s2  }
0x8f: {  	_ = 	snop  }
0x90: {  	s16 =	sld [smem:$0x3FD0];
	_ =	sdelay $0x2  }
0x91: {  	s4 =	simm.s32 $0xD;
	s5 =	simm.s32 $0x10;
	s2 =	sld [smem:$0x3FC9]  }
0x92: {  	[smem:s5], [sflag:s4] =	dma.local [hbm:s16], $0x1  }
0x93: {  	_ =	swait.eq [sflag:s4], $0x1  }
0x94: {  	[sflag:s4] =	ssyncset.done $0x0  }
0x95: {  	[sflag:s4] =	ssyncadd.s32 $0xFFFFFFFF  }
0x96: {  	s17 =	sld [smem:$0x10];
	(tm) =	ssettm $0x1  }
0x97: {  	s18 =	sld [smem:$0x3FFB];
	_ =	sdelay $0x3  }
0x98: {  	_ =	strace s18  }
0x99: {  	s3 =	sld [smem:$0x3FFC];
	_ =	sdelay $0x3  }
0x9a: {  	_ =	strace s3  }
0x9b: {  	s3 =	sld [smem:$0x3FFD];
	_ =	sdelay $0x3  }
0x9c: {  	_ =	strace s3  }
0x9d: {  	_ =	strace $0x8FFFFFFF  }
0x9e: {  	s19 =	sld [smem:$0x3FDB];
	_ =	sdelay $0x1  }
0x9f: {  	s20 =	simm.s32 $_scs_section_size  }
0xa0: {  	s6 =	simm.s32 $_size__tile_overlayer_lowered;
	s7 =	simm.s32 $_tile_overlayer_lowered  }
0xa1: {  	s8 =	simm.s32 $0x1BFF;
	s21 =	sshll.u32 s7, $0x1;
	s5 =	sadd.s32 s20, s19  }
0xa2: {  	s22 =	simm.s32 $0x0;
	s6 =	sshll.u32 s6, $0x1;
	s7 =	sadd.s32 s21, s5  }
0xa3: {  	[timem:s22], [sflag:s8] =	dma.local [hbm:s7], s6  }
0xa4: {  	_ =	swait.ge [sflag:s8], s6  }
0xa5: {  	s6 =	ssub.s32 $0x0, s6;
	[sflag:s8] =	ssyncset.done $0x0  }
0xa6: {  	[sflag:s8] =	ssyncadd.s32 s6;
	_ =	sdelay $0x1  }
0xa7: {  	s23 =	simm.s32 $0x1B8B  }
0xa8: {  	_ =	swait.ge [sflag:s23], $0x1  }
0xa9: {  	[sflag:s23] =	ssyncset.done $0x0  }
0xaa: {  	[sflag:s23] =	ssyncadd.s32 $0xFFFFFFFF  }
0xab: {  	s6 =	sld [smem:$0x0]  }
0xac: {  	s7 =	sand.u32 $0xFFFFFFFE, s1  }
0xad: {  	p0 =	sne.s32 s1, s7  }
0xae: {  	s7 =	sshll.u32 @p0 s7, $0xE  }
0xaf: {  	s7 =	sadd.s32 @p0 $0x11B8D, s7;
	s8 =	sshll.u32 @p0 s6, $0x11  }
0xb0: {  	s7 =	sor.u32 @p0 s8, s7  }
0xb1: {  	[sflag:s7] =	ssyncadd.remote.s32 @p0 $0x1;
	_ =	sdelay $0x1  }
0xb2: {  	s7 =	simm.s32 @p0 $0x1B8D  }
0xb3: {  	_ =	swait.eq @p0 [sflag:s7], $0x1  }
0xb4: {  	[sflag:s7] =	ssyncadd.s32 @p0 $0xFFFFFFFF  }
0xb5: {  	s8 =	sshll.u32 @!p0 s1, $0xE  }
0xb6: {  	s8 =	sor.u32 @!p0 $0x4000, s8;
	s7 =	simm.s32 @!p0 $0x1B8D  }
0xb7: {  	s6 =	sshll.u32 @!p0 s6, $0x11;
	s8 =	sadd.s32 @!p0 $0x11B8D, s8;
	_ =	swait.eq @!p0 [sflag:s7], $0x1  }
0xb8: {  	s6 =	sor.u32 @!p0 s6, s8;
	[sflag:s7] =	ssyncadd.s32 @!p0 $0xFFFFFFFF  }
0xb9: {  	s25 =	simm.s32 $0x1B8E;
	s24 =	sld [smem:$0x3FFE];
	[sflag:s6] =	ssyncadd.remote.s32 @!p0 $0x1  }
0xba: {  	s26 =	simm.s32 $execute0_lowered;
	[smem:$0x3FD2] =	sst s25  }
0xbb: {  	s7 =	sshll.u32 s26, $0x1;
	_ =	strace $0x80000049;
	[dreg:$0x1] =	wrdreg $0xFFFFFFFF  }
0xbc: {  	s28 =	simm.s32 $_size_execute0_lowered;
	s5 =	sadd.s32 s5, s7;
	[dreg:$0x0] =	wrdreg $0x0  }
0xbd: {  	s7 =	sshll.u32 s28, $0x1;
	[dreg:$0x2] =	wrdreg s5  }
0xbe: {  	[dreg:$0x3] =	wrdreg s7  }
0xbf: {  	[dreg:$0x4] =	wrdreg $0xC0  }
0xc0: {  	_ =	task [dreg:s22], $0x5FFFF  }
0xc1: {  	[dreg:$0x1] =	wrdreg $0xFFFFFFFF  }
0xc2: {  	[dreg:$0x0] =	wrdreg $0x60  }
0xc3: {  	[dreg:$0x2] =	wrdreg s2  }
0xc4: {  	[dreg:$0x3] =	wrdreg s17  }
0xc5: {  	[dreg:$0x4] =	wrdreg s24  }
0xc6: {  	[dreg:$0x5] =	wrdreg $0xB  }
0xc7: {  	_ =	task.clear_ibuf [dreg:s22], $0x6FFFF;
	_ =	strace $0x90000049  }
0xc8: {  	s29 =	simm.s32 $0xB;
	_ =	strace $0x8000004B  }
0xc9: {  	_ =	swait.ge [sflag:s29], $0x1  }
0xca: {  	[sflag:s29] =	ssyncadd.s32 $0xFFFFFFFF  }
0xcb: {  	_ =	strace $0x9000004B  }
0xcc: {  	_ =	sfence  }
0xcd: {  	s30 =	sld [smem:$0x0];
	_ =	sdelay $0x2  }
0xce: {  	s31 =	sshll.u32 s1, $0xD;
	s1 =	sshrl.u32 s1, $0x2  }
0xcf: {  	s4 =	sand.u32 $0x4000, s31;
	s1 =	sadd.s32 s1, s30  }
0xd0: {  	s0 =	sor.u32 s4, s0;
	s1 =	sshll.u32 s1, $0x11  }
0xd1: {  	s0 =	sor.u32 s1, s0  }
0xd2: {  	s0 =	sadd.s32 $0x8F2B, s0  }
0xd3: {  	[sflag:s0] =	ssyncadd.remote.s32 $0x1  }
0xd4: {  	_ =	sfence.sel $0xFFFF  }
0xd5: {  	[dreg:$0x0] =	wrdreg $0xFFFFFFFF;
	(pc) =	sbr.abs _section_cstart, $3  }
0xd6: {  	[dreg:$0x1] =	wrdreg $0xFFFFFFFF  }
0xd7: {  	_ =	task.clear_ibuf [dreg:s22], $0x2FFFF;
	_ =	strace $0x9FFFFFFF  }
0xd8: {  	(tm) =	ssettm $0x7FFFFFFF  }
0xd9: {  	_ =	shalt  }
tec
execute0_lowered:
.L_overlay_start_1:
0x0: {  	(tag) =	ssettag $0x1  }
0x1: {  	s1 =	srdreg.scid  }
0x2: {  	s0 =	stileid.u32;
	s1 =	sand.u32 $0x1, s1  }
0x3: {  	s2 =	rddreg [dreg:$0x0];
	s3 =	sshll.u32 s0, $0xB;
	s5 =	sshll.u32 s1, $0xA  }
0x4: {  	s4 =	rddreg [dreg:$0x1];
	s5 =	sor.u32 s5, s3  }
0x5: {  	s6 =	rddreg [dreg:$0x2];
	s7 =	sshrl.u32 s5, $0x3  }
0x6: {  	s3 =	simm.s32 $0x0;
	s5 =	sshll.u32 s5, $0x4;
	s4 =	sadd.s32 s7, s4  }
0x7: {  	[smem:$0x7FF] =	sst s3;
	s31 =	sadd.s32 s5, s6;
	s4 =	sadd.s32 $0x2000, s4  }
0x8: {  	_ =	strace $0x8000004A;
	s26 =	sadd.s32 $0x82C00, s31;
	[dreg:$0x4] =	wrdreg s4  }
0x9: {  	[dreg:$0x5] =	wrdreg s26  }
0xa: {  	s4 =	simm.s32 $0x9;
	s25 =	rddreg [dreg:$0x4]  }
0xb: {  	[tilespmem:s3], [sflag:$0x9] =	stream.linear.gather [hbm4b:s25+s3], $0x400, $0x38;
	[tilespmem:$0x10400] =	vst v63  }
0xc: {  	_ =	swait.ge [sflag:s4], $0x400  }
0xd: {  	[sflag:s4] =	ssyncset.done $0x0  }
0xe: {  	s5 =	simm.s32 $0x80;
	s6 =	simm.s32 $0x400;
	[sflag:s4] =	ssyncadd.s32 $0xFFFFFC00  }
0xf: {  	[tilespmem:s6], [sflag:$0x1] =	stream.indirect.gather [hbm4b:s2+s5], $0x80, s3, s5, $0xb8;
	[tilespmem:$0x10400] =	vst v63  }
0x10: {  	s7 =	simm.s32 $0x4400  }
0x11: {  	[tilespmem:s7], [sflag:$0x2] =	stream.indirect.gather [hbm4b:s2+s5], $0x80, s5, s5, $0xb8;
	[tilespmem:$0x10400] =	vst v63  }
0x12: {  	s8 =	simm.s32 $0x100;
	s9 =	simm.s32 $0x8400  }
0x13: {  	[tilespmem:s9], [sflag:$0x3] =	stream.indirect.gather [hbm4b:s2+s5], $0x80, s8, s5, $0xb8;
	[tilespmem:$0x10400] =	vst v63  }
0x14: {  	s10 =	simm.s32 $0x180;
	s11 =	simm.s32 $0xC400;
	s12 =	simm.s32 $0x1  }
0x15: {  	[tilespmem:s11], [sflag:$0x4] =	stream.indirect.gather [hbm4b:s2+s5], $0x80, s10, s5, $0xb8;
	[tilespmem:$0x10400] =	vst v63  }
0x16: {  	_ =	swait.ge [sflag:s12], $0x4000  }
0x17: {  	[sflag:s12] =	ssyncset.done $0x0  }
0x18: {  	s13 =	simm.s32 $0x5;
	s14 =	rddreg [dreg:$0x5];
	[sflag:s12] =	ssyncadd.s32 $0xFFFFC000  }
0x19: {  	[hbm4b:s14+s3] =	stream.linear.scatter [tilespmem:s6], [sflag:$0x5], $0x4000, $0x38;
	[tilespmem:$0x10400] =	vst v63  }
0x1a: {  	_ =	swait.ge [sflag:s13], $0x4000  }
0x1b: {  	[sflag:s13] =	ssyncset.done $0x0  }
0x1c: {  	s15 =	simm.s32 $0x2;
	s14 =	simm.s32 $0x200;
	[sflag:s13] =	ssyncadd.s32 $0xFFFFC000  }
0x1d: {  	[tilespmem:s6], [sflag:$0x1] =	stream.indirect.gather [hbm4b:s2+s5], $0x80, s14, s5, $0xb8;
	[tilespmem:$0x10400] =	vst v63  }
0x1e: {  	_ =	swait.ge [sflag:s15], $0x4000  }
0x1f: {  	[sflag:s15] =	ssyncset.done $0x0  }
0x20: {  	s17 =	simm.s32 $0x6;
	s16 =	sadd.s32 $0x83400, s31;
	[sflag:s15] =	ssyncadd.s32 $0xFFFFC000  }
0x21: {  	[hbm4b:s16+s3] =	stream.linear.scatter [tilespmem:s7], [sflag:$0x6], $0x4000, $0x38;
	[tilespmem:$0x10400] =	vst v63  }
0x22: {  	_ =	swait.ge [sflag:s17], $0x4000  }
0x23: {  	[sflag:s17] =	ssyncset.done $0x0  }
0x24: {  	s18 =	simm.s32 $0x280;
	s19 =	simm.s32 $0x3;
	[sflag:s17] =	ssyncadd.s32 $0xFFFFC000  }
0x25: {  	[tilespmem:s7], [sflag:$0x2] =	stream.indirect.gather [hbm4b:s2+s5], $0x80, s18, s5, $0xb8;
	[tilespmem:$0x10400] =	vst v63  }
0x26: {  	_ =	swait.ge [sflag:s19], $0x4000  }
0x27: {  	[sflag:s19] =	ssyncset.done $0x0  }
0x28: {  	s21 =	simm.s32 $0x7;
	s20 =	sadd.s32 $0x83C00, s31;
	[sflag:s19] =	ssyncadd.s32 $0xFFFFC000  }
0x29: {  	[hbm4b:s20+s3] =	stream.linear.scatter [tilespmem:s9], [sflag:$0x7], $0x4000, $0x38;
	[tilespmem:$0x10400] =	vst v63  }
0x2a: {  	_ =	swait.ge [sflag:s21], $0x4000  }
0x2b: {  	[sflag:s21] =	ssyncset.done $0x0  }
0x2c: {  	s22 =	simm.s32 $0x300;
	s23 =	simm.s32 $0x4;
	[sflag:s21] =	ssyncadd.s32 $0xFFFFC000  }
0x2d: {  	[tilespmem:s9], [sflag:$0x3] =	stream.indirect.gather [hbm4b:s2+s5], $0x80, s22, s5, $0xb8;
	[tilespmem:$0x10400] =	vst v63  }
0x2e: {  	_ =	swait.ge [sflag:s23], $0x4000  }
0x2f: {  	[sflag:s23] =	ssyncset.done $0x0  }
0x30: {  	s24 =	simm.s32 $0x8;
	s25 =	sadd.s32 $0x84400, s31;
	[sflag:s23] =	ssyncadd.s32 $0xFFFFC000  }
0x31: {  	[hbm4b:s25+s3] =	stream.linear.scatter [tilespmem:s11], [sflag:$0x8], $0x4000, $0x38;
	[tilespmem:$0x10400] =	vst v63  }
0x32: {  	_ =	swait.ge [sflag:s24], $0x4000  }
0x33: {  	[sflag:s24] =	ssyncset.done $0x0  }
0x34: {  	s26 =	simm.s32 $0x380;
	[sflag:s24] =	ssyncadd.s32 $0xFFFFC000  }
0x35: {  	[tilespmem:s11], [sflag:$0x4] =	stream.indirect.gather [hbm4b:s2+s5], $0x80, s26, s5, $0xb8;
	[tilespmem:$0x10400] =	vst v63  }
0x36: {  	_ =	swait.ge [sflag:s12], $0x4000  }
0x37: {  	[sflag:s12] =	ssyncset.done $0x0  }
0x38: {  	s28 =	sadd.s32 $0x84C00, s31;
	[sflag:s12] =	ssyncadd.s32 $0xFFFFC000  }
0x39: {  	[hbm4b:s28+s3] =	stream.linear.scatter [tilespmem:s6], [sflag:$0x5], $0x4000, $0x38;
	[tilespmem:$0x10400] =	vst v63  }
0x3a: {  	_ =	swait.ge [sflag:s15], $0x4000  }
0x3b: {  	[sflag:s15] =	ssyncset.done $0x0  }
0x3c: {  	s29 =	sadd.s32 $0x85400, s31;
	[sflag:s15] =	ssyncadd.s32 $0xFFFFC000  }
0x3d: {  	[hbm4b:s29+s3] =	stream.linear.scatter [tilespmem:s7], [sflag:$0x6], $0x4000, $0x38;
	[tilespmem:$0x10400] =	vst v63  }
0x3e: {  	_ =	swait.ge [sflag:s19], $0x4000  }
0x3f: {  	[sflag:s19] =	ssyncset.done $0x0  }
0x40: {  	s30 =	sadd.s32 $0x85C00, s31;
	[sflag:s19] =	ssyncadd.s32 $0xFFFFC000  }
0x41: {  	[hbm4b:s30+s3] =	stream.linear.scatter [tilespmem:s9], [sflag:$0x7], $0x4000, $0x38;
	[tilespmem:$0x10400] =	vst v63  }
0x42: {  	_ =	swait.ge [sflag:s23], $0x4000  }
0x43: {  	[sflag:s23] =	ssyncset.done $0x0  }
0x44: {  	s31 =	sadd.s32 $0x86400, s31;
	[sflag:s23] =	ssyncadd.s32 $0xFFFFC000  }
0x45: {  	[hbm4b:s31+s3] =	stream.linear.scatter [tilespmem:s11], [sflag:$0x8], $0x4000, $0x38;
	[tilespmem:$0x10400] =	vst v63  }
0x46: {  	s1 =	ssub.s32 $0x2, s1;
	_ =	swait.ge [sflag:s13], $0x4000  }
0x47: {  	s0 =	sshrl.u32 s1, $0x1;
	[sflag:s13] =	ssyncset.done $0x0  }
0x48: {  	s0 =	ssub.s32 s1, s0;
	[sflag:s13] =	ssyncadd.s32 $0xFFFFC000  }
0x49: {  	s0 =	smax.u32 s0, $0x1;
	_ =	swait.ge [sflag:s17], $0x4000  }
0x4a: {  	p0 =	sne.s32 s0, $0x1;
	[sflag:s17] =	ssyncset.done $0x0  }
.Ltmp0:
0x4b: {  	[sflag:s17] =	ssyncadd.s32 $0xFFFFC000;
	(pc) =	sbr.rel @!p0 .LBB2_2-.Ltmp0, $4  }
0x4c: {  	_ =	swait.ge [sflag:s21], $0x4000  }
0x4d: {  	[sflag:s21] =	ssyncset.done $0x0  }
0x4e: {  	[sflag:s21] =	ssyncadd.s32 $0xFFFFC000  }
0x4f: {  	s1 =	sadd.s32 $0xFFFFFFFF, s0;
	_ =	swait.ge [sflag:s24], $0x4000  }
.LBB2_1:
0x50: {  	[sflag:s24] =	ssyncset.done $0x0  }
0x51: {  	s0 =	rddreg [dreg:$0x4];
	[sflag:s24] =	ssyncadd.s32 $0xFFFFC000  }
0x52: {  	[tilespmem:s3], [sflag:$0x9] =	stream.linear.gather [hbm4b:s0+s3], $0x400, $0x38;
	[tilespmem:$0x10400] =	vst v63  }
0x53: {  	_ =	swait.ge [sflag:s4], $0x400  }
0x54: {  	[sflag:s4] =	ssyncset.done $0x0  }
0x55: {  	[sflag:s4] =	ssyncadd.s32 $0xFFFFFC00  }
0x56: {  	[tilespmem:s6], [sflag:$0x1] =	stream.indirect.gather [hbm4b:s2+s5], $0x80, s3, s5, $0xb8;
	[tilespmem:$0x10400] =	vst v63  }
0x57: {  	_ = 	snop  }
0x58: {  	[tilespmem:s7], [sflag:$0x2] =	stream.indirect.gather [hbm4b:s2+s5], $0x80, s5, s5, $0xb8;
	[tilespmem:$0x10400] =	vst v63  }
0x59: {  	_ = 	snop  }
0x5a: {  	[tilespmem:s9], [sflag:$0x3] =	stream.indirect.gather [hbm4b:s2+s5], $0x80, s8, s5, $0xb8;
	[tilespmem:$0x10400] =	vst v63  }
0x5b: {  	_ = 	snop  }
0x5c: {  	[tilespmem:s11], [sflag:$0x4] =	stream.indirect.gather [hbm4b:s2+s5], $0x80, s10, s5, $0xb8;
	[tilespmem:$0x10400] =	vst v63  }
0x5d: {  	_ =	swait.ge [sflag:s12], $0x4000  }
0x5e: {  	[sflag:s12] =	ssyncset.done $0x0  }
0x5f: {  	s0 =	rddreg [dreg:$0x5];
	[sflag:s12] =	ssyncadd.s32 $0xFFFFC000  }
0x60: {  	[hbm4b:s0+s3] =	stream.linear.scatter [tilespmem:s6], [sflag:$0x5], $0x4000, $0x38;
	[tilespmem:$0x10400] =	vst v63  }
0x61: {  	_ =	swait.ge [sflag:s13], $0x4000  }
0x62: {  	[sflag:s13] =	ssyncset.done $0x0  }
0x63: {  	[sflag:s13] =	ssyncadd.s32 $0xFFFFC000  }
0x64: {  	[tilespmem:s6], [sflag:$0x1] =	stream.indirect.gather [hbm4b:s2+s5], $0x80, s14, s5, $0xb8;
	[tilespmem:$0x10400] =	vst v63  }
0x65: {  	_ =	swait.ge [sflag:s15], $0x4000  }
0x66: {  	[sflag:s15] =	ssyncset.done $0x0  }
0x67: {  	[sflag:s15] =	ssyncadd.s32 $0xFFFFC000  }
0x68: {  	[hbm4b:s16+s3] =	stream.linear.scatter [tilespmem:s7], [sflag:$0x6], $0x4000, $0x38;
	[tilespmem:$0x10400] =	vst v63  }
0x69: {  	_ =	swait.ge [sflag:s17], $0x4000  }
0x6a: {  	[sflag:s17] =	ssyncset.done $0x0  }
0x6b: {  	[sflag:s17] =	ssyncadd.s32 $0xFFFFC000  }
0x6c: {  	[tilespmem:s7], [sflag:$0x2] =	stream.indirect.gather [hbm4b:s2+s5], $0x80, s18, s5, $0xb8;
	[tilespmem:$0x10400] =	vst v63  }
0x6d: {  	_ =	swait.ge [sflag:s19], $0x4000  }
0x6e: {  	[sflag:s19] =	ssyncset.done $0x0  }
0x6f: {  	[sflag:s19] =	ssyncadd.s32 $0xFFFFC000  }
0x70: {  	[hbm4b:s20+s3] =	stream.linear.scatter [tilespmem:s9], [sflag:$0x7], $0x4000, $0x38;
	[tilespmem:$0x10400] =	vst v63  }
0x71: {  	_ =	swait.ge [sflag:s21], $0x4000  }
0x72: {  	[sflag:s21] =	ssyncset.done $0x0  }
0x73: {  	[sflag:s21] =	ssyncadd.s32 $0xFFFFC000  }
0x74: {  	[tilespmem:s9], [sflag:$0x3] =	stream.indirect.gather [hbm4b:s2+s5], $0x80, s22, s5, $0xb8;
	[tilespmem:$0x10400] =	vst v63  }
0x75: {  	_ =	swait.ge [sflag:s23], $0x4000  }
0x76: {  	[sflag:s23] =	ssyncset.done $0x0  }
0x77: {  	[sflag:s23] =	ssyncadd.s32 $0xFFFFC000  }
0x78: {  	[hbm4b:s25+s3] =	stream.linear.scatter [tilespmem:s11], [sflag:$0x8], $0x4000, $0x38;
	[tilespmem:$0x10400] =	vst v63  }
0x79: {  	_ =	swait.ge [sflag:s24], $0x4000  }
0x7a: {  	[sflag:s24] =	ssyncset.done $0x0  }
0x7b: {  	[sflag:s24] =	ssyncadd.s32 $0xFFFFC000  }
0x7c: {  	[tilespmem:s11], [sflag:$0x4] =	stream.indirect.gather [hbm4b:s2+s5], $0x80, s26, s5, $0xb8;
	[tilespmem:$0x10400] =	vst v63  }
0x7d: {  	_ =	swait.ge [sflag:s12], $0x4000  }
0x7e: {  	[sflag:s12] =	ssyncset.done $0x0  }
0x7f: {  	[sflag:s12] =	ssyncadd.s32 $0xFFFFC000  }
0x80: {  	[hbm4b:s28+s3] =	stream.linear.scatter [tilespmem:s6], [sflag:$0x5], $0x4000, $0x38;
	[tilespmem:$0x10400] =	vst v63  }
0x81: {  	_ =	swait.ge [sflag:s15], $0x4000  }
0x82: {  	[sflag:s15] =	ssyncset.done $0x0  }
0x83: {  	[sflag:s15] =	ssyncadd.s32 $0xFFFFC000  }
0x84: {  	[hbm4b:s29+s3] =	stream.linear.scatter [tilespmem:s7], [sflag:$0x6], $0x4000, $0x38;
	[tilespmem:$0x10400] =	vst v63  }
0x85: {  	_ =	swait.ge [sflag:s19], $0x4000  }
0x86: {  	[sflag:s19] =	ssyncset.done $0x0  }
0x87: {  	[sflag:s19] =	ssyncadd.s32 $0xFFFFC000  }
0x88: {  	[hbm4b:s30+s3] =	stream.linear.scatter [tilespmem:s9], [sflag:$0x7], $0x4000, $0x38;
	[tilespmem:$0x10400] =	vst v63  }
0x89: {  	_ =	swait.ge [sflag:s23], $0x4000  }
0x8a: {  	[sflag:s23] =	ssyncset.done $0x0  }
0x8b: {  	[sflag:s23] =	ssyncadd.s32 $0xFFFFC000  }
0x8c: {  	[hbm4b:s31+s3] =	stream.linear.scatter [tilespmem:s11], [sflag:$0x8], $0x4000, $0x38;
	[tilespmem:$0x10400] =	vst v63  }
0x8d: {  	_ =	swait.ge [sflag:s13], $0x4000  }
0x8e: {  	[sflag:s13] =	ssyncset.done $0x0  }
0x8f: {  	[sflag:s13] =	ssyncadd.s32 $0xFFFFC000  }
0x90: {  	_ =	swait.ge [sflag:s17], $0x4000  }
0x91: {  	p0 =	sne.s32 s1, $0x1;
	[sflag:s17] =	ssyncset.done $0x0  }
.Ltmp1:
0x92: {  	[sflag:s17] =	ssyncadd.s32 $0xFFFFC000;
	(pc) =	sbr.rel @p0 .LBB2_1-.Ltmp1, $4  }
0x93: {  	_ =	swait.ge [sflag:s21], $0x4000  }
0x94: {  	[sflag:s21] =	ssyncset.done $0x0  }
0x95: {  	[sflag:s21] =	ssyncadd.s32 $0xFFFFC000  }
0x96: {  	s1 =	sadd.s32 $0xFFFFFFFF, s1;
	_ =	swait.ge [sflag:s24], $0x4000  }
.LBB2_2:
0x97: {  	[sflag:s24] =	ssyncset.done $0x0  }
0x98: {  	[sflag:s24] =	ssyncadd.s32 $0xFFFFC000  }
0x99: {  	_ =	sfence.sel $0x180000  }
0x9a: {  	[bflag:$0x0] =	sbarrier.arrive $0xFFFF  }
0x9b: {  	_ =	strace $0x9000004A  }
0x9c: {  	s0 =	stileid.u32;
	[bflag:$0x2] =	sbarrier.arrive $0xFFFF  }
0x9d: {  	p0 =	sne.s32 s0, $0x0;
	s0 =	rddreg [dreg:$0x3]  }
0x9e: {  	s0 =	sadd.s32 @!p0 $0x100000, s0  }
0x9f: {  	[sflag:s0] =	ssyncadd.tile.s32 @!p0 $0x1;
	_ =	shalt  }
.Lfunc_end2:
_tile_overlayer_lowered:
.L_overlay_start_2:
0xa0: {  	(tag) =	ssettag $0x2  }
0xa1: {  	s0 =	rddreg [dreg:$0x0];
	s2 =	stileid.u32  }
0xa2: {  	s1 =	rddreg [dreg:$0x1];
	p0 =	sne.s32 s2, $0x0  }
0xa3: {  	s3 =	rddreg [dreg:$0x2];
	[bflag:$0x3] =	sbarrier.arrive $0xFFFF;
	s2 =	simm.s32 @!p0 $0x1C09  }
0xa4: {  	[timem:s3], [sflag:s2] =	dma.local @!p0 [hbm:s0], s1  }
0xa5: {  	s0 =	simm.s32 @!p0 $0x9  }
0xa6: {  	_ =	swait.ge @!p0 [sflag:s0], s1  }
0xa7: {  	s1 =	ssub.s32 @!p0 $0x0, s1;
	[sflag:s0] =	ssyncset.done @!p0 $0x0  }
0xa8: {  	[sflag:s0] =	ssyncadd.s32 @!p0 s1  }
0xa9: {  	[bflag:$0x3] =	sbarrier.arrive $0xFFFF  }
0xaa: {  	_ =	shalt  }

// kernel: kernel.19.cloned.1.call-start
scs
__scs_entry_jumppad:
0x0: {  	(pc) =	sbr.rel $0x88, $3  }
0x1: {  	(tag) =	ssettag $0x0;
	lr =	simm.s32 $0x1  }
0x2: {  	[smem:$0x3F97] =	sst lr;
	_ =	strace $0xD0000000  }
0x3: {  	_ = 	snop  }
0x4: {  	_ = 	snop  }
0x5: {  	_ = 	snop  }
0x6: {  	_ = 	snop  }
0x7: {  	_ = 	snop  }
__scs_overlays_trampoline_lowered:
0x8: {  	[smem:$0x3FA6] =	sst s0  }
0x9: {  	[smem:$0x3FA7] =	sst s1  }
0xa: {  	[smem:$0x3FA8] =	sst s2  }
0xb: {  	[smem:$0x3FA9] =	sst s3  }
0xc: {  	[smem:$0x3FAA] =	sst s4  }
0xd: {  	[smem:$0x3FAB] =	sst s5  }
0xe: {  	[smem:$0x3FAC] =	sst s6  }
0xf: {  	[smem:$0x3FAD] =	sst s7  }
0x10: {  	[smem:$0x3FAE] =	sst s8  }
0x11: {  	[smem:$0x3FAF] =	sst s9;
	s0 =	simm.s32 @!p0 $0x0  }
0x12: {  	s1 =	sld [smem:$0x3F95];
	s0 =	simm.s32 @p0 $0x1  }
0x13: {  	[smem:$0x3FB0] =	sst s0;
	s0 =	simm.s32 @!p1 $0x0  }
0x14: {  	s2 =	sld [smem:$0x3F94];
	s0 =	simm.s32 @p1 $0x1  }
0x15: {  	[smem:$0x3FB1] =	sst s0;
	s0 =	simm.s32 @!p2 $0x0  }
0x16: {  	s3 =	sld [smem:$0x3FDB];
	s0 =	simm.s32 @p2 $0x1  }
0x17: {  	s4 =	simm.s32 $0x1BF5;
	[smem:$0x3FB3] =	sst s0  }
0x18: {  	s0 =	sld [smem:$0x3F96];
	_ =	swait.ge [sflag:s4], $0x0  }
0x19: {  	s7 =	sld [smem:$0x3F97]  }
0x1a: {  	s8 =	sadd.s32 $0xFFFFE003, lr  }
0x1b: {  	s9 =	sadd.s32 $0xFFFFFEF7, lr;
	s5 =	simm.s32 $0xFFFFFFFF;
	p2 =	slt.u32 s8, $0xFFFFF086  }
0x1c: {  	p1 =	slt.u32 s9, $0xF7A;
	s5 =	simm.s32 @!p2 $0x0  }
0x1d: {  	s5 =	simm.s32 @p1 $0x1;
	p0 =	seq.s32 s7, s2  }
0x1e: {  	s7 =	smul.u32 @!p0 $0xF7A, s2;
	p2 =	seq.s32 @!p0 s5, $0x0  }
0x1f: {  	s9 =	smul.u32 $0xF7A, s1;
	s8 =	simm.s32 @!p0 $0x1BF5;
	p2 =	por !p2, p0  }
0x20: {  	[sflag:s8] =	ssyncset.s32 @!p0 $0xFFFFF086;
	s6 =	sadd.s32 @!p0 s3, s7;
	s7 =	simm.s32 @!p0 $0x108  }
0x21: {  	s3 =	sadd.s32 s3, s9;
	s6 =	sadd.s32 @!p0 $0x88, s6;
	s7 =	simm.s32 @p2 $0x1082  }
0x22: {  	[simem:s7], [sflag:s8] =	dma.local @!p0 [hbm:s6], $0xF7A  }
0x23: {  	s9 =	sor.u32 $0xD0000000, s2;
	s6 =	simm.s32 $0x108;
	_ =	swait.ge @!p0 [sflag:s8], $0x0  }
0x24: {  	s3 =	sadd.s32 $0x88, s3;
	s6 =	simm.s32 @!p1 $0x1082;
	[sflag:s4] =	ssyncset.s32 $0xFFFFF086  }
0x25: {  	[simem:s6], [sflag:s4] =	dma.local [hbm:s3], $0xF7A  }
0x26: {  	[smem:$0x3F97] =	sst s1;
	(tag) =	ssettag s2;
	_ =	strace s9  }
0x27: {  	s1 =	sld [smem:$0x3FA7]  }
0x28: {  	s2 =	sld [smem:$0x3FA8]  }
0x29: {  	s4 =	sld [smem:$0x3FAA]  }
0x2a: {  	p0 =	seq.s32 s5, $0x0;
	s5 =	sld [smem:$0x3FAB]  }
0x2b: {  	s6 =	sld [smem:$0x3FAC]  }
0x2c: {  	s7 =	sld [smem:$0x3FAD]  }
0x2d: {  	s3 =	simm.s32 $0x108;
	s8 =	sld [smem:$0x3FAE]  }
0x2e: {  	s3 =	simm.s32 @!p0 $0x1082;
	s9 =	sld [smem:$0x3FAF]  }
0x2f: {  	lr =	sadd.s32 s0, s3;
	s0 =	sld [smem:$0x3FA6]  }
0x30: {  	s3 =	sld [smem:$0x3FA9]  }
0x31: {  	[smem:$0x3FB2] =	sst s10  }
0x32: {  	s10 =	sld [smem:$0x3FB0];
	_ =	sdelay $0x3  }
0x33: {  	p0 =	seq.s32 s10, $0x1;
	s10 =	sld [smem:$0x3FB2];
	_ =	sdelay $0x3  }
0x34: {  	[smem:$0x3FB2] =	sst s10  }
0x35: {  	s10 =	sld [smem:$0x3FB1];
	_ =	sdelay $0x3  }
0x36: {  	p1 =	seq.s32 s10, $0x1;
	s10 =	sld [smem:$0x3FB2];
	_ =	sdelay $0x3  }
0x37: {  	[smem:$0x3FB2] =	sst s10  }
0x38: {  	s10 =	sld [smem:$0x3FB3]  }
0x39: {  	_ = 	snop;
	(pc) =	sbr.ind lr, $3  }
0x3a: {  	_ = 	snop  }
0x3b: {  	_ = 	snop  }
0x3c: {  	p2 =	seq.s32 s10, $0x1;
	s10 =	sld [smem:$0x3FB2]  }
0x3d: {  	_ =	shalt  }
0x3e: {  	_ =	shalt  }
0x3f: {  	_ =	shalt  }
0x40: {  	_ =	shalt  }
0x41: {  	_ =	shalt  }
0x42: {  	_ =	shalt  }
0x43: {  	_ =	shalt  }
0x44: {  	_ =	shalt  }
0x45: {  	_ =	shalt  }
0x46: {  	_ =	shalt  }
0x47: {  	_ =	shalt  }
0x48: {  	_ =	shalt  }
0x49: {  	_ =	shalt  }
0x4a: {  	_ =	shalt  }
0x4b: {  	_ =	shalt  }
0x4c: {  	_ =	shalt  }
0x4d: {  	_ =	shalt  }
0x4e: {  	_ =	shalt  }
0x4f: {  	_ =	shalt  }
0x50: {  	_ =	shalt  }
0x51: {  	_ =	shalt  }
0x52: {  	_ =	shalt  }
0x53: {  	_ =	shalt  }
0x54: {  	_ =	shalt  }
0x55: {  	_ =	shalt  }
0x56: {  	_ =	shalt  }
0x57: {  	_ =	shalt  }
0x58: {  	_ =	shalt  }
0x59: {  	_ =	shalt  }
0x5a: {  	_ =	shalt  }
0x5b: {  	_ =	shalt  }
0x5c: {  	_ =	shalt  }
0x5d: {  	_ =	shalt  }
0x5e: {  	_ =	shalt  }
0x5f: {  	_ =	shalt  }
0x60: {  	_ =	shalt  }
0x61: {  	_ =	shalt  }
0x62: {  	_ =	shalt  }
0x63: {  	_ =	shalt  }
0x64: {  	_ =	shalt  }
0x65: {  	_ =	shalt  }
0x66: {  	_ =	shalt  }
0x67: {  	_ =	shalt  }
0x68: {  	_ =	shalt  }
0x69: {  	_ =	shalt  }
0x6a: {  	_ =	shalt  }
0x6b: {  	_ =	shalt  }
0x6c: {  	_ =	shalt  }
0x6d: {  	_ =	shalt  }
0x6e: {  	_ =	shalt  }
0x6f: {  	_ =	shalt  }
0x70: {  	_ =	shalt  }
0x71: {  	_ =	shalt  }
0x72: {  	_ =	shalt  }
0x73: {  	_ =	shalt  }
0x74: {  	_ =	shalt  }
0x75: {  	_ =	shalt  }
0x76: {  	_ =	shalt  }
0x77: {  	_ =	shalt  }
0x78: {  	_ =	shalt  }
0x79: {  	_ =	shalt  }
0x7a: {  	_ =	shalt  }
0x7b: {  	_ =	shalt  }
0x7c: {  	_ =	shalt  }
0x7d: {  	_ =	shalt  }
0x7e: {  	_ =	shalt  }
0x7f: {  	_ =	shalt  }
0x80: {  	_ =	shalt  }
0x81: {  	_ =	shalt  }
0x82: {  	_ =	shalt  }
0x83: {  	_ =	shalt  }
0x84: {  	_ =	shalt  }
0x85: {  	_ =	shalt  }
0x86: {  	_ =	shalt  }
0x87: {  	_ =	shalt  }
.Lfunc_end0:
.L_simem_size_0:
called_computation.3_lowered:
.L_overlay_start_0:
0x88: {  	s2 =	sld [smem:$0x3FD9]  }
0x89: {  	s3 =	sld [smem:$0x3FFE];
	_ =	sdelay $0x1  }
0x8a: {  	s1 =	srdreg.scid  }
0x8b: {  	s0 =	sand.u32 $0x1, s1  }
0x8c: {  	s15 =	sshll.u32 s0, $0xA;
	s2 =	sadd.s32 s3, s2  }
0x8d: {  	s2 =	sadd.s32 s2, s15  }
0x8e: {  	[smem:$0x3FBE] =	sst s2  }
0x8f: {  	_ = 	snop  }
0x90: {  	s16 =	sld [smem:$0x3FD0];
	_ =	sdelay $0x2  }
0x91: {  	s4 =	simm.s32 $0xD;
	s5 =	simm.s32 $0x10;
	s2 =	sld [smem:$0x3FC9]  }
0x92: {  	[smem:s5], [sflag:s4] =	dma.local [hbm:s16], $0x1  }
0x93: {  	_ =	swait.eq [sflag:s4], $0x1  }
0x94: {  	[sflag:s4] =	ssyncset.done $0x0  }
0x95: {  	[sflag:s4] =	ssyncadd.s32 $0xFFFFFFFF  }
0x96: {  	s17 =	sld [smem:$0x10];
	(tm) =	ssettm $0x1  }
0x97: {  	s18 =	sld [smem:$0x3FFB];
	_ =	sdelay $0x3  }
0x98: {  	_ =	strace s18  }
0x99: {  	s3 =	sld [smem:$0x3FFC];
	_ =	sdelay $0x3  }
0x9a: {  	_ =	strace s3  }
0x9b: {  	s3 =	sld [smem:$0x3FFD];
	_ =	sdelay $0x3  }
0x9c: {  	_ =	strace s3  }
0x9d: {  	_ =	strace $0x8FFFFFFF  }
0x9e: {  	s19 =	sld [smem:$0x3FDB];
	_ =	sdelay $0x1  }
0x9f: {  	s20 =	simm.s32 $_scs_section_size  }
0xa0: {  	s6 =	simm.s32 $_size__tile_overlayer_lowered;
	s7 =	simm.s32 $_tile_overlayer_lowered  }
0xa1: {  	s8 =	simm.s32 $0x1BFF;
	s21 =	sshll.u32 s7, $0x1;
	s5 =	sadd.s32 s20, s19  }
0xa2: {  	s22 =	simm.s32 $0x0;
	s6 =	sshll.u32 s6, $0x1;
	s7 =	sadd.s32 s21, s5  }
0xa3: {  	[timem:s22], [sflag:s8] =	dma.local [hbm:s7], s6  }
0xa4: {  	_ =	swait.ge [sflag:s8], s6  }
0xa5: {  	s6 =	ssub.s32 $0x0, s6;
	[sflag:s8] =	ssyncset.done $0x0  }
0xa6: {  	[sflag:s8] =	ssyncadd.s32 s6;
	_ =	sdelay $0x1  }
0xa7: {  	s23 =	simm.s32 $0x1B8B  }
0xa8: {  	_ =	swait.ge [sflag:s23], $0x1  }
0xa9: {  	[sflag:s23] =	ssyncset.done $0x0  }
0xaa: {  	[sflag:s23] =	ssyncadd.s32 $0xFFFFFFFF  }
0xab: {  	s6 =	sld [smem:$0x0]  }
0xac: {  	s7 =	sand.u32 $0xFFFFFFFE, s1  }
0xad: {  	p0 =	sne.s32 s1, s7  }
0xae: {  	s7 =	sshll.u32 @p0 s7, $0xE  }
0xaf: {  	s7 =	sadd.s32 @p0 $0x11B8D, s7;
	s8 =	sshll.u32 @p0 s6, $0x11  }
0xb0: {  	s7 =	sor.u32 @p0 s8, s7  }
0xb1: {  	[sflag:s7] =	ssyncadd.remote.s32 @p0 $0x1;
	_ =	sdelay $0x1  }
0xb2: {  	s7 =	simm.s32 @p0 $0x1B8D  }
0xb3: {  	_ =	swait.eq @p0 [sflag:s7], $0x1  }
0xb4: {  	[sflag:s7] =	ssyncadd.s32 @p0 $0xFFFFFFFF  }
0xb5: {  	s8 =	sshll.u32 @!p0 s1, $0xE  }
0xb6: {  	s8 =	sor.u32 @!p0 $0x4000, s8;
	s7 =	simm.s32 @!p0 $0x1B8D  }
0xb7: {  	s6 =	sshll.u32 @!p0 s6, $0x11;
	s8 =	sadd.s32 @!p0 $0x11B8D, s8;
	_ =	swait.eq @!p0 [sflag:s7], $0x1  }
0xb8: {  	s6 =	sor.u32 @!p0 s6, s8;
	[sflag:s7] =	ssyncadd.s32 @!p0 $0xFFFFFFFF  }
0xb9: {  	s25 =	simm.s32 $0x1B8E;
	s24 =	sld [smem:$0x3FFE];
	[sflag:s6] =	ssyncadd.remote.s32 @!p0 $0x1  }
0xba: {  	s26 =	simm.s32 $execute0_lowered;
	[smem:$0x3FD2] =	sst s25  }
0xbb: {  	s7 =	sshll.u32 s26, $0x1;
	_ =	strace $0x8000004F;
	[dreg:$0x1] =	wrdreg $0xFFFFFFFF  }
0xbc: {  	s28 =	simm.s32 $_size_execute0_lowered;
	s5 =	sadd.s32 s5, s7;
	[dreg:$0x0] =	wrdreg $0x0  }
0xbd: {  	s7 =	sshll.u32 s28, $0x1;
	[dreg:$0x2] =	wrdreg s5  }
0xbe: {  	[dreg:$0x3] =	wrdreg s7  }
0xbf: {  	[dreg:$0x4] =	wrdreg $0xC0  }
0xc0: {  	_ =	task [dreg:s22], $0x5FFFF  }
0xc1: {  	[dreg:$0x1] =	wrdreg $0xFFFFFFFF  }
0xc2: {  	[dreg:$0x0] =	wrdreg $0x60  }
0xc3: {  	[dreg:$0x2] =	wrdreg s2  }
0xc4: {  	[dreg:$0x3] =	wrdreg s17  }
0xc5: {  	[dreg:$0x4] =	wrdreg s24  }
0xc6: {  	[dreg:$0x5] =	wrdreg $0xC  }
0xc7: {  	_ =	task.clear_ibuf [dreg:s22], $0x6FFFF;
	_ =	strace $0x9000004F  }
0xc8: {  	s29 =	simm.s32 $0xC;
	_ =	strace $0x80000051  }
0xc9: {  	_ =	swait.ge [sflag:s29], $0x1  }
0xca: {  	[sflag:s29] =	ssyncadd.s32 $0xFFFFFFFF  }
0xcb: {  	_ =	strace $0x90000051  }
0xcc: {  	_ =	sfence  }
0xcd: {  	s30 =	sld [smem:$0x0];
	_ =	sdelay $0x2  }
0xce: {  	s31 =	sshll.u32 s1, $0xD;
	s1 =	sshrl.u32 s1, $0x2  }
0xcf: {  	s4 =	sand.u32 $0x4000, s31;
	s1 =	sadd.s32 s1, s30  }
0xd0: {  	s0 =	sor.u32 s4, s0;
	s1 =	sshll.u32 s1, $0x11  }
0xd1: {  	s0 =	sor.u32 s1, s0  }
0xd2: {  	s0 =	sadd.s32 $0x8F2B, s0  }
0xd3: {  	[sflag:s0] =	ssyncadd.remote.s32 $0x1  }
0xd4: {  	_ =	sfence.sel $0xFFFF  }
0xd5: {  	[dreg:$0x0] =	wrdreg $0xFFFFFFFF;
	(pc) =	sbr.abs _section_cstart, $3  }
0xd6: {  	[dreg:$0x1] =	wrdreg $0xFFFFFFFF  }
0xd7: {  	_ =	task.clear_ibuf [dreg:s22], $0x2FFFF;
	_ =	strace $0x9FFFFFFF  }
0xd8: {  	(tm) =	ssettm $0x7FFFFFFF  }
0xd9: {  	_ =	shalt  }
tec
execute0_lowered:
.L_overlay_start_1:
0x0: {  	(tag) =	ssettag $0x1  }
0x1: {  	s1 =	srdreg.scid  }
0x2: {  	s0 =	stileid.u32;
	s1 =	sand.u32 $0x1, s1  }
0x3: {  	s2 =	rddreg [dreg:$0x0];
	s3 =	sshll.u32 s0, $0xB;
	s5 =	sshll.u32 s1, $0xA  }
0x4: {  	s4 =	rddreg [dreg:$0x1];
	s5 =	sor.u32 s5, s3  }
0x5: {  	s6 =	rddreg [dreg:$0x2];
	s7 =	sshrl.u32 s5, $0x3  }
0x6: {  	s3 =	simm.s32 $0x0;
	s5 =	sshll.u32 s5, $0x4;
	s4 =	sadd.s32 s7, s4  }
0x7: {  	[smem:$0x7FF] =	sst s3;
	s31 =	sadd.s32 s5, s6;
	s4 =	sadd.s32 $0x3000, s4  }
0x8: {  	_ =	strace $0x80000050;
	s26 =	sadd.s32 $0x182C00, s31;
	[dreg:$0x4] =	wrdreg s4  }
0x9: {  	[dreg:$0x5] =	wrdreg s26  }
0xa: {  	s4 =	simm.s32 $0x9;
	s25 =	rddreg [dreg:$0x4]  }
0xb: {  	[tilespmem:s3], [sflag:$0x9] =	stream.linear.gather [hbm4b:s25+s3], $0x400, $0x38;
	[tilespmem:$0x10400] =	vst v63  }
0xc: {  	_ =	swait.ge [sflag:s4], $0x400  }
0xd: {  	[sflag:s4] =	ssyncset.done $0x0  }
0xe: {  	s5 =	simm.s32 $0x80;
	s6 =	simm.s32 $0x400;
	[sflag:s4] =	ssyncadd.s32 $0xFFFFFC00  }
0xf: {  	[tilespmem:s6], [sflag:$0x1] =	stream.indirect.gather [hbm4b:s2+s5], $0x80, s3, s5, $0xb8;
	[tilespmem:$0x10400] =	vst v63  }
0x10: {  	s7 =	simm.s32 $0x4400  }
0x11: {  	[tilespmem:s7], [sflag:$0x2] =	stream.indirect.gather [hbm4b:s2+s5], $0x80, s5, s5, $0xb8;
	[tilespmem:$0x10400] =	vst v63  }
0x12: {  	s8 =	simm.s32 $0x100;
	s9 =	simm.s32 $0x8400  }
0x13: {  	[tilespmem:s9], [sflag:$0x3] =	stream.indirect.gather [hbm4b:s2+s5], $0x80, s8, s5, $0xb8;
	[tilespmem:$0x10400] =	vst v63  }
0x14: {  	s10 =	simm.s32 $0x180;
	s11 =	simm.s32 $0xC400;
	s12 =	simm.s32 $0x1  }
0x15: {  	[tilespmem:s11], [sflag:$0x4] =	stream.indirect.gather [hbm4b:s2+s5], $0x80, s10, s5, $0xb8;
	[tilespmem:$0x10400] =	vst v63  }
0x16: {  	_ =	swait.ge [sflag:s12], $0x4000  }
0x17: {  	[sflag:s12] =	ssyncset.done $0x0  }
0x18: {  	s13 =	simm.s32 $0x5;
	s14 =	rddreg [dreg:$0x5];
	[sflag:s12] =	ssyncadd.s32 $0xFFFFC000  }
0x19: {  	[hbm4b:s14+s3] =	stream.linear.scatter [tilespmem:s6], [sflag:$0x5], $0x4000, $0x38;
	[tilespmem:$0x10400] =	vst v63  }
0x1a: {  	_ =	swait.ge [sflag:s13], $0x4000  }
0x1b: {  	[sflag:s13] =	ssyncset.done $0x0  }
0x1c: {  	s15 =	simm.s32 $0x2;
	s14 =	simm.s32 $0x200;
	[sflag:s13] =	ssyncadd.s32 $0xFFFFC000  }
0x1d: {  	[tilespmem:s6], [sflag:$0x1] =	stream.indirect.gather [hbm4b:s2+s5], $0x80, s14, s5, $0xb8;
	[tilespmem:$0x10400] =	vst v63  }
0x1e: {  	_ =	swait.ge [sflag:s15], $0x4000  }
0x1f: {  	[sflag:s15] =	ssyncset.done $0x0  }
0x20: {  	s17 =	simm.s32 $0x6;
	s16 =	sadd.s32 $0x183400, s31;
	[sflag:s15] =	ssyncadd.s32 $0xFFFFC000  }
0x21: {  	[hbm4b:s16+s3] =	stream.linear.scatter [tilespmem:s7], [sflag:$0x6], $0x4000, $0x38;
	[tilespmem:$0x10400] =	vst v63  }
0x22: {  	_ =	swait.ge [sflag:s17], $0x4000  }
0x23: {  	[sflag:s17] =	ssyncset.done $0x0  }
0x24: {  	s18 =	simm.s32 $0x280;
	s19 =	simm.s32 $0x3;
	[sflag:s17] =	ssyncadd.s32 $0xFFFFC000  }
0x25: {  	[tilespmem:s7], [sflag:$0x2] =	stream.indirect.gather [hbm4b:s2+s5], $0x80, s18, s5, $0xb8;
	[tilespmem:$0x10400] =	vst v63  }
0x26: {  	_ =	swait.ge [sflag:s19], $0x4000  }
0x27: {  	[sflag:s19] =	ssyncset.done $0x0  }
0x28: {  	s21 =	simm.s32 $0x7;
	s20 =	sadd.s32 $0x183C00, s31;
	[sflag:s19] =	ssyncadd.s32 $0xFFFFC000  }
0x29: {  	[hbm4b:s20+s3] =	stream.linear.scatter [tilespmem:s9], [sflag:$0x7], $0x4000, $0x38;
	[tilespmem:$0x10400] =	vst v63  }
0x2a: {  	_ =	swait.ge [sflag:s21], $0x4000  }
0x2b: {  	[sflag:s21] =	ssyncset.done $0x0  }
0x2c: {  	s22 =	simm.s32 $0x300;
	s23 =	simm.s32 $0x4;
	[sflag:s21] =	ssyncadd.s32 $0xFFFFC000  }
0x2d: {  	[tilespmem:s9], [sflag:$0x3] =	stream.indirect.gather [hbm4b:s2+s5], $0x80, s22, s5, $0xb8;
	[tilespmem:$0x10400] =	vst v63  }
0x2e: {  	_ =	swait.ge [sflag:s23], $0x4000  }
0x2f: {  	[sflag:s23] =	ssyncset.done $0x0  }
0x30: {  	s24 =	simm.s32 $0x8;
	s25 =	sadd.s32 $0x184400, s31;
	[sflag:s23] =	ssyncadd.s32 $0xFFFFC000  }
0x31: {  	[hbm4b:s25+s3] =	stream.linear.scatter [tilespmem:s11], [sflag:$0x8], $0x4000, $0x38;
	[tilespmem:$0x10400] =	vst v63  }
0x32: {  	_ =	swait.ge [sflag:s24], $0x4000  }
0x33: {  	[sflag:s24] =	ssyncset.done $0x0  }
0x34: {  	s26 =	simm.s32 $0x380;
	[sflag:s24] =	ssyncadd.s32 $0xFFFFC000  }
0x35: {  	[tilespmem:s11], [sflag:$0x4] =	stream.indirect.gather [hbm4b:s2+s5], $0x80, s26, s5, $0xb8;
	[tilespmem:$0x10400] =	vst v63  }
0x36: {  	_ =	swait.ge [sflag:s12], $0x4000  }
0x37: {  	[sflag:s12] =	ssyncset.done $0x0  }
0x38: {  	s28 =	sadd.s32 $0x184C00, s31;
	[sflag:s12] =	ssyncadd.s32 $0xFFFFC000  }
0x39: {  	[hbm4b:s28+s3] =	stream.linear.scatter [tilespmem:s6], [sflag:$0x5], $0x4000, $0x38;
	[tilespmem:$0x10400] =	vst v63  }
0x3a: {  	_ =	swait.ge [sflag:s15], $0x4000  }
0x3b: {  	[sflag:s15] =	ssyncset.done $0x0  }
0x3c: {  	s29 =	sadd.s32 $0x185400, s31;
	[sflag:s15] =	ssyncadd.s32 $0xFFFFC000  }
0x3d: {  	[hbm4b:s29+s3] =	stream.linear.scatter [tilespmem:s7], [sflag:$0x6], $0x4000, $0x38;
	[tilespmem:$0x10400] =	vst v63  }
0x3e: {  	_ =	swait.ge [sflag:s19], $0x4000  }
0x3f: {  	[sflag:s19] =	ssyncset.done $0x0  }
0x40: {  	s30 =	sadd.s32 $0x185C00, s31;
	[sflag:s19] =	ssyncadd.s32 $0xFFFFC000  }
0x41: {  	[hbm4b:s30+s3] =	stream.linear.scatter [tilespmem:s9], [sflag:$0x7], $0x4000, $0x38;
	[tilespmem:$0x10400] =	vst v63  }
0x42: {  	_ =	swait.ge [sflag:s23], $0x4000  }
0x43: {  	[sflag:s23] =	ssyncset.done $0x0  }
0x44: {  	s31 =	sadd.s32 $0x186400, s31;
	[sflag:s23] =	ssyncadd.s32 $0xFFFFC000  }
0x45: {  	[hbm4b:s31+s3] =	stream.linear.scatter [tilespmem:s11], [sflag:$0x8], $0x4000, $0x38;
	[tilespmem:$0x10400] =	vst v63  }
0x46: {  	s1 =	ssub.s32 $0x2, s1;
	_ =	swait.ge [sflag:s13], $0x4000  }
0x47: {  	s0 =	sshrl.u32 s1, $0x1;
	[sflag:s13] =	ssyncset.done $0x0  }
0x48: {  	s0 =	ssub.s32 s1, s0;
	[sflag:s13] =	ssyncadd.s32 $0xFFFFC000  }
0x49: {  	s0 =	smax.u32 s0, $0x1;
	_ =	swait.ge [sflag:s17], $0x4000  }
0x4a: {  	p0 =	sne.s32 s0, $0x1;
	[sflag:s17] =	ssyncset.done $0x0  }
.Ltmp0:
0x4b: {  	[sflag:s17] =	ssyncadd.s32 $0xFFFFC000;
	(pc) =	sbr.rel @!p0 .LBB2_2-.Ltmp0, $4  }
0x4c: {  	_ =	swait.ge [sflag:s21], $0x4000  }
0x4d: {  	[sflag:s21] =	ssyncset.done $0x0  }
0x4e: {  	[sflag:s21] =	ssyncadd.s32 $0xFFFFC000  }
0x4f: {  	s1 =	sadd.s32 $0xFFFFFFFF, s0;
	_ =	swait.ge [sflag:s24], $0x4000  }
.LBB2_1:
0x50: {  	[sflag:s24] =	ssyncset.done $0x0  }
0x51: {  	s0 =	rddreg [dreg:$0x4];
	[sflag:s24] =	ssyncadd.s32 $0xFFFFC000  }
0x52: {  	[tilespmem:s3], [sflag:$0x9] =	stream.linear.gather [hbm4b:s0+s3], $0x400, $0x38;
	[tilespmem:$0x10400] =	vst v63  }
0x53: {  	_ =	swait.ge [sflag:s4], $0x400  }
0x54: {  	[sflag:s4] =	ssyncset.done $0x0  }
0x55: {  	[sflag:s4] =	ssyncadd.s32 $0xFFFFFC00  }
0x56: {  	[tilespmem:s6], [sflag:$0x1] =	stream.indirect.gather [hbm4b:s2+s5], $0x80, s3, s5, $0xb8;
	[tilespmem:$0x10400] =	vst v63  }
0x57: {  	_ = 	snop  }
0x58: {  	[tilespmem:s7], [sflag:$0x2] =	stream.indirect.gather [hbm4b:s2+s5], $0x80, s5, s5, $0xb8;
	[tilespmem:$0x10400] =	vst v63  }
0x59: {  	_ = 	snop  }
0x5a: {  	[tilespmem:s9], [sflag:$0x3] =	stream.indirect.gather [hbm4b:s2+s5], $0x80, s8, s5, $0xb8;
	[tilespmem:$0x10400] =	vst v63  }
0x5b: {  	_ = 	snop  }
0x5c: {  	[tilespmem:s11], [sflag:$0x4] =	stream.indirect.gather [hbm4b:s2+s5], $0x80, s10, s5, $0xb8;
	[tilespmem:$0x10400] =	vst v63  }
0x5d: {  	_ =	swait.ge [sflag:s12], $0x4000  }
0x5e: {  	[sflag:s12] =	ssyncset.done $0x0  }
0x5f: {  	s0 =	rddreg [dreg:$0x5];
	[sflag:s12] =	ssyncadd.s32 $0xFFFFC000  }
0x60: {  	[hbm4b:s0+s3] =	stream.linear.scatter [tilespmem:s6], [sflag:$0x5], $0x4000, $0x38;
	[tilespmem:$0x10400] =	vst v63  }
0x61: {  	_ =	swait.ge [sflag:s13], $0x4000  }
0x62: {  	[sflag:s13] =	ssyncset.done $0x0  }
0x63: {  	[sflag:s13] =	ssyncadd.s32 $0xFFFFC000  }
0x64: {  	[tilespmem:s6], [sflag:$0x1] =	stream.indirect.gather [hbm4b:s2+s5], $0x80, s14, s5, $0xb8;
	[tilespmem:$0x10400] =	vst v63  }
0x65: {  	_ =	swait.ge [sflag:s15], $0x4000  }
0x66: {  	[sflag:s15] =	ssyncset.done $0x0  }
0x67: {  	[sflag:s15] =	ssyncadd.s32 $0xFFFFC000  }
0x68: {  	[hbm4b:s16+s3] =	stream.linear.scatter [tilespmem:s7], [sflag:$0x6], $0x4000, $0x38;
	[tilespmem:$0x10400] =	vst v63  }
0x69: {  	_ =	swait.ge [sflag:s17], $0x4000  }
0x6a: {  	[sflag:s17] =	ssyncset.done $0x0  }
0x6b: {  	[sflag:s17] =	ssyncadd.s32 $0xFFFFC000  }
0x6c: {  	[tilespmem:s7], [sflag:$0x2] =	stream.indirect.gather [hbm4b:s2+s5], $0x80, s18, s5, $0xb8;
	[tilespmem:$0x10400] =	vst v63  }
0x6d: {  	_ =	swait.ge [sflag:s19], $0x4000  }
0x6e: {  	[sflag:s19] =	ssyncset.done $0x0  }
0x6f: {  	[sflag:s19] =	ssyncadd.s32 $0xFFFFC000  }
0x70: {  	[hbm4b:s20+s3] =	stream.linear.scatter [tilespmem:s9], [sflag:$0x7], $0x4000, $0x38;
	[tilespmem:$0x10400] =	vst v63  }
0x71: {  	_ =	swait.ge [sflag:s21], $0x4000  }
0x72: {  	[sflag:s21] =	ssyncset.done $0x0  }
0x73: {  	[sflag:s21] =	ssyncadd.s32 $0xFFFFC000  }
0x74: {  	[tilespmem:s9], [sflag:$0x3] =	stream.indirect.gather [hbm4b:s2+s5], $0x80, s22, s5, $0xb8;
	[tilespmem:$0x10400] =	vst v63  }
0x75: {  	_ =	swait.ge [sflag:s23], $0x4000  }
0x76: {  	[sflag:s23] =	ssyncset.done $0x0  }
0x77: {  	[sflag:s23] =	ssyncadd.s32 $0xFFFFC000  }
0x78: {  	[hbm4b:s25+s3] =	stream.linear.scatter [tilespmem:s11], [sflag:$0x8], $0x4000, $0x38;
	[tilespmem:$0x10400] =	vst v63  }
0x79: {  	_ =	swait.ge [sflag:s24], $0x4000  }
0x7a: {  	[sflag:s24] =	ssyncset.done $0x0  }
0x7b: {  	[sflag:s24] =	ssyncadd.s32 $0xFFFFC000  }
0x7c: {  	[tilespmem:s11], [sflag:$0x4] =	stream.indirect.gather [hbm4b:s2+s5], $0x80, s26, s5, $0xb8;
	[tilespmem:$0x10400] =	vst v63  }
0x7d: {  	_ =	swait.ge [sflag:s12], $0x4000  }
0x7e: {  	[sflag:s12] =	ssyncset.done $0x0  }
0x7f: {  	[sflag:s12] =	ssyncadd.s32 $0xFFFFC000  }
0x80: {  	[hbm4b:s28+s3] =	stream.linear.scatter [tilespmem:s6], [sflag:$0x5], $0x4000, $0x38;
	[tilespmem:$0x10400] =	vst v63  }
0x81: {  	_ =	swait.ge [sflag:s15], $0x4000  }
0x82: {  	[sflag:s15] =	ssyncset.done $0x0  }
0x83: {  	[sflag:s15] =	ssyncadd.s32 $0xFFFFC000  }
0x84: {  	[hbm4b:s29+s3] =	stream.linear.scatter [tilespmem:s7], [sflag:$0x6], $0x4000, $0x38;
	[tilespmem:$0x10400] =	vst v63  }
0x85: {  	_ =	swait.ge [sflag:s19], $0x4000  }
0x86: {  	[sflag:s19] =	ssyncset.done $0x0  }
0x87: {  	[sflag:s19] =	ssyncadd.s32 $0xFFFFC000  }
0x88: {  	[hbm4b:s30+s3] =	stream.linear.scatter [tilespmem:s9], [sflag:$0x7], $0x4000, $0x38;
	[tilespmem:$0x10400] =	vst v63  }
0x89: {  	_ =	swait.ge [sflag:s23], $0x4000  }
0x8a: {  	[sflag:s23] =	ssyncset.done $0x0  }
0x8b: {  	[sflag:s23] =	ssyncadd.s32 $0xFFFFC000  }
0x8c: {  	[hbm4b:s31+s3] =	stream.linear.scatter [tilespmem:s11], [sflag:$0x8], $0x4000, $0x38;
	[tilespmem:$0x10400] =	vst v63  }
0x8d: {  	_ =	swait.ge [sflag:s13], $0x4000  }
0x8e: {  	[sflag:s13] =	ssyncset.done $0x0  }
0x8f: {  	[sflag:s13] =	ssyncadd.s32 $0xFFFFC000  }
0x90: {  	_ =	swait.ge [sflag:s17], $0x4000  }
0x91: {  	p0 =	sne.s32 s1, $0x1;
	[sflag:s17] =	ssyncset.done $0x0  }
.Ltmp1:
0x92: {  	[sflag:s17] =	ssyncadd.s32 $0xFFFFC000;
	(pc) =	sbr.rel @p0 .LBB2_1-.Ltmp1, $4  }
0x93: {  	_ =	swait.ge [sflag:s21], $0x4000  }
0x94: {  	[sflag:s21] =	ssyncset.done $0x0  }
0x95: {  	[sflag:s21] =	ssyncadd.s32 $0xFFFFC000  }
0x96: {  	s1 =	sadd.s32 $0xFFFFFFFF, s1;
	_ =	swait.ge [sflag:s24], $0x4000  }
.LBB2_2:
0x97: {  	[sflag:s24] =	ssyncset.done $0x0  }
0x98: {  	[sflag:s24] =	ssyncadd.s32 $0xFFFFC000  }
0x99: {  	_ =	sfence.sel $0x180000  }
0x9a: {  	[bflag:$0x0] =	sbarrier.arrive $0xFFFF  }
0x9b: {  	_ =	strace $0x90000050  }
0x9c: {  	s0 =	stileid.u32;
	[bflag:$0x2] =	sbarrier.arrive $0xFFFF  }
0x9d: {  	p0 =	sne.s32 s0, $0x0;
	s0 =	rddreg [dreg:$0x3]  }
0x9e: {  	s0 =	sadd.s32 @!p0 $0x100000, s0  }
0x9f: {  	[sflag:s0] =	ssyncadd.tile.s32 @!p0 $0x1;
	_ =	shalt  }
.Lfunc_end2:
_tile_overlayer_lowered:
.L_overlay_start_2:
0xa0: {  	(tag) =	ssettag $0x2  }
0xa1: {  	s0 =	rddreg [dreg:$0x0];
	s2 =	stileid.u32  }
0xa2: {  	s1 =	rddreg [dreg:$0x1];
	p0 =	sne.s32 s2, $0x0  }
0xa3: {  	s3 =	rddreg [dreg:$0x2];
	[bflag:$0x3] =	sbarrier.arrive $0xFFFF;
	s2 =	simm.s32 @!p0 $0x1C09  }
0xa4: {  	[timem:s3], [sflag:s2] =	dma.local @!p0 [hbm:s0], s1  }
0xa5: {  	s0 =	simm.s32 @!p0 $0x9  }
0xa6: {  	_ =	swait.ge @!p0 [sflag:s0], s1  }
0xa7: {  	s1 =	ssub.s32 @!p0 $0x0, s1;
	[sflag:s0] =	ssyncset.done @!p0 $0x0  }
0xa8: {  	[sflag:s0] =	ssyncadd.s32 @!p0 s1  }
0xa9: {  	[bflag:$0x3] =	sbarrier.arrive $0xFFFF  }
0xaa: {  	_ =	shalt  }

</sc_bundles>
